<compile_context>
chip_gen: v7x
topology: tpu7x:2x2x1
jax: 0.10.2.dev20260603
libtpu: 0.0.44.dev20260713+nightly
codegen_flags: <defaults>
</compile_context>

<pallas_src>
import functools

import jax
import jax.numpy as jnp
from jax import lax
from jax.experimental import pallas as pl
from jax.experimental.pallas import tpu as pltpu
from jax.experimental.pallas import tpu_sc as plsc

D = 10000
LEVELS = 1024
HALF = 5120
RINGW = 5136
NT = 68
NCHUNK = HALF // 16


def _sc_partials(e_tbl, halo_tbl, idx_flat, k_flat):
    mesh = plsc.VectorSubcoreMesh(core_axis_name="c", subcore_axis_name="s")

    @functools.partial(
        pl.kernel,
        mesh=mesh,
        out_type=jax.ShapeDtypeStruct((32 * HALF,), jnp.float32),
        scratch_types=[
            pltpu.VMEM((272,), jnp.int32),
            pltpu.VMEM((4, HALF), jnp.float32),
            pltpu.VMEM((8, HALF), jnp.float32),
            pltpu.VMEM((8, HALF), jnp.float32),
            pltpu.VMEM((4 * RINGW,), jnp.float32),
            pltpu.VMEM((HALF,), jnp.float32),
            pltpu.SemaphoreType.DMA,
            pltpu.SemaphoreType.DMA,
        ],
    )
    def k(e_hbm, h_hbm, idx_hbm, k_hbm, out_hbm, idx_v, key_v, buf_a, buf_b, ring_v, acc_v, sem_a, sem_b):
        c = lax.axis_index("c")
        s = lax.axis_index("s")
        b = s // 2
        tc = s % 2
        t0 = tc * 64

        pltpu.sync_copy(idx_hbm.at[pl.ds((b * 128 + t0) * 4, 272)], idx_v)
        pltpu.sync_copy(k_hbm.at[pl.ds(c * 4, 4)], key_v)


        zeros = jnp.zeros((16,), jnp.float32)

        def zero_body(j, _):
            o = j * 16
            acc_v[pl.ds(o, 16)] = zeros
            ring_v[pl.ds(o, 16)] = zeros
            ring_v[pl.ds(RINGW + o, 16)] = zeros
            ring_v[pl.ds(2 * RINGW + o, 16)] = zeros
            ring_v[pl.ds(3 * RINGW + o, 16)] = zeros
            return 0

        lax.fori_loop(0, NCHUNK + 1, zero_body, 0)

        NP = NT // 2

        def issue(p, buf, sem):
            idx_sl = idx_v.at[pl.ds(p * 8, 8)]

            @pl.when(c == 0)
            def _():
                pltpu.async_copy(
                    e_hbm.at[idx_sl, pl.ds(0, HALF)], buf, sem)

            @pl.when(c == 1)
            def _():
                pltpu.async_copy(
                    e_hbm.at[idx_sl, pl.ds(4992, 4992)],
                    buf.at[:, pl.ds(0, 4992)], sem)
                pltpu.async_copy(
                    h_hbm.at[idx_sl], buf.at[:, pl.ds(4992, 128)], sem)

        def drain(buf, sem):
            idx_sl = idx_v.at[pl.ds(0, 8)]

            @pl.when(c == 0)
            def _():
                pltpu.make_async_copy(
                    e_hbm.at[idx_sl, pl.ds(0, HALF)], buf, sem).wait()

            @pl.when(c == 1)
            def _():
                pltpu.make_async_copy(
                    e_hbm.at[idx_sl, pl.ds(4992, 4992)],
                    buf.at[:, pl.ds(0, 4992)], sem).wait()
                pltpu.make_async_copy(
                    h_hbm.at[idx_sl], buf.at[:, pl.ds(4992, 128)], sem).wait()

        def compute_pair(g, buf_v):
            i0 = g * 2
            i1 = i0 + 1
            slot0 = (i0 % 4) * RINGW
            slot1 = (i1 % 4) * RINGW
            rn0 = (i0 <= 65) & (t0 + i0 <= 127)
            rn1 = (i1 <= 65) & (t0 + i1 <= 127)

            def bind_chunk(j, subs):
                o = j * 16
                k0 = key_v[0, pl.ds(o, 16)]
                k1 = key_v[1, pl.ds(o, 16)]
                k2 = key_v[2, pl.ds(o, 16)]
                k3 = key_v[3, pl.ds(o, 16)]
                for sub, slot in subs:
                    r0 = sub * 4
                    sv = ((buf_v[r0 + 0, pl.ds(o, 16)] * k0
                           + buf_v[r0 + 1, pl.ds(o, 16)] * k1)
                          + (buf_v[r0 + 2, pl.ds(o, 16)] * k2
                             + buf_v[r0 + 3, pl.ds(o, 16)] * k3))
                    ring_v[pl.ds(slot + o, 16)] = sv

            @pl.when(rn1)
            def _():
                @plsc.parallel_loop(0, NCHUNK, unroll=8)
                def bind_both(j):
                    bind_chunk(j, ((0, slot0), (1, slot1)))

            @pl.when(rn0 & jnp.logical_not(rn1))
            def _():
                @plsc.parallel_loop(0, NCHUNK, unroll=8)
                def bind_first(j):
                    bind_chunk(j, ((0, slot0),))

            for i, rn, slot in ((i0, rn0, slot0), (i1, rn1, slot1)):
                @pl.when(rn & (i >= 2))
                def _(i=i, slot=slot):
                    s0 = ((i - 2) % 4) * RINGW
                    s1 = ((i - 1) % 4) * RINGW
                    s2 = slot

                    @plsc.parallel_loop(0, NCHUNK, unroll=8)
                    def win_body(j):
                        o = j * 16
                        a = ring_v[pl.ds(s0 + o, 16)]
                        bb = ring_v[pl.ds(s1 + o + 1, 16)]
                        cc = ring_v[pl.ds(s2 + o + 2, 16)]
                        plsc.addupdate(acc_v.at[pl.ds(o, 16)], a * bb * cc)

        issue(0, buf_a, sem_a)
        issue(1, buf_b, sem_b)

        def pair_body(h, _):
            drain(buf_a, sem_a)
            compute_pair(2 * h, buf_a)

            @pl.when(2 * h + 2 < NP)
            def _():
                issue(2 * h + 2, buf_a, sem_a)

            drain(buf_b, sem_b)
            compute_pair(2 * h + 1, buf_b)

            @pl.when(2 * h + 3 < NP)
            def _():
                issue(2 * h + 3, buf_b, sem_b)

            return 0

        lax.fori_loop(0, NP // 2, pair_body, 0)

        wid = c * 16 + s
        pltpu.sync_copy(acc_v, out_hbm.at[pl.ds(wid * HALF, HALF)])

    return k(e_tbl, halo_tbl, idx_flat, k_flat)


def kernel(signals, feat, keys_w, embed_w, mfcc_w, sin_w, sin_b):
    xs = jnp.clip(signals, 0.0, 1.0)
    idx = jnp.round(xs * (LEVELS - 1)).astype(jnp.int32)
    idx = jnp.clip(idx, 0, LEVELS - 1).reshape(1024, 4)
    idx = jnp.pad(idx, ((0, 8), (0, 0)))
    idx_flat = idx.reshape(-1)

    halo_tbl = jnp.concatenate([embed_w[:, 9984:], embed_w[:, :112]], axis=1)
    k_flat = jnp.concatenate(
        [keys_w[:, :HALF],
         jnp.concatenate([keys_w[:, 4992:], keys_w[:, :112]], axis=1)], axis=0)
    partials = _sc_partials(embed_w, halo_tbl, idx_flat, k_flat)

    u = partials.reshape(2, 16, HALF).sum(axis=1)
    u = jnp.concatenate([u[0, :5000], u[1, 8:5008]])
    s_hv = jnp.roll(u, 2)

    fh = {}
    for si in (0, 3, 4, 5, 6, 11, 12, 15, 17):
        x = feat[546 + 3 * si: 549 + 3 * si]
        proj = sin_w[si] @ x
        fh[si] = jnp.cos(proj + sin_b[si]) * jnp.sin(proj)
    f = ((fh[0] + fh[15] + fh[17]) * (fh[3] + fh[4] + fh[5])
         * fh[6] * (fh[11] + fh[12]))

    return jnp.where((s_hv != 0) & (f > 0), 1.0, -1.0).astype(jnp.float32)

# --- scband reference (transcript-rebuilt; emitter-appended) ---
"""Pipeline reference for scband-hdc-generic-encoder-71279277245090 (READ-ONLY COPY).

The authoritative reference and input builder live on the scoring server;
editing this copy changes nothing except your own understanding.
"""

import jax, jax.numpy as jnp
import numpy as np

NGRAM_SIZE = 3
NUM_CHANNEL = 4
LEVELS = 1024
MFCC_LEVELS = 1000
D = 10000

MFCC_IDX = np.array([14, 15, 16, 17, 18, 20, 22, 24, 26, 27, 28, 29, 31, 37, 38, 39, 105, 106, 107, 108, 109, 111, 113, 115, 117, 118, 120, 128, 129, 130, 196, 197, 198, 199, 200, 201, 202, 203, 204, 206, 208, 209, 210, 211, 212, 213, 219, 220, 221, 285, 287, 288, 289, 290, 291, 293, 295, 297, 299, 300, 301, 302, 310, 311, 312, 374, 376, 378, 379, 380, 381, 382, 384, 386, 388, 390, 391, 392, 393, 395, 401, 402, 403, 467, 469, 470, 471, 472, 473, 474, 475, 477, 479, 481, 482, 483, 484, 486, 492, 494])


def _bipolar(key, shape):
    return jnp.where(jax.random.bernoulli(key, 0.5, shape), 1.0, -1.0).astype(jnp.float32)


def _level_lookup(weight, x, low=0.0, high=1.0):
    # torchhd embeddings.Level forward: map value -> level index -> table gather
    n = weight.shape[0]
    xs = jax.lax.stop_gradient(x)
    idx = jnp.round((jnp.clip(xs, low, high) - low) / (high - low) * (n - 1)).astype(jnp.int32)
    idx = jnp.clip(idx, 0, n - 1)
    return jnp.take(weight, idx, axis=0)


def _ngrams(x, n):
    # torchhd.ngrams: bind rotated shifted windows, then multiset over time
    ng = jnp.roll(x[..., : x.shape[-2] - (n - 1), :], n - 1, axis=-1)
    for i in range(1, n - 1):
        stop = i - (n - 1)
        ng = ng * jnp.roll(x[..., i:stop, :], n - 1 - i, axis=-1)
    ng = ng * x[..., n - 1 :, :]
    return ng.sum(axis=-2)


def _generic(keys_w, values, n):
    # bind channel keys with level hvs, multiset over channels, ngrams over time
    sample = (keys_w * values).sum(axis=-2)
    return _ngrams(sample, n)


def setup_inputs(seed: int = 0):
    key = jax.random.key(seed)
    ks = jax.random.split(key, 8)
    signals = jax.random.uniform(ks[0], (8, 128, NUM_CHANNEL), dtype=jnp.float32)
    feat = jax.random.normal(ks[1], (600,), dtype=jnp.float32)
    keys_w = _bipolar(ks[2], (NUM_CHANNEL, D))
    embed_w = _bipolar(ks[3], (LEVELS, D))
    mfcc_w = _bipolar(ks[4], (MFCC_LEVELS, D))
    sin_w = jax.random.normal(ks[5], (18, D, 3), dtype=jnp.float32)
    sin_b = jax.random.uniform(ks[6], (18, D), dtype=jnp.float32, minval=0.0, maxval=2.0 * np.pi)
    return {"signals": signals, "feat": feat, "keys_w": keys_w, "embed_w": embed_w, "mfcc_w": mfcc_w, "sin_w": sin_w, "sin_b": sin_b}


def reference(signals, feat, keys_w, embed_w, mfcc_w, sin_w, sin_b):
    sample_hvs = _generic(keys_w, _level_lookup(embed_w, signals), NGRAM_SIZE)
    sample_hv = sample_hvs.sum(axis=-2)  # torchhd.multiset
    feat_hvs = {}
    for s in range(18):
        x = feat[546 + 3 * s : 549 + 3 * s]
        proj = sin_w[s] @ x  # Sinusoid projection
        feat_hvs[s] = jnp.cos(proj + sin_b[s]) * jnp.sin(proj)
    mfcc_feat = feat[MFCC_IDX]
    mfcc_feat = mfcc_feat / jnp.maximum(jnp.linalg.norm(mfcc_feat), 1e-12)  # F.normalize dim=0
    mfcc_hvs = jnp.tanh(_level_lookup(mfcc_w, mfcc_feat))  # soft_quantize(Level(...))
    mfcc_hv = jnp.prod(mfcc_hvs, axis=-2)  # torchhd.multibind
    sample_hv = sample_hv * ((feat_hvs[0] + feat_hvs[15] + feat_hvs[17]) * (feat_hvs[3] + feat_hvs[4] + feat_hvs[5]) * feat_hvs[6] * (feat_hvs[11] + feat_hvs[12])) * (sample_hv + mfcc_hv)
    sample_hv = jnp.where(sample_hv > 0.0, 1.0, -1.0)  # hard_quantize
    return sample_hv.flatten()

if __name__ == "__main__":
    import jax
    _d = setup_inputs()
    print(jax.jit(kernel)(*tuple(_d.values())))

</pallas_src>

<mosaic_0001>
#map = affine_map<(d0, d1) -> (0, 0)>
#map1 = affine_map<(d0, d1) -> (0)>
module attributes {stable_mosaic.version = 14 : i64} {
  func.func @k(%arg0: i32, %arg1: i32, %arg2: memref<1024x10000xf32, #tpu.memory_space<hbm>>, %arg3: memref<1024x128xf32, #tpu.memory_space<hbm>>, %arg4: memref<4128xi32, #tpu.memory_space<hbm>>, %arg5: memref<8x5120xf32, #tpu.memory_space<hbm>>, %arg6: memref<163840xf32, #tpu.memory_space<hbm>>, %arg7: memref<272xi32, #tpu.memory_space<vmem>>, %arg8: memref<4x5120xf32, #tpu.memory_space<vmem>>, %arg9: memref<8x5120xf32, #tpu.memory_space<vmem>>, %arg10: memref<8x5120xf32, #tpu.memory_space<vmem>>, %arg11: memref<20544xf32, #tpu.memory_space<vmem>>, %arg12: memref<5120xf32, #tpu.memory_space<vmem>>, %arg13: memref<!tpu.dma_semaphore, #tpu.memory_space<semaphore_mem>>, %arg14: memref<!tpu.dma_semaphore, #tpu.memory_space<semaphore_mem>>) attributes {dimension_semantics = [#tpu.dimension_semantics<core_parallel>, #tpu.dimension_semantics<subcore_parallel>], iteration_bounds = array<i64: 2, 16>, scalar_prefetch = 0 : i64, scratch_operands = 8 : i64, tpu.core_type = #tpu.core_type<sc_vector_subcore>, window_params = [{transform_indices = #map}, {transform_indices = #map}, {transform_indices = #map1}, {transform_indices = #map}, {transform_indices = #map1}]} {
    %jit3A = arith.constant 2 : i32
    %div3A = arith.divsi %arg1, %jit3A : i32
    %sign3A = arith.constant 0 : i32
    %sign3A_0 = arith.cmpi sgt, %arg1, %sign3A : i32
    %sign3A_1 = arith.extui %sign3A_0 : i1 to i32
    %sign3A_2 = arith.constant 0 : i32
    %sign3A_3 = arith.cmpi slt, %arg1, %sign3A_2 : i32
    %sign3A_4 = arith.extui %sign3A_3 : i1 to i32
    %sign3A_5 = arith.subi %sign3A_1, %sign3A_4 : i32
    %sign3A_6 = arith.constant 0 : i32
    %sign3A_7 = arith.cmpi sgt, %jit3A, %sign3A_6 : i32
    %sign3A_8 = arith.extui %sign3A_7 : i1 to i32
    %sign3A_9 = arith.constant 0 : i32
    %sign3A_10 = arith.cmpi slt, %jit3A, %sign3A_9 : i32
    %sign3A_11 = arith.extui %sign3A_10 : i1 to i32
    %sign3A_12 = arith.subi %sign3A_8, %sign3A_11 : i32
    %ne3A = arith.cmpi ne, %sign3A_5, %sign3A_12 : i32
    %rem3A = arith.remsi %arg1, %jit3A : i32
    %ne3A_13 = arith.constant 0 : i32
    %ne3A_14 = arith.cmpi ne, %rem3A, %ne3A_13 : i32
    %and3A = arith.andi %ne3A, %ne3A_14 : i1
    %sub3A = arith.constant 1 : i32
    %sub3A_15 = arith.subi %div3A, %sub3A : i32
    %select_n3A = arith.select %and3A, %sub3A_15, %div3A : i32
    %jit3A_16 = arith.constant 2 : i32
    %eq3A = arith.constant 0 : i32
    %eq3A_17 = arith.cmpi eq, %jit3A_16, %eq3A : i32
    %jit3A_18 = arith.constant 1 : i32
    %select_n3A_19 = arith.select %eq3A_17, %jit3A_18, %jit3A_16 : i32
    %rem3A_20 = arith.remsi %arg1, %select_n3A_19 : i32
    %ne3A_21 = arith.constant 0 : i32
    %ne3A_22 = arith.cmpi ne, %rem3A_20, %ne3A_21 : i32
    %lt3A = arith.constant 0 : i32
    %lt3A_23 = arith.cmpi slt, %rem3A_20, %lt3A : i32
    %lt3A_24 = arith.constant 0 : i32
    %lt3A_25 = arith.cmpi slt, %select_n3A_19, %lt3A_24 : i32
    %ne3A_26 = arith.xori %lt3A_23, %lt3A_25 : i1
    %and3A_27 = arith.andi %ne3A_26, %ne3A_22 : i1
    %add3A = arith.addi %rem3A_20, %select_n3A_19 : i32
    %select_n3A_28 = arith.select %and3A_27, %add3A, %rem3A_20 : i32
    %mul3A = arith.constant 64 : i32
    %mul3A_29 = arith.muli %select_n3A_28, %mul3A : i32
    %mul3A_30 = arith.constant 128 : i32
    %mul3A_31 = arith.muli %select_n3A, %mul3A_30 : i32
    %add3A_32 = arith.addi %mul3A_31, %mul3A_29 : i32
    %mul3A_33 = arith.constant 4 : i32
    %mul3A_34 = arith.muli %add3A_32, %mul3A_33 : i32
    "tpu.region"() ({
      %run_scoped3A = tpu.sem_alloc : memref<!tpu.dma_semaphore, #tpu.memory_space<semaphore_mem>>
      %dma_start3A = tpu.memref_slice %arg4[%mul3A_34] : memref<4128xi32, #tpu.memory_space<hbm>> -> memref<272xi32, #tpu.memory_space<hbm>>
      %dma_start3A_74 = tpu.memref_slice %arg4[%mul3A_34] : memref<4128xi32, #tpu.memory_space<hbm>> -> memref<272xi32, #tpu.memory_space<hbm>>
      tpu.enqueue_dma source(%dma_start3A_74 : memref<272xi32, #tpu.memory_space<hbm>>) target(%arg7 : memref<272xi32, #tpu.memory_space<vmem>>) target_semaphore(%run_scoped3A : memref<!tpu.dma_semaphore, #tpu.memory_space<semaphore_mem>>)
      %dma_wait3A = tpu.memref_slice %arg4[%mul3A_34] : memref<4128xi32, #tpu.memory_space<hbm>> -> memref<272xi32, #tpu.memory_space<hbm>>
      %dma_wait3A_75 = tpu.memref_slice %arg4[%mul3A_34] : memref<4128xi32, #tpu.memory_space<hbm>> -> memref<272xi32, #tpu.memory_space<hbm>>
      tpu.wait_dma2 semaphore(%run_scoped3A : memref<!tpu.dma_semaphore, #tpu.memory_space<semaphore_mem>>) src(%dma_wait3A_75 : memref<272xi32, #tpu.memory_space<hbm>>) dst(%arg7 : memref<272xi32, #tpu.memory_space<vmem>>)
      tpu.yield
    }) : () -> ()
    %mul3A_35 = arith.constant 4 : i32
    %mul3A_36 = arith.muli %arg0, %mul3A_35 : i32
    "tpu.region"() ({
      %run_scoped3A = tpu.sem_alloc : memref<!tpu.dma_semaphore, #tpu.memory_space<semaphore_mem>>
      %dma_start3A = arith.constant 0 : i32
      %dma_start3A_74 = tpu.memref_slice %arg5[%mul3A_36, %dma_start3A] : memref<8x5120xf32, #tpu.memory_space<hbm>> -> memref<4x5120xf32, #tpu.memory_space<hbm>>
      %dma_start3A_75 = arith.constant 0 : i32
      %dma_start3A_76 = tpu.memref_slice %arg5[%mul3A_36, %dma_start3A_75] : memref<8x5120xf32, #tpu.memory_space<hbm>> -> memref<4x5120xf32, #tpu.memory_space<hbm>>
      tpu.enqueue_dma source(%dma_start3A_76 : memref<4x5120xf32, #tpu.memory_space<hbm>>) target(%arg8 : memref<4x5120xf32, #tpu.memory_space<vmem>>) target_semaphore(%run_scoped3A : memref<!tpu.dma_semaphore, #tpu.memory_space<semaphore_mem>>)
      %dma_wait3A = arith.constant 0 : i32
      %dma_wait3A_77 = tpu.memref_slice %arg5[%mul3A_36, %dma_wait3A] : memref<8x5120xf32, #tpu.memory_space<hbm>> -> memref<4x5120xf32, #tpu.memory_space<hbm>>
      %dma_wait3A_78 = arith.constant 0 : i32
      %dma_wait3A_79 = tpu.memref_slice %arg5[%mul3A_36, %dma_wait3A_78] : memref<8x5120xf32, #tpu.memory_space<hbm>> -> memref<4x5120xf32, #tpu.memory_space<hbm>>
      tpu.wait_dma2 semaphore(%run_scoped3A : memref<!tpu.dma_semaphore, #tpu.memory_space<semaphore_mem>>) src(%dma_wait3A_79 : memref<4x5120xf32, #tpu.memory_space<hbm>>) dst(%arg8 : memref<4x5120xf32, #tpu.memory_space<vmem>>)
      tpu.yield
    }) : () -> ()
    %broadcast_in_dim3A = arith.constant 0.000000e+00 : f32
    %broadcast_in_dim3A_37 = vector.broadcast %broadcast_in_dim3A : f32 to vector<16xf32>
    %scan3A = arith.constant 0 : i32
    %scan3A_38 = arith.constant 0 : i32
    %scan3A_39 = arith.constant 321 : i32
    %scan3A_40 = arith.addi %scan3A_38, %scan3A_39 : i32
    %scan3A_41 = arith.constant 1 : i32
    %scan3A_42 = scf.for %scan3A_74 = %scan3A_38 to %scan3A_40 step %scan3A_41 iter_args(%scan3A_75 = %scan3A) -> (i32)  : i32 {
      %mul3A_76 = arith.constant 16 : i32
      %mul3A_77 = arith.muli %scan3A_74, %mul3A_76 : i32
      %swap3A = arith.index_cast %mul3A_77 : i32 to index
      %swap3A_78 = tpu.vector_load %arg12[%swap3A] {strides = array<i32>} : memref<5120xf32, #tpu.memory_space<vmem>>, vector<16xf32>,
      %swap3A_79 = vector.shape_cast %swap3A_78 : vector<16xf32> to vector<16xf32>
      %swap3A_80 = vector.shape_cast %broadcast_in_dim3A_37 : vector<16xf32> to vector<16xf32>
      tpu.vector_store %arg12[%swap3A], %swap3A_80 {strides = array<i32>} : memref<5120xf32, #tpu.memory_space<vmem>>, vector<16xf32>,
      %swap3A_81 = arith.index_cast %mul3A_77 : i32 to index
      %swap3A_82 = tpu.vector_load %arg11[%swap3A_81] {strides = array<i32>} : memref<20544xf32, #tpu.memory_space<vmem>>, vector<16xf32>,
      %swap3A_83 = vector.shape_cast %swap3A_82 : vector<16xf32> to vector<16xf32>
      %swap3A_84 = vector.shape_cast %broadcast_in_dim3A_37 : vector<16xf32> to vector<16xf32>
      tpu.vector_store %arg11[%swap3A_81], %swap3A_84 {strides = array<i32>} : memref<20544xf32, #tpu.memory_space<vmem>>, vector<16xf32>,
      %add3A_85 = arith.constant 5136 : i32
      %add3A_86 = arith.addi %add3A_85, %mul3A_77 : i32
      %swap3A_87 = arith.index_cast %add3A_86 : i32 to index
      %swap3A_88 = tpu.vector_load %arg11[%swap3A_87] {strides = array<i32>} : memref<20544xf32, #tpu.memory_space<vmem>>, vector<16xf32>,
      %swap3A_89 = vector.shape_cast %swap3A_88 : vector<16xf32> to vector<16xf32>
      %swap3A_90 = vector.shape_cast %broadcast_in_dim3A_37 : vector<16xf32> to vector<16xf32>
      tpu.vector_store %arg11[%swap3A_87], %swap3A_90 {strides = array<i32>} : memref<20544xf32, #tpu.memory_space<vmem>>, vector<16xf32>,
      %add3A_91 = arith.constant 10272 : i32
      %add3A_92 = arith.addi %add3A_91, %mul3A_77 : i32
      %swap3A_93 = arith.index_cast %add3A_92 : i32 to index
      %swap3A_94 = tpu.vector_load %arg11[%swap3A_93] {strides = array<i32>} : memref<20544xf32, #tpu.memory_space<vmem>>, vector<16xf32>,
      %swap3A_95 = vector.shape_cast %swap3A_94 : vector<16xf32> to vector<16xf32>
      %swap3A_96 = vector.shape_cast %broadcast_in_dim3A_37 : vector<16xf32> to vector<16xf32>
      tpu.vector_store %arg11[%swap3A_93], %swap3A_96 {strides = array<i32>} : memref<20544xf32, #tpu.memory_space<vmem>>, vector<16xf32>,
      %add3A_97 = arith.constant 15408 : i32
      %add3A_98 = arith.addi %add3A_97, %mul3A_77 : i32
      %swap3A_99 = arith.index_cast %add3A_98 : i32 to index
      %swap3A_100 = tpu.vector_load %arg11[%swap3A_99] {strides = array<i32>} : memref<20544xf32, #tpu.memory_space<vmem>>, vector<16xf32>,
      %swap3A_101 = vector.shape_cast %swap3A_100 : vector<16xf32> to vector<16xf32>
      %swap3A_102 = vector.shape_cast %broadcast_in_dim3A_37 : vector<16xf32> to vector<16xf32>
      tpu.vector_store %arg11[%swap3A_99], %swap3A_102 {strides = array<i32>} : memref<20544xf32, #tpu.memory_space<vmem>>, vector<16xf32>,
      %scan3A_103 = arith.constant 0 : i32
      scf.yield %scan3A_103 : i32
    }
    %scan3A_43 = arith.constant 321 : i32
    %eq3A_44 = arith.constant 0 : i32
    %eq3A_45 = arith.cmpi eq, %arg0, %eq3A_44 : i32
    %convert_element_type3A = arith.extui %eq3A_45 : i1 to i32
    %cond3A = arith.constant 0 : i32
    %cond3A_46 = arith.cmpi ne, %convert_element_type3A, %cond3A : i32
    scf.if %cond3A_46 {
      %dma_start3A = arith.constant 0 : i32
      %dma_start3A_74 = tpu.memref_slice %arg7[%dma_start3A] : memref<272xi32, #tpu.memory_space<vmem>> -> memref<8xi32, #tpu.memory_space<vmem>>
      %dma_start3A_75 = arith.constant 0 : i32
      %dma_start3A_76 = arith.constant 0 : i32
      %dma_start3A_77 = tpu.memref_slice %arg2[%dma_start3A_75, %dma_start3A_76] : memref<1024x10000xf32, #tpu.memory_space<hbm>> -> memref<1024x5120xf32, #tpu.memory_space<hbm>>
      tpu.enqueue_indirect_dma source(%dma_start3A_77 : memref<1024x5120xf32, #tpu.memory_space<hbm>>) target(%arg9 : memref<8x5120xf32, #tpu.memory_space<vmem>>) offsets(%dma_start3A_74 : memref<8xi32, #tpu.memory_space<vmem>>) semaphore(%arg13 : memref<!tpu.dma_semaphore, #tpu.memory_space<semaphore_mem>>)
    } else {
    }
    %eq3A_47 = arith.constant 1 : i32
    %eq3A_48 = arith.cmpi eq, %arg0, %eq3A_47 : i32
    %convert_element_type3A_49 = arith.extui %eq3A_48 : i1 to i32
    %cond3A_50 = arith.constant 0 : i32
    %cond3A_51 = arith.cmpi ne, %convert_element_type3A_49, %cond3A_50 : i32
    scf.if %cond3A_51 {
      %dma_start3A = arith.constant 0 : i32
      %dma_start3A_74 = arith.constant 0 : i32
      %dma_start3A_75 = tpu.memref_slice %arg9[%dma_start3A, %dma_start3A_74] : memref<8x5120xf32, #tpu.memory_space<vmem>> -> memref<8x4992xf32, #tpu.memory_space<vmem>>
      %dma_start3A_76 = arith.constant 0 : i32
      %dma_start3A_77 = tpu.memref_slice %arg7[%dma_start3A_76] : memref<272xi32, #tpu.memory_space<vmem>> -> memref<8xi32, #tpu.memory_space<vmem>>
      %dma_start3A_78 = arith.constant 0 : i32
      %dma_start3A_79 = arith.constant 4992 : i32
      %dma_start3A_80 = tpu.memref_slice %arg2[%dma_start3A_78, %dma_start3A_79] : memref<1024x10000xf32, #tpu.memory_space<hbm>> -> memref<1024x4992xf32, #tpu.memory_space<hbm>>
      tpu.enqueue_indirect_dma source(%dma_start3A_80 : memref<1024x4992xf32, #tpu.memory_space<hbm>>) target(%dma_start3A_75 : memref<8x4992xf32, #tpu.memory_space<vmem>>) offsets(%dma_start3A_77 : memref<8xi32, #tpu.memory_space<vmem>>) semaphore(%arg13 : memref<!tpu.dma_semaphore, #tpu.memory_space<semaphore_mem>>)
      %dma_start3A_81 = arith.constant 0 : i32
      %dma_start3A_82 = arith.constant 4992 : i32
      %dma_start3A_83 = tpu.memref_slice %arg9[%dma_start3A_81, %dma_start3A_82] : memref<8x5120xf32, #tpu.memory_space<vmem>> -> memref<8x128xf32, #tpu.memory_space<vmem>>
      %dma_start3A_84 = arith.constant 0 : i32
      %dma_start3A_85 = tpu.memref_slice %arg7[%dma_start3A_84] : memref<272xi32, #tpu.memory_space<vmem>> -> memref<8xi32, #tpu.memory_space<vmem>>
      %dma_start3A_86 = arith.constant 0 : i32
      %dma_start3A_87 = arith.constant 0 : i32
      %dma_start3A_88 = tpu.memref_slice %arg3[%dma_start3A_86, %dma_start3A_87] : memref<1024x128xf32, #tpu.memory_space<hbm>> -> memref<1024x128xf32, #tpu.memory_space<hbm>>
      tpu.enqueue_indirect_dma source(%dma_start3A_88 : memref<1024x128xf32, #tpu.memory_space<hbm>>) target(%dma_start3A_83 : memref<8x128xf32, #tpu.memory_space<vmem>>) offsets(%dma_start3A_85 : memref<8xi32, #tpu.memory_space<vmem>>) semaphore(%arg13 : memref<!tpu.dma_semaphore, #tpu.memory_space<semaphore_mem>>)
    } else {
    }
    %eq3A_52 = arith.constant 0 : i32
    %eq3A_53 = arith.cmpi eq, %arg0, %eq3A_52 : i32
    %convert_element_type3A_54 = arith.extui %eq3A_53 : i1 to i32
    %cond3A_55 = arith.constant 0 : i32
    %cond3A_56 = arith.cmpi ne, %convert_element_type3A_54, %cond3A_55 : i32
    scf.if %cond3A_56 {
      %dma_start3A = arith.constant 8 : i32
      %dma_start3A_74 = tpu.memref_slice %arg7[%dma_start3A] : memref<272xi32, #tpu.memory_space<vmem>> -> memref<8xi32, #tpu.memory_space<vmem>>
      %dma_start3A_75 = arith.constant 0 : i32
      %dma_start3A_76 = arith.constant 0 : i32
      %dma_start3A_77 = tpu.memref_slice %arg2[%dma_start3A_75, %dma_start3A_76] : memref<1024x10000xf32, #tpu.memory_space<hbm>> -> memref<1024x5120xf32, #tpu.memory_space<hbm>>
      tpu.enqueue_indirect_dma source(%dma_start3A_77 : memref<1024x5120xf32, #tpu.memory_space<hbm>>) target(%arg10 : memref<8x5120xf32, #tpu.memory_space<vmem>>) offsets(%dma_start3A_74 : memref<8xi32, #tpu.memory_space<vmem>>) semaphore(%arg14 : memref<!tpu.dma_semaphore, #tpu.memory_space<semaphore_mem>>)
    } else {
    }
    %eq3A_57 = arith.constant 1 : i32
    %eq3A_58 = arith.cmpi eq, %arg0, %eq3A_57 : i32
    %convert_element_type3A_59 = arith.extui %eq3A_58 : i1 to i32
    %cond3A_60 = arith.constant 0 : i32
    %cond3A_61 = arith.cmpi ne, %convert_element_type3A_59, %cond3A_60 : i32
    scf.if %cond3A_61 {
      %dma_start3A = arith.constant 0 : i32
      %dma_start3A_74 = arith.constant 0 : i32
      %dma_start3A_75 = tpu.memref_slice %arg10[%dma_start3A, %dma_start3A_74] : memref<8x5120xf32, #tpu.memory_space<vmem>> -> memref<8x4992xf32, #tpu.memory_space<vmem>>
      %dma_start3A_76 = arith.constant 8 : i32
      %dma_start3A_77 = tpu.memref_slice %arg7[%dma_start3A_76] : memref<272xi32, #tpu.memory_space<vmem>> -> memref<8xi32, #tpu.memory_space<vmem>>
      %dma_start3A_78 = arith.constant 0 : i32
      %dma_start3A_79 = arith.constant 4992 : i32
      %dma_start3A_80 = tpu.memref_slice %arg2[%dma_start3A_78, %dma_start3A_79] : memref<1024x10000xf32, #tpu.memory_space<hbm>> -> memref<1024x4992xf32, #tpu.memory_space<hbm>>
      tpu.enqueue_indirect_dma source(%dma_start3A_80 : memref<1024x4992xf32, #tpu.memory_space<hbm>>) target(%dma_start3A_75 : memref<8x4992xf32, #tpu.memory_space<vmem>>) offsets(%dma_start3A_77 : memref<8xi32, #tpu.memory_space<vmem>>) semaphore(%arg14 : memref<!tpu.dma_semaphore, #tpu.memory_space<semaphore_mem>>)
      %dma_start3A_81 = arith.constant 0 : i32
      %dma_start3A_82 = arith.constant 4992 : i32
      %dma_start3A_83 = tpu.memref_slice %arg10[%dma_start3A_81, %dma_start3A_82] : memref<8x5120xf32, #tpu.memory_space<vmem>> -> memref<8x128xf32, #tpu.memory_space<vmem>>
      %dma_start3A_84 = arith.constant 8 : i32
      %dma_start3A_85 = tpu.memref_slice %arg7[%dma_start3A_84] : memref<272xi32, #tpu.memory_space<vmem>> -> memref<8xi32, #tpu.memory_space<vmem>>
      %dma_start3A_86 = arith.constant 0 : i32
      %dma_start3A_87 = arith.constant 0 : i32
      %dma_start3A_88 = tpu.memref_slice %arg3[%dma_start3A_86, %dma_start3A_87] : memref<1024x128xf32, #tpu.memory_space<hbm>> -> memref<1024x128xf32, #tpu.memory_space<hbm>>
      tpu.enqueue_indirect_dma source(%dma_start3A_88 : memref<1024x128xf32, #tpu.memory_space<hbm>>) target(%dma_start3A_83 : memref<8x128xf32, #tpu.memory_space<vmem>>) offsets(%dma_start3A_85 : memref<8xi32, #tpu.memory_space<vmem>>) semaphore(%arg14 : memref<!tpu.dma_semaphore, #tpu.memory_space<semaphore_mem>>)
    } else {
    }
    %scan3A_62 = arith.constant 0 : i32
    %scan3A_63 = arith.constant 0 : i32
    %scan3A_64 = arith.constant 17 : i32
    %scan3A_65 = arith.addi %scan3A_63, %scan3A_64 : i32
    %scan3A_66 = arith.constant 1 : i32
    %scan3A_67 = scf.for %scan3A_74 = %scan3A_63 to %scan3A_65 step %scan3A_66 iter_args(%scan3A_75 = %scan3A_62) -> (i32)  : i32 {
      %eq3A_76 = arith.constant 0 : i32
      %eq3A_77 = arith.cmpi eq, %arg0, %eq3A_76 : i32
      %convert_element_type3A_78 = arith.extui %eq3A_77 : i1 to i32
      %cond3A_79 = arith.constant 0 : i32
      %cond3A_80 = arith.cmpi ne, %convert_element_type3A_78, %cond3A_79 : i32
      scf.if %cond3A_80 {
        %dma_wait3A = arith.constant 0 : i32
        %dma_wait3A_264 = tpu.memref_slice %arg7[%dma_wait3A] : memref<272xi32, #tpu.memory_space<vmem>> -> memref<8xi32, #tpu.memory_space<vmem>>
        %dma_wait3A_265 = arith.constant 0 : i32
        %dma_wait3A_266 = arith.constant 0 : i32
        %dma_wait3A_267 = tpu.memref_slice %arg2[%dma_wait3A_265, %dma_wait3A_266] : memref<1024x10000xf32, #tpu.memory_space<hbm>> -> memref<1024x5120xf32, #tpu.memory_space<hbm>>
        tpu.wait_indirect_dma semaphore(%arg13 : memref<!tpu.dma_semaphore, #tpu.memory_space<semaphore_mem>>) src(%dma_wait3A_267 : memref<1024x5120xf32, #tpu.memory_space<hbm>>) dst(%arg9 : memref<8x5120xf32, #tpu.memory_space<vmem>>)
      } else {
      }
      %eq3A_81 = arith.constant 1 : i32
      %eq3A_82 = arith.cmpi eq, %arg0, %eq3A_81 : i32
      %convert_element_type3A_83 = arith.extui %eq3A_82 : i1 to i32
      %cond3A_84 = arith.constant 0 : i32
      %cond3A_85 = arith.cmpi ne, %convert_element_type3A_83, %cond3A_84 : i32
      scf.if %cond3A_85 {
        %dma_wait3A = arith.constant 0 : i32
        %dma_wait3A_264 = arith.constant 0 : i32
        %dma_wait3A_265 = tpu.memref_slice %arg9[%dma_wait3A, %dma_wait3A_264] : memref<8x5120xf32, #tpu.memory_space<vmem>> -> memref<8x4992xf32, #tpu.memory_space<vmem>>
        %dma_wait3A_266 = arith.constant 0 : i32
        %dma_wait3A_267 = tpu.memref_slice %arg7[%dma_wait3A_266] : memref<272xi32, #tpu.memory_space<vmem>> -> memref<8xi32, #tpu.memory_space<vmem>>
        %dma_wait3A_268 = arith.constant 0 : i32
        %dma_wait3A_269 = arith.constant 4992 : i32
        %dma_wait3A_270 = tpu.memref_slice %arg2[%dma_wait3A_268, %dma_wait3A_269] : memref<1024x10000xf32, #tpu.memory_space<hbm>> -> memref<1024x4992xf32, #tpu.memory_space<hbm>>
        tpu.wait_indirect_dma semaphore(%arg13 : memref<!tpu.dma_semaphore, #tpu.memory_space<semaphore_mem>>) src(%dma_wait3A_270 : memref<1024x4992xf32, #tpu.memory_space<hbm>>) dst(%dma_wait3A_265 : memref<8x4992xf32, #tpu.memory_space<vmem>>)
        %dma_wait3A_271 = arith.constant 0 : i32
        %dma_wait3A_272 = arith.constant 4992 : i32
        %dma_wait3A_273 = tpu.memref_slice %arg9[%dma_wait3A_271, %dma_wait3A_272] : memref<8x5120xf32, #tpu.memory_space<vmem>> -> memref<8x128xf32, #tpu.memory_space<vmem>>
        %dma_wait3A_274 = arith.constant 0 : i32
        %dma_wait3A_275 = tpu.memref_slice %arg7[%dma_wait3A_274] : memref<272xi32, #tpu.memory_space<vmem>> -> memref<8xi32, #tpu.memory_space<vmem>>
        %dma_wait3A_276 = arith.constant 0 : i32
        %dma_wait3A_277 = arith.constant 0 : i32
        %dma_wait3A_278 = tpu.memref_slice %arg3[%dma_wait3A_276, %dma_wait3A_277] : memref<1024x128xf32, #tpu.memory_space<hbm>> -> memref<1024x128xf32, #tpu.memory_space<hbm>>
        tpu.wait_indirect_dma semaphore(%arg13 : memref<!tpu.dma_semaphore, #tpu.memory_space<semaphore_mem>>) src(%dma_wait3A_278 : memref<1024x128xf32, #tpu.memory_space<hbm>>) dst(%dma_wait3A_273 : memref<8x128xf32, #tpu.memory_space<vmem>>)
      } else {
      }
      %mul3A_86 = arith.constant 2 : i32
      %mul3A_87 = arith.muli %mul3A_86, %scan3A_74 : i32
      %mul3A_88 = arith.constant 2 : i32
      %mul3A_89 = arith.muli %mul3A_87, %mul3A_88 : i32
      %add3A_90 = arith.constant 1 : i32
      %add3A_91 = arith.addi %mul3A_89, %add3A_90 : i32
      %jit3A_92 = arith.constant 4 : i32
      %eq3A_93 = arith.constant 0 : i32
      %eq3A_94 = arith.cmpi eq, %jit3A_92, %eq3A_93 : i32
      %jit3A_95 = arith.constant 1 : i32
      %select_n3A_96 = arith.select %eq3A_94, %jit3A_95, %jit3A_92 : i32
      %rem3A_97 = arith.remsi %mul3A_89, %select_n3A_96 : i32
      %ne3A_98 = arith.constant 0 : i32
      %ne3A_99 = arith.cmpi ne, %rem3A_97, %ne3A_98 : i32
      %lt3A_100 = arith.constant 0 : i32
      %lt3A_101 = arith.cmpi slt, %rem3A_97, %lt3A_100 : i32
      %lt3A_102 = arith.constant 0 : i32
      %lt3A_103 = arith.cmpi slt, %select_n3A_96, %lt3A_102 : i32
      %ne3A_104 = arith.xori %lt3A_101, %lt3A_103 : i1
      %and3A_105 = arith.andi %ne3A_104, %ne3A_99 : i1
      %add3A_106 = arith.addi %rem3A_97, %select_n3A_96 : i32
      %select_n3A_107 = arith.select %and3A_105, %add3A_106, %rem3A_97 : i32
      %mul3A_108 = arith.constant 5136 : i32
      %mul3A_109 = arith.muli %select_n3A_107, %mul3A_108 : i32
      %jit3A_110 = arith.constant 4 : i32
      %eq3A_111 = arith.constant 0 : i32
      %eq3A_112 = arith.cmpi eq, %jit3A_110, %eq3A_111 : i32
      %jit3A_113 = arith.constant 1 : i32
      %select_n3A_114 = arith.select %eq3A_112, %jit3A_113, %jit3A_110 : i32
      %rem3A_115 = arith.remsi %add3A_91, %select_n3A_114 : i32
      %ne3A_116 = arith.constant 0 : i32
      %ne3A_117 = arith.cmpi ne, %rem3A_115, %ne3A_116 : i32
      %lt3A_118 = arith.constant 0 : i32
      %lt3A_119 = arith.cmpi slt, %rem3A_115, %lt3A_118 : i32
      %lt3A_120 = arith.constant 0 : i32
      %lt3A_121 = arith.cmpi slt, %select_n3A_114, %lt3A_120 : i32
      %ne3A_122 = arith.xori %lt3A_119, %lt3A_121 : i1
      %and3A_123 = arith.andi %ne3A_122, %ne3A_117 : i1
      %add3A_124 = arith.addi %rem3A_115, %select_n3A_114 : i32
      %select_n3A_125 = arith.select %and3A_123, %add3A_124, %rem3A_115 : i32
      %mul3A_126 = arith.constant 5136 : i32
      %mul3A_127 = arith.muli %select_n3A_125, %mul3A_126 : i32
      %le3A = arith.constant 65 : i32
      %le3A_128 = arith.cmpi sle, %mul3A_89, %le3A : i32
      %add3A_129 = arith.addi %mul3A_29, %mul3A_89 : i32
      %le3A_130 = arith.constant 127 : i32
      %le3A_131 = arith.cmpi sle, %add3A_129, %le3A_130 : i32
      %and3A_132 = arith.andi %le3A_128, %le3A_131 : i1
      %le3A_133 = arith.constant 65 : i32
      %le3A_134 = arith.cmpi sle, %add3A_91, %le3A_133 : i32
      %add3A_135 = arith.addi %mul3A_29, %add3A_91 : i32
      %le3A_136 = arith.constant 127 : i32
      %le3A_137 = arith.cmpi sle, %add3A_135, %le3A_136 : i32
      %and3A_138 = arith.andi %le3A_134, %le3A_137 : i1
      %convert_element_type3A_139 = arith.extui %and3A_138 : i1 to i32
      %cond3A_140 = arith.constant 0 : i32
      %cond3A_141 = arith.cmpi ne, %convert_element_type3A_139, %cond3A_140 : i32
      scf.if %cond3A_141 {
        %parallel_loop3A = arith.constant 0 : i32
        %parallel_loop3A_264 = arith.constant 320 : i32
        %parallel_loop3A_265 = arith.constant 1 : i32
        scf.for %parallel_loop3A_266 = %parallel_loop3A to %parallel_loop3A_264 step %parallel_loop3A_265  : i32 {
          %parallel_loop3A_267 = arith.constant 16 : i32
          %parallel_loop3A_268 = arith.muli %parallel_loop3A_266, %parallel_loop3A_267 : i32
          %parallel_loop3A_269 = arith.constant 0 : i32
          %parallel_loop3A_270 = arith.index_cast %parallel_loop3A_269 : i32 to index
          %parallel_loop3A_271 = arith.index_cast %parallel_loop3A_268 : i32 to index
          %parallel_loop3A_272 = tpu.vector_load %arg8[%parallel_loop3A_270, %parallel_loop3A_271] {strides = array<i32>} : memref<4x5120xf32, #tpu.memory_space<vmem>>, vector<1x16xf32>,
          %parallel_loop3A_273 = vector.shape_cast %parallel_loop3A_272 : vector<1x16xf32> to vector<16xf32>
          %parallel_loop3A_274 = arith.constant 1 : i32
          %parallel_loop3A_275 = arith.index_cast %parallel_loop3A_274 : i32 to index
          %parallel_loop3A_276 = arith.index_cast %parallel_loop3A_268 : i32 to index
          %parallel_loop3A_277 = tpu.vector_load %arg8[%parallel_loop3A_275, %parallel_loop3A_276] {strides = array<i32>} : memref<4x5120xf32, #tpu.memory_space<vmem>>, vector<1x16xf32>,
          %parallel_loop3A_278 = vector.shape_cast %parallel_loop3A_277 : vector<1x16xf32> to vector<16xf32>
          %parallel_loop3A_279 = arith.constant 2 : i32
          %parallel_loop3A_280 = arith.index_cast %parallel_loop3A_279 : i32 to index
          %parallel_loop3A_281 = arith.index_cast %parallel_loop3A_268 : i32 to index
          %parallel_loop3A_282 = tpu.vector_load %arg8[%parallel_loop3A_280, %parallel_loop3A_281] {strides = array<i32>} : memref<4x5120xf32, #tpu.memory_space<vmem>>, vector<1x16xf32>,
          %parallel_loop3A_283 = vector.shape_cast %parallel_loop3A_282 : vector<1x16xf32> to vector<16xf32>
          %parallel_loop3A_284 = arith.constant 3 : i32
          %parallel_loop3A_285 = arith.index_cast %parallel_loop3A_284 : i32 to index
          %parallel_loop3A_286 = arith.index_cast %parallel_loop3A_268 : i32 to index
          %parallel_loop3A_287 = tpu.vector_load %arg8[%parallel_loop3A_285, %parallel_loop3A_286] {strides = array<i32>} : memref<4x5120xf32, #tpu.memory_space<vmem>>, vector<1x16xf32>,
          %parallel_loop3A_288 = vector.shape_cast %parallel_loop3A_287 : vector<1x16xf32> to vector<16xf32>
          %parallel_loop3A_289 = arith.constant 0 : i32
          %parallel_loop3A_290 = arith.index_cast %parallel_loop3A_289 : i32 to index
          %parallel_loop3A_291 = arith.index_cast %parallel_loop3A_268 : i32 to index
          %parallel_loop3A_292 = tpu.vector_load %arg9[%parallel_loop3A_290, %parallel_loop3A_291] {strides = array<i32>} : memref<8x5120xf32, #tpu.memory_space<vmem>>, vector<1x16xf32>,
          %parallel_loop3A_293 = vector.shape_cast %parallel_loop3A_292 : vector<1x16xf32> to vector<16xf32>
          %parallel_loop3A_294 = arith.mulf %parallel_loop3A_293, %parallel_loop3A_273 : vector<16xf32>
          %parallel_loop3A_295 = arith.constant 1 : i32
          %parallel_loop3A_296 = arith.index_cast %parallel_loop3A_295 : i32 to index
          %parallel_loop3A_297 = arith.index_cast %parallel_loop3A_268 : i32 to index
          %parallel_loop3A_298 = tpu.vector_load %arg9[%parallel_loop3A_296, %parallel_loop3A_297] {strides = array<i32>} : memref<8x5120xf32, #tpu.memory_space<vmem>>, vector<1x16xf32>,
          %parallel_loop3A_299 = vector.shape_cast %parallel_loop3A_298 : vector<1x16xf32> to vector<16xf32>
          %parallel_loop3A_300 = arith.mulf %parallel_loop3A_299, %parallel_loop3A_278 : vector<16xf32>
          %parallel_loop3A_301 = arith.addf %parallel_loop3A_294, %parallel_loop3A_300 : vector<16xf32>
          %parallel_loop3A_302 = arith.constant 2 : i32
          %parallel_loop3A_303 = arith.index_cast %parallel_loop3A_302 : i32 to index
          %parallel_loop3A_304 = arith.index_cast %parallel_loop3A_268 : i32 to index
          %parallel_loop3A_305 = tpu.vector_load %arg9[%parallel_loop3A_303, %parallel_loop3A_304] {strides = array<i32>} : memref<8x5120xf32, #tpu.memory_space<vmem>>, vector<1x16xf32>,
          %parallel_loop3A_306 = vector.shape_cast %parallel_loop3A_305 : vector<1x16xf32> to vector<16xf32>
          %parallel_loop3A_307 = arith.mulf %parallel_loop3A_306, %parallel_loop3A_283 : vector<16xf32>
          %parallel_loop3A_308 = arith.constant 3 : i32
          %parallel_loop3A_309 = arith.index_cast %parallel_loop3A_308 : i32 to index
          %parallel_loop3A_310 = arith.index_cast %parallel_loop3A_268 : i32 to index
          %parallel_loop3A_311 = tpu.vector_load %arg9[%parallel_loop3A_309, %parallel_loop3A_310] {strides = array<i32>} : memref<8x5120xf32, #tpu.memory_space<vmem>>, vector<1x16xf32>,
          %parallel_loop3A_312 = vector.shape_cast %parallel_loop3A_311 : vector<1x16xf32> to vector<16xf32>
          %parallel_loop3A_313 = arith.mulf %parallel_loop3A_312, %parallel_loop3A_288 : vector<16xf32>
          %parallel_loop3A_314 = arith.addf %parallel_loop3A_307, %parallel_loop3A_313 : vector<16xf32>
          %parallel_loop3A_315 = arith.addf %parallel_loop3A_301, %parallel_loop3A_314 : vector<16xf32>
          %parallel_loop3A_316 = arith.addi %mul3A_109, %parallel_loop3A_268 : i32
          %parallel_loop3A_317 = arith.index_cast %parallel_loop3A_316 : i32 to index
          %parallel_loop3A_318 = tpu.vector_load %arg11[%parallel_loop3A_317] {strides = array<i32>} : memref<20544xf32, #tpu.memory_space<vmem>>, vector<16xf32>,
          %parallel_loop3A_319 = vector.shape_cast %parallel_loop3A_318 : vector<16xf32> to vector<16xf32>
          %parallel_loop3A_320 = vector.shape_cast %parallel_loop3A_315 : vector<16xf32> to vector<16xf32>
          tpu.vector_store %arg11[%parallel_loop3A_317], %parallel_loop3A_320 {strides = array<i32>} : memref<20544xf32, #tpu.memory_space<vmem>>, vector<16xf32>,
          %parallel_loop3A_321 = arith.constant 4 : i32
          %parallel_loop3A_322 = arith.index_cast %parallel_loop3A_321 : i32 to index
          %parallel_loop3A_323 = arith.index_cast %parallel_loop3A_268 : i32 to index
          %parallel_loop3A_324 = tpu.vector_load %arg9[%parallel_loop3A_322, %parallel_loop3A_323] {strides = array<i32>} : memref<8x5120xf32, #tpu.memory_space<vmem>>, vector<1x16xf32>,
          %parallel_loop3A_325 = vector.shape_cast %parallel_loop3A_324 : vector<1x16xf32> to vector<16xf32>
          %parallel_loop3A_326 = arith.mulf %parallel_loop3A_325, %parallel_loop3A_273 : vector<16xf32>
          %parallel_loop3A_327 = arith.constant 5 : i32
          %parallel_loop3A_328 = arith.index_cast %parallel_loop3A_327 : i32 to index
          %parallel_loop3A_329 = arith.index_cast %parallel_loop3A_268 : i32 to index
          %parallel_loop3A_330 = tpu.vector_load %arg9[%parallel_loop3A_328, %parallel_loop3A_329] {strides = array<i32>} : memref<8x5120xf32, #tpu.memory_space<vmem>>, vector<1x16xf32>,
          %parallel_loop3A_331 = vector.shape_cast %parallel_loop3A_330 : vector<1x16xf32> to vector<16xf32>
          %parallel_loop3A_332 = arith.mulf %parallel_loop3A_331, %parallel_loop3A_278 : vector<16xf32>
          %parallel_loop3A_333 = arith.addf %parallel_loop3A_326, %parallel_loop3A_332 : vector<16xf32>
          %parallel_loop3A_334 = arith.constant 6 : i32
          %parallel_loop3A_335 = arith.index_cast %parallel_loop3A_334 : i32 to index
          %parallel_loop3A_336 = arith.index_cast %parallel_loop3A_268 : i32 to index
          %parallel_loop3A_337 = tpu.vector_load %arg9[%parallel_loop3A_335, %parallel_loop3A_336] {strides = array<i32>} : memref<8x5120xf32, #tpu.memory_space<vmem>>, vector<1x16xf32>,
          %parallel_loop3A_338 = vector.shape_cast %parallel_loop3A_337 : vector<1x16xf32> to vector<16xf32>
          %parallel_loop3A_339 = arith.mulf %parallel_loop3A_338, %parallel_loop3A_283 : vector<16xf32>
          %parallel_loop3A_340 = arith.constant 7 : i32
          %parallel_loop3A_341 = arith.index_cast %parallel_loop3A_340 : i32 to index
          %parallel_loop3A_342 = arith.index_cast %parallel_loop3A_268 : i32 to index
          %parallel_loop3A_343 = tpu.vector_load %arg9[%parallel_loop3A_341, %parallel_loop3A_342] {strides = array<i32>} : memref<8x5120xf32, #tpu.memory_space<vmem>>, vector<1x16xf32>,
          %parallel_loop3A_344 = vector.shape_cast %parallel_loop3A_343 : vector<1x16xf32> to vector<16xf32>
          %parallel_loop3A_345 = arith.mulf %parallel_loop3A_344, %parallel_loop3A_288 : vector<16xf32>
          %parallel_loop3A_346 = arith.addf %parallel_loop3A_339, %parallel_loop3A_345 : vector<16xf32>
          %parallel_loop3A_347 = arith.addf %parallel_loop3A_333, %parallel_loop3A_346 : vector<16xf32>
          %parallel_loop3A_348 = arith.addi %mul3A_127, %parallel_loop3A_268 : i32
          %parallel_loop3A_349 = arith.index_cast %parallel_loop3A_348 : i32 to index
          %parallel_loop3A_350 = tpu.vector_load %arg11[%parallel_loop3A_349] {strides = array<i32>} : memref<20544xf32, #tpu.memory_space<vmem>>, vector<16xf32>,
          %parallel_loop3A_351 = vector.shape_cast %parallel_loop3A_350 : vector<16xf32> to vector<16xf32>
          %parallel_loop3A_352 = vector.shape_cast %parallel_loop3A_347 : vector<16xf32> to vector<16xf32>
          tpu.vector_store %arg11[%parallel_loop3A_349], %parallel_loop3A_352 {strides = array<i32>} : memref<20544xf32, #tpu.memory_space<vmem>>, vector<16xf32>,
        } {sc.loop_unroll_factor = 8 : i64, sc.parallel_access}
      } else {
      }
      %not3A = arith.constant true
      %not3A_142 = arith.xori %and3A_138, %not3A : i1
      %and3A_143 = arith.andi %and3A_132, %not3A_142 : i1
      %convert_element_type3A_144 = arith.extui %and3A_143 : i1 to i32
      %cond3A_145 = arith.constant 0 : i32
      %cond3A_146 = arith.cmpi ne, %convert_element_type3A_144, %cond3A_145 : i32
      scf.if %cond3A_146 {
        %parallel_loop3A = arith.constant 0 : i32
        %parallel_loop3A_264 = arith.constant 320 : i32
        %parallel_loop3A_265 = arith.constant 1 : i32
        scf.for %parallel_loop3A_266 = %parallel_loop3A to %parallel_loop3A_264 step %parallel_loop3A_265  : i32 {
          %parallel_loop3A_267 = arith.constant 16 : i32
          %parallel_loop3A_268 = arith.muli %parallel_loop3A_266, %parallel_loop3A_267 : i32
          %parallel_loop3A_269 = arith.constant 0 : i32
          %parallel_loop3A_270 = arith.index_cast %parallel_loop3A_269 : i32 to index
          %parallel_loop3A_271 = arith.index_cast %parallel_loop3A_268 : i32 to index
          %parallel_loop3A_272 = tpu.vector_load %arg8[%parallel_loop3A_270, %parallel_loop3A_271] {strides = array<i32>} : memref<4x5120xf32, #tpu.memory_space<vmem>>, vector<1x16xf32>,
          %parallel_loop3A_273 = vector.shape_cast %parallel_loop3A_272 : vector<1x16xf32> to vector<16xf32>
          %parallel_loop3A_274 = arith.constant 1 : i32
          %parallel_loop3A_275 = arith.index_cast %parallel_loop3A_274 : i32 to index
          %parallel_loop3A_276 = arith.index_cast %parallel_loop3A_268 : i32 to index
          %parallel_loop3A_277 = tpu.vector_load %arg8[%parallel_loop3A_275, %parallel_loop3A_276] {strides = array<i32>} : memref<4x5120xf32, #tpu.memory_space<vmem>>, vector<1x16xf32>,
          %parallel_loop3A_278 = vector.shape_cast %parallel_loop3A_277 : vector<1x16xf32> to vector<16xf32>
          %parallel_loop3A_279 = arith.constant 2 : i32
          %parallel_loop3A_280 = arith.index_cast %parallel_loop3A_279 : i32 to index
          %parallel_loop3A_281 = arith.index_cast %parallel_loop3A_268 : i32 to index
          %parallel_loop3A_282 = tpu.vector_load %arg8[%parallel_loop3A_280, %parallel_loop3A_281] {strides = array<i32>} : memref<4x5120xf32, #tpu.memory_space<vmem>>, vector<1x16xf32>,
          %parallel_loop3A_283 = vector.shape_cast %parallel_loop3A_282 : vector<1x16xf32> to vector<16xf32>
          %parallel_loop3A_284 = arith.constant 3 : i32
          %parallel_loop3A_285 = arith.index_cast %parallel_loop3A_284 : i32 to index
          %parallel_loop3A_286 = arith.index_cast %parallel_loop3A_268 : i32 to index
          %parallel_loop3A_287 = tpu.vector_load %arg8[%parallel_loop3A_285, %parallel_loop3A_286] {strides = array<i32>} : memref<4x5120xf32, #tpu.memory_space<vmem>>, vector<1x16xf32>,
          %parallel_loop3A_288 = vector.shape_cast %parallel_loop3A_287 : vector<1x16xf32> to vector<16xf32>
          %parallel_loop3A_289 = arith.constant 0 : i32
          %parallel_loop3A_290 = arith.index_cast %parallel_loop3A_289 : i32 to index
          %parallel_loop3A_291 = arith.index_cast %parallel_loop3A_268 : i32 to index
          %parallel_loop3A_292 = tpu.vector_load %arg9[%parallel_loop3A_290, %parallel_loop3A_291] {strides = array<i32>} : memref<8x5120xf32, #tpu.memory_space<vmem>>, vector<1x16xf32>,
          %parallel_loop3A_293 = vector.shape_cast %parallel_loop3A_292 : vector<1x16xf32> to vector<16xf32>
          %parallel_loop3A_294 = arith.mulf %parallel_loop3A_293, %parallel_loop3A_273 : vector<16xf32>
          %parallel_loop3A_295 = arith.constant 1 : i32
          %parallel_loop3A_296 = arith.index_cast %parallel_loop3A_295 : i32 to index
          %parallel_loop3A_297 = arith.index_cast %parallel_loop3A_268 : i32 to index
          %parallel_loop3A_298 = tpu.vector_load %arg9[%parallel_loop3A_296, %parallel_loop3A_297] {strides = array<i32>} : memref<8x5120xf32, #tpu.memory_space<vmem>>, vector<1x16xf32>,
          %parallel_loop3A_299 = vector.shape_cast %parallel_loop3A_298 : vector<1x16xf32> to vector<16xf32>
          %parallel_loop3A_300 = arith.mulf %parallel_loop3A_299, %parallel_loop3A_278 : vector<16xf32>
          %parallel_loop3A_301 = arith.addf %parallel_loop3A_294, %parallel_loop3A_300 : vector<16xf32>
          %parallel_loop3A_302 = arith.constant 2 : i32
          %parallel_loop3A_303 = arith.index_cast %parallel_loop3A_302 : i32 to index
          %parallel_loop3A_304 = arith.index_cast %parallel_loop3A_268 : i32 to index
          %parallel_loop3A_305 = tpu.vector_load %arg9[%parallel_loop3A_303, %parallel_loop3A_304] {strides = array<i32>} : memref<8x5120xf32, #tpu.memory_space<vmem>>, vector<1x16xf32>,
          %parallel_loop3A_306 = vector.shape_cast %parallel_loop3A_305 : vector<1x16xf32> to vector<16xf32>
          %parallel_loop3A_307 = arith.mulf %parallel_loop3A_306, %parallel_loop3A_283 : vector<16xf32>
          %parallel_loop3A_308 = arith.constant 3 : i32
          %parallel_loop3A_309 = arith.index_cast %parallel_loop3A_308 : i32 to index
          %parallel_loop3A_310 = arith.index_cast %parallel_loop3A_268 : i32 to index
          %parallel_loop3A_311 = tpu.vector_load %arg9[%parallel_loop3A_309, %parallel_loop3A_310] {strides = array<i32>} : memref<8x5120xf32, #tpu.memory_space<vmem>>, vector<1x16xf32>,
          %parallel_loop3A_312 = vector.shape_cast %parallel_loop3A_311 : vector<1x16xf32> to vector<16xf32>
          %parallel_loop3A_313 = arith.mulf %parallel_loop3A_312, %parallel_loop3A_288 : vector<16xf32>
          %parallel_loop3A_314 = arith.addf %parallel_loop3A_307, %parallel_loop3A_313 : vector<16xf32>
          %parallel_loop3A_315 = arith.addf %parallel_loop3A_301, %parallel_loop3A_314 : vector<16xf32>
          %parallel_loop3A_316 = arith.addi %mul3A_109, %parallel_loop3A_268 : i32
          %parallel_loop3A_317 = arith.index_cast %parallel_loop3A_316 : i32 to index
          %parallel_loop3A_318 = tpu.vector_load %arg11[%parallel_loop3A_317] {strides = array<i32>} : memref<20544xf32, #tpu.memory_space<vmem>>, vector<16xf32>,
          %parallel_loop3A_319 = vector.shape_cast %parallel_loop3A_318 : vector<16xf32> to vector<16xf32>
          %parallel_loop3A_320 = vector.shape_cast %parallel_loop3A_315 : vector<16xf32> to vector<16xf32>
          tpu.vector_store %arg11[%parallel_loop3A_317], %parallel_loop3A_320 {strides = array<i32>} : memref<20544xf32, #tpu.memory_space<vmem>>, vector<16xf32>,
        } {sc.loop_unroll_factor = 8 : i64, sc.parallel_access}
      } else {
      }
      %ge3A = arith.constant 2 : i32
      %ge3A_147 = arith.cmpi sge, %mul3A_89, %ge3A : i32
      %and3A_148 = arith.andi %and3A_132, %ge3A_147 : i1
      %convert_element_type3A_149 = arith.extui %and3A_148 : i1 to i32
      %cond3A_150 = arith.constant 0 : i32
      %cond3A_151 = arith.cmpi ne, %convert_element_type3A_149, %cond3A_150 : i32
      scf.if %cond3A_151 {
        %sub3A_264 = arith.constant 2 : i32
        %sub3A_265 = arith.subi %mul3A_89, %sub3A_264 : i32
        %jit3A_266 = arith.constant 4 : i32
        %eq3A_267 = arith.constant 0 : i32
        %eq3A_268 = arith.cmpi eq, %jit3A_266, %eq3A_267 : i32
        %jit3A_269 = arith.constant 1 : i32
        %select_n3A_270 = arith.select %eq3A_268, %jit3A_269, %jit3A_266 : i32
        %rem3A_271 = arith.remsi %sub3A_265, %select_n3A_270 : i32
        %ne3A_272 = arith.constant 0 : i32
        %ne3A_273 = arith.cmpi ne, %rem3A_271, %ne3A_272 : i32
        %lt3A_274 = arith.constant 0 : i32
        %lt3A_275 = arith.cmpi slt, %rem3A_271, %lt3A_274 : i32
        %lt3A_276 = arith.constant 0 : i32
        %lt3A_277 = arith.cmpi slt, %select_n3A_270, %lt3A_276 : i32
        %ne3A_278 = arith.xori %lt3A_275, %lt3A_277 : i1
        %and3A_279 = arith.andi %ne3A_278, %ne3A_273 : i1
        %add3A_280 = arith.addi %rem3A_271, %select_n3A_270 : i32
        %select_n3A_281 = arith.select %and3A_279, %add3A_280, %rem3A_271 : i32
        %mul3A_282 = arith.constant 5136 : i32
        %mul3A_283 = arith.muli %select_n3A_281, %mul3A_282 : i32
        %sub3A_284 = arith.constant 1 : i32
        %sub3A_285 = arith.subi %mul3A_89, %sub3A_284 : i32
        %jit3A_286 = arith.constant 4 : i32
        %eq3A_287 = arith.constant 0 : i32
        %eq3A_288 = arith.cmpi eq, %jit3A_286, %eq3A_287 : i32
        %jit3A_289 = arith.constant 1 : i32
        %select_n3A_290 = arith.select %eq3A_288, %jit3A_289, %jit3A_286 : i32
        %rem3A_291 = arith.remsi %sub3A_285, %select_n3A_290 : i32
        %ne3A_292 = arith.constant 0 : i32
        %ne3A_293 = arith.cmpi ne, %rem3A_291, %ne3A_292 : i32
        %lt3A_294 = arith.constant 0 : i32
        %lt3A_295 = arith.cmpi slt, %rem3A_291, %lt3A_294 : i32
        %lt3A_296 = arith.constant 0 : i32
        %lt3A_297 = arith.cmpi slt, %select_n3A_290, %lt3A_296 : i32
        %ne3A_298 = arith.xori %lt3A_295, %lt3A_297 : i1
        %and3A_299 = arith.andi %ne3A_298, %ne3A_293 : i1
        %add3A_300 = arith.addi %rem3A_291, %select_n3A_290 : i32
        %select_n3A_301 = arith.select %and3A_299, %add3A_300, %rem3A_291 : i32
        %mul3A_302 = arith.constant 5136 : i32
        %mul3A_303 = arith.muli %select_n3A_301, %mul3A_302 : i32
        %parallel_loop3A = arith.constant 0 : i32
        %parallel_loop3A_304 = arith.constant 320 : i32
        %parallel_loop3A_305 = arith.constant 1 : i32
        scf.for %parallel_loop3A_306 = %parallel_loop3A to %parallel_loop3A_304 step %parallel_loop3A_305  : i32 {
          %parallel_loop3A_307 = arith.constant 16 : i32
          %parallel_loop3A_308 = arith.muli %parallel_loop3A_306, %parallel_loop3A_307 : i32
          %parallel_loop3A_309 = arith.addi %mul3A_283, %parallel_loop3A_308 : i32
          %parallel_loop3A_310 = arith.index_cast %parallel_loop3A_309 : i32 to index
          %parallel_loop3A_311 = tpu.vector_load %arg11[%parallel_loop3A_310] {strides = array<i32>} : memref<20544xf32, #tpu.memory_space<vmem>>, vector<16xf32>,
          %parallel_loop3A_312 = vector.shape_cast %parallel_loop3A_311 : vector<16xf32> to vector<16xf32>
          %parallel_loop3A_313 = arith.addi %mul3A_303, %parallel_loop3A_308 : i32
          %parallel_loop3A_314 = arith.constant 1 : i32
          %parallel_loop3A_315 = arith.addi %parallel_loop3A_313, %parallel_loop3A_314 : i32
          %parallel_loop3A_316 = arith.index_cast %parallel_loop3A_315 : i32 to index
          %parallel_loop3A_317 = tpu.vector_load %arg11[%parallel_loop3A_316] {strides = array<i32>} : memref<20544xf32, #tpu.memory_space<vmem>>, vector<16xf32>,
          %parallel_loop3A_318 = vector.shape_cast %parallel_loop3A_317 : vector<16xf32> to vector<16xf32>
          %parallel_loop3A_319 = arith.addi %mul3A_109, %parallel_loop3A_308 : i32
          %parallel_loop3A_320 = arith.constant 2 : i32
          %parallel_loop3A_321 = arith.addi %parallel_loop3A_319, %parallel_loop3A_320 : i32
          %parallel_loop3A_322 = arith.index_cast %parallel_loop3A_321 : i32 to index
          %parallel_loop3A_323 = tpu.vector_load %arg11[%parallel_loop3A_322] {strides = array<i32>} : memref<20544xf32, #tpu.memory_space<vmem>>, vector<16xf32>,
          %parallel_loop3A_324 = vector.shape_cast %parallel_loop3A_323 : vector<16xf32> to vector<16xf32>
          %parallel_loop3A_325 = arith.mulf %parallel_loop3A_312, %parallel_loop3A_318 : vector<16xf32>
          %parallel_loop3A_326 = arith.mulf %parallel_loop3A_325, %parallel_loop3A_324 : vector<16xf32>
          %parallel_loop3A_327 = arith.index_cast %parallel_loop3A_308 : i32 to index
          %parallel_loop3A_328 = tpu.vector_load %arg12[%parallel_loop3A_327] {strides = array<i32>} : memref<5120xf32, #tpu.memory_space<vmem>>, vector<16xf32>,
          %parallel_loop3A_329 = vector.shape_cast %parallel_loop3A_328 : vector<16xf32> to vector<16xf32>
          %parallel_loop3A_330 = vector.shape_cast %parallel_loop3A_326 : vector<16xf32> to vector<16xf32>
          tpu.vector_store %arg12[%parallel_loop3A_327], %parallel_loop3A_330 {add = true, strides = array<i32>} : memref<5120xf32, #tpu.memory_space<vmem>>, vector<16xf32>,
        } {sc.loop_unroll_factor = 8 : i64, sc.parallel_access}
      } else {
      }
      %ge3A_152 = arith.constant 2 : i32
      %ge3A_153 = arith.cmpi sge, %add3A_91, %ge3A_152 : i32
      %and3A_154 = arith.andi %and3A_138, %ge3A_153 : i1
      %convert_element_type3A_155 = arith.extui %and3A_154 : i1 to i32
      %cond3A_156 = arith.constant 0 : i32
      %cond3A_157 = arith.cmpi ne, %convert_element_type3A_155, %cond3A_156 : i32
      scf.if %cond3A_157 {
        %sub3A_264 = arith.constant 2 : i32
        %sub3A_265 = arith.subi %add3A_91, %sub3A_264 : i32
        %jit3A_266 = arith.constant 4 : i32
        %eq3A_267 = arith.constant 0 : i32
        %eq3A_268 = arith.cmpi eq, %jit3A_266, %eq3A_267 : i32
        %jit3A_269 = arith.constant 1 : i32
        %select_n3A_270 = arith.select %eq3A_268, %jit3A_269, %jit3A_266 : i32
        %rem3A_271 = arith.remsi %sub3A_265, %select_n3A_270 : i32
        %ne3A_272 = arith.constant 0 : i32
        %ne3A_273 = arith.cmpi ne, %rem3A_271, %ne3A_272 : i32
        %lt3A_274 = arith.constant 0 : i32
        %lt3A_275 = arith.cmpi slt, %rem3A_271, %lt3A_274 : i32
        %lt3A_276 = arith.constant 0 : i32
        %lt3A_277 = arith.cmpi slt, %select_n3A_270, %lt3A_276 : i32
        %ne3A_278 = arith.xori %lt3A_275, %lt3A_277 : i1
        %and3A_279 = arith.andi %ne3A_278, %ne3A_273 : i1
        %add3A_280 = arith.addi %rem3A_271, %select_n3A_270 : i32
        %select_n3A_281 = arith.select %and3A_279, %add3A_280, %rem3A_271 : i32
        %mul3A_282 = arith.constant 5136 : i32
        %mul3A_283 = arith.muli %select_n3A_281, %mul3A_282 : i32
        %sub3A_284 = arith.constant 1 : i32
        %sub3A_285 = arith.subi %add3A_91, %sub3A_284 : i32
        %jit3A_286 = arith.constant 4 : i32
        %eq3A_287 = arith.constant 0 : i32
        %eq3A_288 = arith.cmpi eq, %jit3A_286, %eq3A_287 : i32
        %jit3A_289 = arith.constant 1 : i32
        %select_n3A_290 = arith.select %eq3A_288, %jit3A_289, %jit3A_286 : i32
        %rem3A_291 = arith.remsi %sub3A_285, %select_n3A_290 : i32
        %ne3A_292 = arith.constant 0 : i32
        %ne3A_293 = arith.cmpi ne, %rem3A_291, %ne3A_292 : i32
        %lt3A_294 = arith.constant 0 : i32
        %lt3A_295 = arith.cmpi slt, %rem3A_291, %lt3A_294 : i32
        %lt3A_296 = arith.constant 0 : i32
        %lt3A_297 = arith.cmpi slt, %select_n3A_290, %lt3A_296 : i32
        %ne3A_298 = arith.xori %lt3A_295, %lt3A_297 : i1
        %and3A_299 = arith.andi %ne3A_298, %ne3A_293 : i1
        %add3A_300 = arith.addi %rem3A_291, %select_n3A_290 : i32
        %select_n3A_301 = arith.select %and3A_299, %add3A_300, %rem3A_291 : i32
        %mul3A_302 = arith.constant 5136 : i32
        %mul3A_303 = arith.muli %select_n3A_301, %mul3A_302 : i32
        %parallel_loop3A = arith.constant 0 : i32
        %parallel_loop3A_304 = arith.constant 320 : i32
        %parallel_loop3A_305 = arith.constant 1 : i32
        scf.for %parallel_loop3A_306 = %parallel_loop3A to %parallel_loop3A_304 step %parallel_loop3A_305  : i32 {
          %parallel_loop3A_307 = arith.constant 16 : i32
          %parallel_loop3A_308 = arith.muli %parallel_loop3A_306, %parallel_loop3A_307 : i32
          %parallel_loop3A_309 = arith.addi %mul3A_283, %parallel_loop3A_308 : i32
          %parallel_loop3A_310 = arith.index_cast %parallel_loop3A_309 : i32 to index
          %parallel_loop3A_311 = tpu.vector_load %arg11[%parallel_loop3A_310] {strides = array<i32>} : memref<20544xf32, #tpu.memory_space<vmem>>, vector<16xf32>,
          %parallel_loop3A_312 = vector.shape_cast %parallel_loop3A_311 : vector<16xf32> to vector<16xf32>
          %parallel_loop3A_313 = arith.addi %mul3A_303, %parallel_loop3A_308 : i32
          %parallel_loop3A_314 = arith.constant 1 : i32
          %parallel_loop3A_315 = arith.addi %parallel_loop3A_313, %parallel_loop3A_314 : i32
          %parallel_loop3A_316 = arith.index_cast %parallel_loop3A_315 : i32 to index
          %parallel_loop3A_317 = tpu.vector_load %arg11[%parallel_loop3A_316] {strides = array<i32>} : memref<20544xf32, #tpu.memory_space<vmem>>, vector<16xf32>,
          %parallel_loop3A_318 = vector.shape_cast %parallel_loop3A_317 : vector<16xf32> to vector<16xf32>
          %parallel_loop3A_319 = arith.addi %mul3A_127, %parallel_loop3A_308 : i32
          %parallel_loop3A_320 = arith.constant 2 : i32
          %parallel_loop3A_321 = arith.addi %parallel_loop3A_319, %parallel_loop3A_320 : i32
          %parallel_loop3A_322 = arith.index_cast %parallel_loop3A_321 : i32 to index
          %parallel_loop3A_323 = tpu.vector_load %arg11[%parallel_loop3A_322] {strides = array<i32>} : memref<20544xf32, #tpu.memory_space<vmem>>, vector<16xf32>,
          %parallel_loop3A_324 = vector.shape_cast %parallel_loop3A_323 : vector<16xf32> to vector<16xf32>
          %parallel_loop3A_325 = arith.mulf %parallel_loop3A_312, %parallel_loop3A_318 : vector<16xf32>
          %parallel_loop3A_326 = arith.mulf %parallel_loop3A_325, %parallel_loop3A_324 : vector<16xf32>
          %parallel_loop3A_327 = arith.index_cast %parallel_loop3A_308 : i32 to index
          %parallel_loop3A_328 = tpu.vector_load %arg12[%parallel_loop3A_327] {strides = array<i32>} : memref<5120xf32, #tpu.memory_space<vmem>>, vector<16xf32>,
          %parallel_loop3A_329 = vector.shape_cast %parallel_loop3A_328 : vector<16xf32> to vector<16xf32>
          %parallel_loop3A_330 = vector.shape_cast %parallel_loop3A_326 : vector<16xf32> to vector<16xf32>
          tpu.vector_store %arg12[%parallel_loop3A_327], %parallel_loop3A_330 {add = true, strides = array<i32>} : memref<5120xf32, #tpu.memory_space<vmem>>, vector<16xf32>,
        } {sc.loop_unroll_factor = 8 : i64, sc.parallel_access}
      } else {
      }
      %mul3A_158 = arith.constant 2 : i32
      %mul3A_159 = arith.muli %mul3A_158, %scan3A_74 : i32
      %add3A_160 = arith.constant 2 : i32
      %add3A_161 = arith.addi %mul3A_159, %add3A_160 : i32
      %lt3A_162 = arith.constant 34 : i32
      %lt3A_163 = arith.cmpi slt, %add3A_161, %lt3A_162 : i32
      %convert_element_type3A_164 = arith.extui %lt3A_163 : i1 to i32
      %cond3A_165 = arith.constant 0 : i32
      %cond3A_166 = arith.cmpi ne, %convert_element_type3A_164, %cond3A_165 : i32
      scf.if %cond3A_166 {
        %mul3A_264 = arith.constant 2 : i32
        %mul3A_265 = arith.muli %mul3A_264, %scan3A_74 : i32
        %add3A_266 = arith.constant 2 : i32
        %add3A_267 = arith.addi %mul3A_265, %add3A_266 : i32
        %mul3A_268 = arith.constant 8 : i32
        %mul3A_269 = arith.muli %add3A_267, %mul3A_268 : i32
        %eq3A_270 = arith.constant 0 : i32
        %eq3A_271 = arith.cmpi eq, %arg0, %eq3A_270 : i32
        %convert_element_type3A_272 = arith.extui %eq3A_271 : i1 to i32
        %cond3A_273 = arith.constant 0 : i32
        %cond3A_274 = arith.cmpi ne, %convert_element_type3A_272, %cond3A_273 : i32
        scf.if %cond3A_274 {
          %dma_start3A = tpu.memref_slice %arg7[%mul3A_269] : memref<272xi32, #tpu.memory_space<vmem>> -> memref<8xi32, #tpu.memory_space<vmem>>
          %dma_start3A_280 = arith.constant 0 : i32
          %dma_start3A_281 = arith.constant 0 : i32
          %dma_start3A_282 = tpu.memref_slice %arg2[%dma_start3A_280, %dma_start3A_281] : memref<1024x10000xf32, #tpu.memory_space<hbm>> -> memref<1024x5120xf32, #tpu.memory_space<hbm>>
          tpu.enqueue_indirect_dma source(%dma_start3A_282 : memref<1024x5120xf32, #tpu.memory_space<hbm>>) target(%arg9 : memref<8x5120xf32, #tpu.memory_space<vmem>>) offsets(%dma_start3A : memref<8xi32, #tpu.memory_space<vmem>>) semaphore(%arg13 : memref<!tpu.dma_semaphore, #tpu.memory_space<semaphore_mem>>)
        } else {
        }
        %eq3A_275 = arith.constant 1 : i32
        %eq3A_276 = arith.cmpi eq, %arg0, %eq3A_275 : i32
        %convert_element_type3A_277 = arith.extui %eq3A_276 : i1 to i32
        %cond3A_278 = arith.constant 0 : i32
        %cond3A_279 = arith.cmpi ne, %convert_element_type3A_277, %cond3A_278 : i32
        scf.if %cond3A_279 {
          %dma_start3A = arith.constant 0 : i32
          %dma_start3A_280 = arith.constant 0 : i32
          %dma_start3A_281 = tpu.memref_slice %arg9[%dma_start3A, %dma_start3A_280] : memref<8x5120xf32, #tpu.memory_space<vmem>> -> memref<8x4992xf32, #tpu.memory_space<vmem>>
          %dma_start3A_282 = tpu.memref_slice %arg7[%mul3A_269] : memref<272xi32, #tpu.memory_space<vmem>> -> memref<8xi32, #tpu.memory_space<vmem>>
          %dma_start3A_283 = arith.constant 0 : i32
          %dma_start3A_284 = arith.constant 4992 : i32
          %dma_start3A_285 = tpu.memref_slice %arg2[%dma_start3A_283, %dma_start3A_284] : memref<1024x10000xf32, #tpu.memory_space<hbm>> -> memref<1024x4992xf32, #tpu.memory_space<hbm>>
          tpu.enqueue_indirect_dma source(%dma_start3A_285 : memref<1024x4992xf32, #tpu.memory_space<hbm>>) target(%dma_start3A_281 : memref<8x4992xf32, #tpu.memory_space<vmem>>) offsets(%dma_start3A_282 : memref<8xi32, #tpu.memory_space<vmem>>) semaphore(%arg13 : memref<!tpu.dma_semaphore, #tpu.memory_space<semaphore_mem>>)
          %dma_start3A_286 = arith.constant 0 : i32
          %dma_start3A_287 = arith.constant 4992 : i32
          %dma_start3A_288 = tpu.memref_slice %arg9[%dma_start3A_286, %dma_start3A_287] : memref<8x5120xf32, #tpu.memory_space<vmem>> -> memref<8x128xf32, #tpu.memory_space<vmem>>
          %dma_start3A_289 = tpu.memref_slice %arg7[%mul3A_269] : memref<272xi32, #tpu.memory_space<vmem>> -> memref<8xi32, #tpu.memory_space<vmem>>
          %dma_start3A_290 = arith.constant 0 : i32
          %dma_start3A_291 = arith.constant 0 : i32
          %dma_start3A_292 = tpu.memref_slice %arg3[%dma_start3A_290, %dma_start3A_291] : memref<1024x128xf32, #tpu.memory_space<hbm>> -> memref<1024x128xf32, #tpu.memory_space<hbm>>
          tpu.enqueue_indirect_dma source(%dma_start3A_292 : memref<1024x128xf32, #tpu.memory_space<hbm>>) target(%dma_start3A_288 : memref<8x128xf32, #tpu.memory_space<vmem>>) offsets(%dma_start3A_289 : memref<8xi32, #tpu.memory_space<vmem>>) semaphore(%arg13 : memref<!tpu.dma_semaphore, #tpu.memory_space<semaphore_mem>>)
        } else {
        }
      } else {
      }
      %eq3A_167 = arith.constant 0 : i32
      %eq3A_168 = arith.cmpi eq, %arg0, %eq3A_167 : i32
      %convert_element_type3A_169 = arith.extui %eq3A_168 : i1 to i32
      %cond3A_170 = arith.constant 0 : i32
      %cond3A_171 = arith.cmpi ne, %convert_element_type3A_169, %cond3A_170 : i32
      scf.if %cond3A_171 {
        %dma_wait3A = arith.constant 0 : i32
        %dma_wait3A_264 = tpu.memref_slice %arg7[%dma_wait3A] : memref<272xi32, #tpu.memory_space<vmem>> -> memref<8xi32, #tpu.memory_space<vmem>>
        %dma_wait3A_265 = arith.constant 0 : i32
        %dma_wait3A_266 = arith.constant 0 : i32
        %dma_wait3A_267 = tpu.memref_slice %arg2[%dma_wait3A_265, %dma_wait3A_266] : memref<1024x10000xf32, #tpu.memory_space<hbm>> -> memref<1024x5120xf32, #tpu.memory_space<hbm>>
        tpu.wait_indirect_dma semaphore(%arg14 : memref<!tpu.dma_semaphore, #tpu.memory_space<semaphore_mem>>) src(%dma_wait3A_267 : memref<1024x5120xf32, #tpu.memory_space<hbm>>) dst(%arg10 : memref<8x5120xf32, #tpu.memory_space<vmem>>)
      } else {
      }
      %eq3A_172 = arith.constant 1 : i32
      %eq3A_173 = arith.cmpi eq, %arg0, %eq3A_172 : i32
      %convert_element_type3A_174 = arith.extui %eq3A_173 : i1 to i32
      %cond3A_175 = arith.constant 0 : i32
      %cond3A_176 = arith.cmpi ne, %convert_element_type3A_174, %cond3A_175 : i32
      scf.if %cond3A_176 {
        %dma_wait3A = arith.constant 0 : i32
        %dma_wait3A_264 = arith.constant 0 : i32
        %dma_wait3A_265 = tpu.memref_slice %arg10[%dma_wait3A, %dma_wait3A_264] : memref<8x5120xf32, #tpu.memory_space<vmem>> -> memref<8x4992xf32, #tpu.memory_space<vmem>>
        %dma_wait3A_266 = arith.constant 0 : i32
        %dma_wait3A_267 = tpu.memref_slice %arg7[%dma_wait3A_266] : memref<272xi32, #tpu.memory_space<vmem>> -> memref<8xi32, #tpu.memory_space<vmem>>
        %dma_wait3A_268 = arith.constant 0 : i32
        %dma_wait3A_269 = arith.constant 4992 : i32
        %dma_wait3A_270 = tpu.memref_slice %arg2[%dma_wait3A_268, %dma_wait3A_269] : memref<1024x10000xf32, #tpu.memory_space<hbm>> -> memref<1024x4992xf32, #tpu.memory_space<hbm>>
        tpu.wait_indirect_dma semaphore(%arg14 : memref<!tpu.dma_semaphore, #tpu.memory_space<semaphore_mem>>) src(%dma_wait3A_270 : memref<1024x4992xf32, #tpu.memory_space<hbm>>) dst(%dma_wait3A_265 : memref<8x4992xf32, #tpu.memory_space<vmem>>)
        %dma_wait3A_271 = arith.constant 0 : i32
        %dma_wait3A_272 = arith.constant 4992 : i32
        %dma_wait3A_273 = tpu.memref_slice %arg10[%dma_wait3A_271, %dma_wait3A_272] : memref<8x5120xf32, #tpu.memory_space<vmem>> -> memref<8x128xf32, #tpu.memory_space<vmem>>
        %dma_wait3A_274 = arith.constant 0 : i32
        %dma_wait3A_275 = tpu.memref_slice %arg7[%dma_wait3A_274] : memref<272xi32, #tpu.memory_space<vmem>> -> memref<8xi32, #tpu.memory_space<vmem>>
        %dma_wait3A_276 = arith.constant 0 : i32
        %dma_wait3A_277 = arith.constant 0 : i32
        %dma_wait3A_278 = tpu.memref_slice %arg3[%dma_wait3A_276, %dma_wait3A_277] : memref<1024x128xf32, #tpu.memory_space<hbm>> -> memref<1024x128xf32, #tpu.memory_space<hbm>>
        tpu.wait_indirect_dma semaphore(%arg14 : memref<!tpu.dma_semaphore, #tpu.memory_space<semaphore_mem>>) src(%dma_wait3A_278 : memref<1024x128xf32, #tpu.memory_space<hbm>>) dst(%dma_wait3A_273 : memref<8x128xf32, #tpu.memory_space<vmem>>)
      } else {
      }
      %mul3A_177 = arith.constant 2 : i32
      %mul3A_178 = arith.muli %mul3A_177, %scan3A_74 : i32
      %add3A_179 = arith.constant 1 : i32
      %add3A_180 = arith.addi %mul3A_178, %add3A_179 : i32
      %mul3A_181 = arith.constant 2 : i32
      %mul3A_182 = arith.muli %add3A_180, %mul3A_181 : i32
      %add3A_183 = arith.constant 1 : i32
      %add3A_184 = arith.addi %mul3A_182, %add3A_183 : i32
      %jit3A_185 = arith.constant 4 : i32
      %eq3A_186 = arith.constant 0 : i32
      %eq3A_187 = arith.cmpi eq, %jit3A_185, %eq3A_186 : i32
      %jit3A_188 = arith.constant 1 : i32
      %select_n3A_189 = arith.select %eq3A_187, %jit3A_188, %jit3A_185 : i32
      %rem3A_190 = arith.remsi %mul3A_182, %select_n3A_189 : i32
      %ne3A_191 = arith.constant 0 : i32
      %ne3A_192 = arith.cmpi ne, %rem3A_190, %ne3A_191 : i32
      %lt3A_193 = arith.constant 0 : i32
      %lt3A_194 = arith.cmpi slt, %rem3A_190, %lt3A_193 : i32
      %lt3A_195 = arith.constant 0 : i32
      %lt3A_196 = arith.cmpi slt, %select_n3A_189, %lt3A_195 : i32
      %ne3A_197 = arith.xori %lt3A_194, %lt3A_196 : i1
      %and3A_198 = arith.andi %ne3A_197, %ne3A_192 : i1
      %add3A_199 = arith.addi %rem3A_190, %select_n3A_189 : i32
      %select_n3A_200 = arith.select %and3A_198, %add3A_199, %rem3A_190 : i32
      %mul3A_201 = arith.constant 5136 : i32
      %mul3A_202 = arith.muli %select_n3A_200, %mul3A_201 : i32
      %jit3A_203 = arith.constant 4 : i32
      %eq3A_204 = arith.constant 0 : i32
      %eq3A_205 = arith.cmpi eq, %jit3A_203, %eq3A_204 : i32
      %jit3A_206 = arith.constant 1 : i32
      %select_n3A_207 = arith.select %eq3A_205, %jit3A_206, %jit3A_203 : i32
      %rem3A_208 = arith.remsi %add3A_184, %select_n3A_207 : i32
      %ne3A_209 = arith.constant 0 : i32
      %ne3A_210 = arith.cmpi ne, %rem3A_208, %ne3A_209 : i32
      %lt3A_211 = arith.constant 0 : i32
      %lt3A_212 = arith.cmpi slt, %rem3A_208, %lt3A_211 : i32
      %lt3A_213 = arith.constant 0 : i32
      %lt3A_214 = arith.cmpi slt, %select_n3A_207, %lt3A_213 : i32
      %ne3A_215 = arith.xori %lt3A_212, %lt3A_214 : i1
      %and3A_216 = arith.andi %ne3A_215, %ne3A_210 : i1
      %add3A_217 = arith.addi %rem3A_208, %select_n3A_207 : i32
      %select_n3A_218 = arith.select %and3A_216, %add3A_217, %rem3A_208 : i32
      %mul3A_219 = arith.constant 5136 : i32
      %mul3A_220 = arith.muli %select_n3A_218, %mul3A_219 : i32
      %le3A_221 = arith.constant 65 : i32
      %le3A_222 = arith.cmpi sle, %mul3A_182, %le3A_221 : i32
      %add3A_223 = arith.addi %mul3A_29, %mul3A_182 : i32
      %le3A_224 = arith.constant 127 : i32
      %le3A_225 = arith.cmpi sle, %add3A_223, %le3A_224 : i32
      %and3A_226 = arith.andi %le3A_222, %le3A_225 : i1
      %le3A_227 = arith.constant 65 : i32
      %le3A_228 = arith.cmpi sle, %add3A_184, %le3A_227 : i32
      %add3A_229 = arith.addi %mul3A_29, %add3A_184 : i32
      %le3A_230 = arith.constant 127 : i32
      %le3A_231 = arith.cmpi sle, %add3A_229, %le3A_230 : i32
      %and3A_232 = arith.andi %le3A_228, %le3A_231 : i1
      %convert_element_type3A_233 = arith.extui %and3A_232 : i1 to i32
      %cond3A_234 = arith.constant 0 : i32
      %cond3A_235 = arith.cmpi ne, %convert_element_type3A_233, %cond3A_234 : i32
      scf.if %cond3A_235 {
        %parallel_loop3A = arith.constant 0 : i32
        %parallel_loop3A_264 = arith.constant 320 : i32
        %parallel_loop3A_265 = arith.constant 1 : i32
        scf.for %parallel_loop3A_266 = %parallel_loop3A to %parallel_loop3A_264 step %parallel_loop3A_265  : i32 {
          %parallel_loop3A_267 = arith.constant 16 : i32
          %parallel_loop3A_268 = arith.muli %parallel_loop3A_266, %parallel_loop3A_267 : i32
          %parallel_loop3A_269 = arith.constant 0 : i32
          %parallel_loop3A_270 = arith.index_cast %parallel_loop3A_269 : i32 to index
          %parallel_loop3A_271 = arith.index_cast %parallel_loop3A_268 : i32 to index
          %parallel_loop3A_272 = tpu.vector_load %arg8[%parallel_loop3A_270, %parallel_loop3A_271] {strides = array<i32>} : memref<4x5120xf32, #tpu.memory_space<vmem>>, vector<1x16xf32>,
          %parallel_loop3A_273 = vector.shape_cast %parallel_loop3A_272 : vector<1x16xf32> to vector<16xf32>
          %parallel_loop3A_274 = arith.constant 1 : i32
          %parallel_loop3A_275 = arith.index_cast %parallel_loop3A_274 : i32 to index
          %parallel_loop3A_276 = arith.index_cast %parallel_loop3A_268 : i32 to index
          %parallel_loop3A_277 = tpu.vector_load %arg8[%parallel_loop3A_275, %parallel_loop3A_276] {strides = array<i32>} : memref<4x5120xf32, #tpu.memory_space<vmem>>, vector<1x16xf32>,
          %parallel_loop3A_278 = vector.shape_cast %parallel_loop3A_277 : vector<1x16xf32> to vector<16xf32>
          %parallel_loop3A_279 = arith.constant 2 : i32
          %parallel_loop3A_280 = arith.index_cast %parallel_loop3A_279 : i32 to index
          %parallel_loop3A_281 = arith.index_cast %parallel_loop3A_268 : i32 to index
          %parallel_loop3A_282 = tpu.vector_load %arg8[%parallel_loop3A_280, %parallel_loop3A_281] {strides = array<i32>} : memref<4x5120xf32, #tpu.memory_space<vmem>>, vector<1x16xf32>,
          %parallel_loop3A_283 = vector.shape_cast %parallel_loop3A_282 : vector<1x16xf32> to vector<16xf32>
          %parallel_loop3A_284 = arith.constant 3 : i32
          %parallel_loop3A_285 = arith.index_cast %parallel_loop3A_284 : i32 to index
          %parallel_loop3A_286 = arith.index_cast %parallel_loop3A_268 : i32 to index
          %parallel_loop3A_287 = tpu.vector_load %arg8[%parallel_loop3A_285, %parallel_loop3A_286] {strides = array<i32>} : memref<4x5120xf32, #tpu.memory_space<vmem>>, vector<1x16xf32>,
          %parallel_loop3A_288 = vector.shape_cast %parallel_loop3A_287 : vector<1x16xf32> to vector<16xf32>
          %parallel_loop3A_289 = arith.constant 0 : i32
          %parallel_loop3A_290 = arith.index_cast %parallel_loop3A_289 : i32 to index
          %parallel_loop3A_291 = arith.index_cast %parallel_loop3A_268 : i32 to index
          %parallel_loop3A_292 = tpu.vector_load %arg10[%parallel_loop3A_290, %parallel_loop3A_291] {strides = array<i32>} : memref<8x5120xf32, #tpu.memory_space<vmem>>, vector<1x16xf32>,
          %parallel_loop3A_293 = vector.shape_cast %parallel_loop3A_292 : vector<1x16xf32> to vector<16xf32>
          %parallel_loop3A_294 = arith.mulf %parallel_loop3A_293, %parallel_loop3A_273 : vector<16xf32>
          %parallel_loop3A_295 = arith.constant 1 : i32
          %parallel_loop3A_296 = arith.index_cast %parallel_loop3A_295 : i32 to index
          %parallel_loop3A_297 = arith.index_cast %parallel_loop3A_268 : i32 to index
          %parallel_loop3A_298 = tpu.vector_load %arg10[%parallel_loop3A_296, %parallel_loop3A_297] {strides = array<i32>} : memref<8x5120xf32, #tpu.memory_space<vmem>>, vector<1x16xf32>,
          %parallel_loop3A_299 = vector.shape_cast %parallel_loop3A_298 : vector<1x16xf32> to vector<16xf32>
          %parallel_loop3A_300 = arith.mulf %parallel_loop3A_299, %parallel_loop3A_278 : vector<16xf32>
          %parallel_loop3A_301 = arith.addf %parallel_loop3A_294, %parallel_loop3A_300 : vector<16xf32>
          %parallel_loop3A_302 = arith.constant 2 : i32
          %parallel_loop3A_303 = arith.index_cast %parallel_loop3A_302 : i32 to index
          %parallel_loop3A_304 = arith.index_cast %parallel_loop3A_268 : i32 to index
          %parallel_loop3A_305 = tpu.vector_load %arg10[%parallel_loop3A_303, %parallel_loop3A_304] {strides = array<i32>} : memref<8x5120xf32, #tpu.memory_space<vmem>>, vector<1x16xf32>,
          %parallel_loop3A_306 = vector.shape_cast %parallel_loop3A_305 : vector<1x16xf32> to vector<16xf32>
          %parallel_loop3A_307 = arith.mulf %parallel_loop3A_306, %parallel_loop3A_283 : vector<16xf32>
          %parallel_loop3A_308 = arith.constant 3 : i32
          %parallel_loop3A_309 = arith.index_cast %parallel_loop3A_308 : i32 to index
          %parallel_loop3A_310 = arith.index_cast %parallel_loop3A_268 : i32 to index
          %parallel_loop3A_311 = tpu.vector_load %arg10[%parallel_loop3A_309, %parallel_loop3A_310] {strides = array<i32>} : memref<8x5120xf32, #tpu.memory_space<vmem>>, vector<1x16xf32>,
          %parallel_loop3A_312 = vector.shape_cast %parallel_loop3A_311 : vector<1x16xf32> to vector<16xf32>
          %parallel_loop3A_313 = arith.mulf %parallel_loop3A_312, %parallel_loop3A_288 : vector<16xf32>
          %parallel_loop3A_314 = arith.addf %parallel_loop3A_307, %parallel_loop3A_313 : vector<16xf32>
          %parallel_loop3A_315 = arith.addf %parallel_loop3A_301, %parallel_loop3A_314 : vector<16xf32>
          %parallel_loop3A_316 = arith.addi %mul3A_202, %parallel_loop3A_268 : i32
          %parallel_loop3A_317 = arith.index_cast %parallel_loop3A_316 : i32 to index
          %parallel_loop3A_318 = tpu.vector_load %arg11[%parallel_loop3A_317] {strides = array<i32>} : memref<20544xf32, #tpu.memory_space<vmem>>, vector<16xf32>,
          %parallel_loop3A_319 = vector.shape_cast %parallel_loop3A_318 : vector<16xf32> to vector<16xf32>
          %parallel_loop3A_320 = vector.shape_cast %parallel_loop3A_315 : vector<16xf32> to vector<16xf32>
          tpu.vector_store %arg11[%parallel_loop3A_317], %parallel_loop3A_320 {strides = array<i32>} : memref<20544xf32, #tpu.memory_space<vmem>>, vector<16xf32>,
          %parallel_loop3A_321 = arith.constant 4 : i32
          %parallel_loop3A_322 = arith.index_cast %parallel_loop3A_321 : i32 to index
          %parallel_loop3A_323 = arith.index_cast %parallel_loop3A_268 : i32 to index
          %parallel_loop3A_324 = tpu.vector_load %arg10[%parallel_loop3A_322, %parallel_loop3A_323] {strides = array<i32>} : memref<8x5120xf32, #tpu.memory_space<vmem>>, vector<1x16xf32>,
          %parallel_loop3A_325 = vector.shape_cast %parallel_loop3A_324 : vector<1x16xf32> to vector<16xf32>
          %parallel_loop3A_326 = arith.mulf %parallel_loop3A_325, %parallel_loop3A_273 : vector<16xf32>
          %parallel_loop3A_327 = arith.constant 5 : i32
          %parallel_loop3A_328 = arith.index_cast %parallel_loop3A_327 : i32 to index
          %parallel_loop3A_329 = arith.index_cast %parallel_loop3A_268 : i32 to index
          %parallel_loop3A_330 = tpu.vector_load %arg10[%parallel_loop3A_328, %parallel_loop3A_329] {strides = array<i32>} : memref<8x5120xf32, #tpu.memory_space<vmem>>, vector<1x16xf32>,
          %parallel_loop3A_331 = vector.shape_cast %parallel_loop3A_330 : vector<1x16xf32> to vector<16xf32>
          %parallel_loop3A_332 = arith.mulf %parallel_loop3A_331, %parallel_loop3A_278 : vector<16xf32>
          %parallel_loop3A_333 = arith.addf %parallel_loop3A_326, %parallel_loop3A_332 : vector<16xf32>
          %parallel_loop3A_334 = arith.constant 6 : i32
          %parallel_loop3A_335 = arith.index_cast %parallel_loop3A_334 : i32 to index
          %parallel_loop3A_336 = arith.index_cast %parallel_loop3A_268 : i32 to index
          %parallel_loop3A_337 = tpu.vector_load %arg10[%parallel_loop3A_335, %parallel_loop3A_336] {strides = array<i32>} : memref<8x5120xf32, #tpu.memory_space<vmem>>, vector<1x16xf32>,
          %parallel_loop3A_338 = vector.shape_cast %parallel_loop3A_337 : vector<1x16xf32> to vector<16xf32>
          %parallel_loop3A_339 = arith.mulf %parallel_loop3A_338, %parallel_loop3A_283 : vector<16xf32>
          %parallel_loop3A_340 = arith.constant 7 : i32
          %parallel_loop3A_341 = arith.index_cast %parallel_loop3A_340 : i32 to index
          %parallel_loop3A_342 = arith.index_cast %parallel_loop3A_268 : i32 to index
          %parallel_loop3A_343 = tpu.vector_load %arg10[%parallel_loop3A_341, %parallel_loop3A_342] {strides = array<i32>} : memref<8x5120xf32, #tpu.memory_space<vmem>>, vector<1x16xf32>,
          %parallel_loop3A_344 = vector.shape_cast %parallel_loop3A_343 : vector<1x16xf32> to vector<16xf32>
          %parallel_loop3A_345 = arith.mulf %parallel_loop3A_344, %parallel_loop3A_288 : vector<16xf32>
          %parallel_loop3A_346 = arith.addf %parallel_loop3A_339, %parallel_loop3A_345 : vector<16xf32>
          %parallel_loop3A_347 = arith.addf %parallel_loop3A_333, %parallel_loop3A_346 : vector<16xf32>
          %parallel_loop3A_348 = arith.addi %mul3A_220, %parallel_loop3A_268 : i32
          %parallel_loop3A_349 = arith.index_cast %parallel_loop3A_348 : i32 to index
          %parallel_loop3A_350 = tpu.vector_load %arg11[%parallel_loop3A_349] {strides = array<i32>} : memref<20544xf32, #tpu.memory_space<vmem>>, vector<16xf32>,
          %parallel_loop3A_351 = vector.shape_cast %parallel_loop3A_350 : vector<16xf32> to vector<16xf32>
          %parallel_loop3A_352 = vector.shape_cast %parallel_loop3A_347 : vector<16xf32> to vector<16xf32>
          tpu.vector_store %arg11[%parallel_loop3A_349], %parallel_loop3A_352 {strides = array<i32>} : memref<20544xf32, #tpu.memory_space<vmem>>, vector<16xf32>,
        } {sc.loop_unroll_factor = 8 : i64, sc.parallel_access}
      } else {
      }
      %not3A_236 = arith.constant true
      %not3A_237 = arith.xori %and3A_232, %not3A_236 : i1
      %and3A_238 = arith.andi %and3A_226, %not3A_237 : i1
      %convert_element_type3A_239 = arith.extui %and3A_238 : i1 to i32
      %cond3A_240 = arith.constant 0 : i32
      %cond3A_241 = arith.cmpi ne, %convert_element_type3A_239, %cond3A_240 : i32
      scf.if %cond3A_241 {
        %parallel_loop3A = arith.constant 0 : i32
        %parallel_loop3A_264 = arith.constant 320 : i32
        %parallel_loop3A_265 = arith.constant 1 : i32
        scf.for %parallel_loop3A_266 = %parallel_loop3A to %parallel_loop3A_264 step %parallel_loop3A_265  : i32 {
          %parallel_loop3A_267 = arith.constant 16 : i32
          %parallel_loop3A_268 = arith.muli %parallel_loop3A_266, %parallel_loop3A_267 : i32
          %parallel_loop3A_269 = arith.constant 0 : i32
          %parallel_loop3A_270 = arith.index_cast %parallel_loop3A_269 : i32 to index
          %parallel_loop3A_271 = arith.index_cast %parallel_loop3A_268 : i32 to index
          %parallel_loop3A_272 = tpu.vector_load %arg8[%parallel_loop3A_270, %parallel_loop3A_271] {strides = array<i32>} : memref<4x5120xf32, #tpu.memory_space<vmem>>, vector<1x16xf32>,
          %parallel_loop3A_273 = vector.shape_cast %parallel_loop3A_272 : vector<1x16xf32> to vector<16xf32>
          %parallel_loop3A_274 = arith.constant 1 : i32
          %parallel_loop3A_275 = arith.index_cast %parallel_loop3A_274 : i32 to index
          %parallel_loop3A_276 = arith.index_cast %parallel_loop3A_268 : i32 to index
          %parallel_loop3A_277 = tpu.vector_load %arg8[%parallel_loop3A_275, %parallel_loop3A_276] {strides = array<i32>} : memref<4x5120xf32, #tpu.memory_space<vmem>>, vector<1x16xf32>,
          %parallel_loop3A_278 = vector.shape_cast %parallel_loop3A_277 : vector<1x16xf32> to vector<16xf32>
          %parallel_loop3A_279 = arith.constant 2 : i32
          %parallel_loop3A_280 = arith.index_cast %parallel_loop3A_279 : i32 to index
          %parallel_loop3A_281 = arith.index_cast %parallel_loop3A_268 : i32 to index
          %parallel_loop3A_282 = tpu.vector_load %arg8[%parallel_loop3A_280, %parallel_loop3A_281] {strides = array<i32>} : memref<4x5120xf32, #tpu.memory_space<vmem>>, vector<1x16xf32>,
          %parallel_loop3A_283 = vector.shape_cast %parallel_loop3A_282 : vector<1x16xf32> to vector<16xf32>
          %parallel_loop3A_284 = arith.constant 3 : i32
          %parallel_loop3A_285 = arith.index_cast %parallel_loop3A_284 : i32 to index
          %parallel_loop3A_286 = arith.index_cast %parallel_loop3A_268 : i32 to index
          %parallel_loop3A_287 = tpu.vector_load %arg8[%parallel_loop3A_285, %parallel_loop3A_286] {strides = array<i32>} : memref<4x5120xf32, #tpu.memory_space<vmem>>, vector<1x16xf32>,
          %parallel_loop3A_288 = vector.shape_cast %parallel_loop3A_287 : vector<1x16xf32> to vector<16xf32>
          %parallel_loop3A_289 = arith.constant 0 : i32
          %parallel_loop3A_290 = arith.index_cast %parallel_loop3A_289 : i32 to index
          %parallel_loop3A_291 = arith.index_cast %parallel_loop3A_268 : i32 to index
          %parallel_loop3A_292 = tpu.vector_load %arg10[%parallel_loop3A_290, %parallel_loop3A_291] {strides = array<i32>} : memref<8x5120xf32, #tpu.memory_space<vmem>>, vector<1x16xf32>,
          %parallel_loop3A_293 = vector.shape_cast %parallel_loop3A_292 : vector<1x16xf32> to vector<16xf32>
          %parallel_loop3A_294 = arith.mulf %parallel_loop3A_293, %parallel_loop3A_273 : vector<16xf32>
          %parallel_loop3A_295 = arith.constant 1 : i32
          %parallel_loop3A_296 = arith.index_cast %parallel_loop3A_295 : i32 to index
          %parallel_loop3A_297 = arith.index_cast %parallel_loop3A_268 : i32 to index
          %parallel_loop3A_298 = tpu.vector_load %arg10[%parallel_loop3A_296, %parallel_loop3A_297] {strides = array<i32>} : memref<8x5120xf32, #tpu.memory_space<vmem>>, vector<1x16xf32>,
          %parallel_loop3A_299 = vector.shape_cast %parallel_loop3A_298 : vector<1x16xf32> to vector<16xf32>
          %parallel_loop3A_300 = arith.mulf %parallel_loop3A_299, %parallel_loop3A_278 : vector<16xf32>
          %parallel_loop3A_301 = arith.addf %parallel_loop3A_294, %parallel_loop3A_300 : vector<16xf32>
          %parallel_loop3A_302 = arith.constant 2 : i32
          %parallel_loop3A_303 = arith.index_cast %parallel_loop3A_302 : i32 to index
          %parallel_loop3A_304 = arith.index_cast %parallel_loop3A_268 : i32 to index
          %parallel_loop3A_305 = tpu.vector_load %arg10[%parallel_loop3A_303, %parallel_loop3A_304] {strides = array<i32>} : memref<8x5120xf32, #tpu.memory_space<vmem>>, vector<1x16xf32>,
          %parallel_loop3A_306 = vector.shape_cast %parallel_loop3A_305 : vector<1x16xf32> to vector<16xf32>
          %parallel_loop3A_307 = arith.mulf %parallel_loop3A_306, %parallel_loop3A_283 : vector<16xf32>
          %parallel_loop3A_308 = arith.constant 3 : i32
          %parallel_loop3A_309 = arith.index_cast %parallel_loop3A_308 : i32 to index
          %parallel_loop3A_310 = arith.index_cast %parallel_loop3A_268 : i32 to index
          %parallel_loop3A_311 = tpu.vector_load %arg10[%parallel_loop3A_309, %parallel_loop3A_310] {strides = array<i32>} : memref<8x5120xf32, #tpu.memory_space<vmem>>, vector<1x16xf32>,
          %parallel_loop3A_312 = vector.shape_cast %parallel_loop3A_311 : vector<1x16xf32> to vector<16xf32>
          %parallel_loop3A_313 = arith.mulf %parallel_loop3A_312, %parallel_loop3A_288 : vector<16xf32>
          %parallel_loop3A_314 = arith.addf %parallel_loop3A_307, %parallel_loop3A_313 : vector<16xf32>
          %parallel_loop3A_315 = arith.addf %parallel_loop3A_301, %parallel_loop3A_314 : vector<16xf32>
          %parallel_loop3A_316 = arith.addi %mul3A_202, %parallel_loop3A_268 : i32
          %parallel_loop3A_317 = arith.index_cast %parallel_loop3A_316 : i32 to index
          %parallel_loop3A_318 = tpu.vector_load %arg11[%parallel_loop3A_317] {strides = array<i32>} : memref<20544xf32, #tpu.memory_space<vmem>>, vector<16xf32>,
          %parallel_loop3A_319 = vector.shape_cast %parallel_loop3A_318 : vector<16xf32> to vector<16xf32>
          %parallel_loop3A_320 = vector.shape_cast %parallel_loop3A_315 : vector<16xf32> to vector<16xf32>
          tpu.vector_store %arg11[%parallel_loop3A_317], %parallel_loop3A_320 {strides = array<i32>} : memref<20544xf32, #tpu.memory_space<vmem>>, vector<16xf32>,
        } {sc.loop_unroll_factor = 8 : i64, sc.parallel_access}
      } else {
      }
      %ge3A_242 = arith.constant 2 : i32
      %ge3A_243 = arith.cmpi sge, %mul3A_182, %ge3A_242 : i32
      %and3A_244 = arith.andi %and3A_226, %ge3A_243 : i1
      %convert_element_type3A_245 = arith.extui %and3A_244 : i1 to i32
      %cond3A_246 = arith.constant 0 : i32
      %cond3A_247 = arith.cmpi ne, %convert_element_type3A_245, %cond3A_246 : i32
      scf.if %cond3A_247 {
        %sub3A_264 = arith.constant 2 : i32
        %sub3A_265 = arith.subi %mul3A_182, %sub3A_264 : i32
        %jit3A_266 = arith.constant 4 : i32
        %eq3A_267 = arith.constant 0 : i32
        %eq3A_268 = arith.cmpi eq, %jit3A_266, %eq3A_267 : i32
        %jit3A_269 = arith.constant 1 : i32
        %select_n3A_270 = arith.select %eq3A_268, %jit3A_269, %jit3A_266 : i32
        %rem3A_271 = arith.remsi %sub3A_265, %select_n3A_270 : i32
        %ne3A_272 = arith.constant 0 : i32
        %ne3A_273 = arith.cmpi ne, %rem3A_271, %ne3A_272 : i32
        %lt3A_274 = arith.constant 0 : i32
        %lt3A_275 = arith.cmpi slt, %rem3A_271, %lt3A_274 : i32
        %lt3A_276 = arith.constant 0 : i32
        %lt3A_277 = arith.cmpi slt, %select_n3A_270, %lt3A_276 : i32
        %ne3A_278 = arith.xori %lt3A_275, %lt3A_277 : i1
        %and3A_279 = arith.andi %ne3A_278, %ne3A_273 : i1
        %add3A_280 = arith.addi %rem3A_271, %select_n3A_270 : i32
        %select_n3A_281 = arith.select %and3A_279, %add3A_280, %rem3A_271 : i32
        %mul3A_282 = arith.constant 5136 : i32
        %mul3A_283 = arith.muli %select_n3A_281, %mul3A_282 : i32
        %sub3A_284 = arith.constant 1 : i32
        %sub3A_285 = arith.subi %mul3A_182, %sub3A_284 : i32
        %jit3A_286 = arith.constant 4 : i32
        %eq3A_287 = arith.constant 0 : i32
        %eq3A_288 = arith.cmpi eq, %jit3A_286, %eq3A_287 : i32
        %jit3A_289 = arith.constant 1 : i32
        %select_n3A_290 = arith.select %eq3A_288, %jit3A_289, %jit3A_286 : i32
        %rem3A_291 = arith.remsi %sub3A_285, %select_n3A_290 : i32
        %ne3A_292 = arith.constant 0 : i32
        %ne3A_293 = arith.cmpi ne, %rem3A_291, %ne3A_292 : i32
        %lt3A_294 = arith.constant 0 : i32
        %lt3A_295 = arith.cmpi slt, %rem3A_291, %lt3A_294 : i32
        %lt3A_296 = arith.constant 0 : i32
        %lt3A_297 = arith.cmpi slt, %select_n3A_290, %lt3A_296 : i32
        %ne3A_298 = arith.xori %lt3A_295, %lt3A_297 : i1
        %and3A_299 = arith.andi %ne3A_298, %ne3A_293 : i1
        %add3A_300 = arith.addi %rem3A_291, %select_n3A_290 : i32
        %select_n3A_301 = arith.select %and3A_299, %add3A_300, %rem3A_291 : i32
        %mul3A_302 = arith.constant 5136 : i32
        %mul3A_303 = arith.muli %select_n3A_301, %mul3A_302 : i32
        %parallel_loop3A = arith.constant 0 : i32
        %parallel_loop3A_304 = arith.constant 320 : i32
        %parallel_loop3A_305 = arith.constant 1 : i32
        scf.for %parallel_loop3A_306 = %parallel_loop3A to %parallel_loop3A_304 step %parallel_loop3A_305  : i32 {
          %parallel_loop3A_307 = arith.constant 16 : i32
          %parallel_loop3A_308 = arith.muli %parallel_loop3A_306, %parallel_loop3A_307 : i32
          %parallel_loop3A_309 = arith.addi %mul3A_283, %parallel_loop3A_308 : i32
          %parallel_loop3A_310 = arith.index_cast %parallel_loop3A_309 : i32 to index
          %parallel_loop3A_311 = tpu.vector_load %arg11[%parallel_loop3A_310] {strides = array<i32>} : memref<20544xf32, #tpu.memory_space<vmem>>, vector<16xf32>,
          %parallel_loop3A_312 = vector.shape_cast %parallel_loop3A_311 : vector<16xf32> to vector<16xf32>
          %parallel_loop3A_313 = arith.addi %mul3A_303, %parallel_loop3A_308 : i32
          %parallel_loop3A_314 = arith.constant 1 : i32
          %parallel_loop3A_315 = arith.addi %parallel_loop3A_313, %parallel_loop3A_314 : i32
          %parallel_loop3A_316 = arith.index_cast %parallel_loop3A_315 : i32 to index
          %parallel_loop3A_317 = tpu.vector_load %arg11[%parallel_loop3A_316] {strides = array<i32>} : memref<20544xf32, #tpu.memory_space<vmem>>, vector<16xf32>,
          %parallel_loop3A_318 = vector.shape_cast %parallel_loop3A_317 : vector<16xf32> to vector<16xf32>
          %parallel_loop3A_319 = arith.addi %mul3A_202, %parallel_loop3A_308 : i32
          %parallel_loop3A_320 = arith.constant 2 : i32
          %parallel_loop3A_321 = arith.addi %parallel_loop3A_319, %parallel_loop3A_320 : i32
          %parallel_loop3A_322 = arith.index_cast %parallel_loop3A_321 : i32 to index
          %parallel_loop3A_323 = tpu.vector_load %arg11[%parallel_loop3A_322] {strides = array<i32>} : memref<20544xf32, #tpu.memory_space<vmem>>, vector<16xf32>,
          %parallel_loop3A_324 = vector.shape_cast %parallel_loop3A_323 : vector<16xf32> to vector<16xf32>
          %parallel_loop3A_325 = arith.mulf %parallel_loop3A_312, %parallel_loop3A_318 : vector<16xf32>
          %parallel_loop3A_326 = arith.mulf %parallel_loop3A_325, %parallel_loop3A_324 : vector<16xf32>
          %parallel_loop3A_327 = arith.index_cast %parallel_loop3A_308 : i32 to index
          %parallel_loop3A_328 = tpu.vector_load %arg12[%parallel_loop3A_327] {strides = array<i32>} : memref<5120xf32, #tpu.memory_space<vmem>>, vector<16xf32>,
          %parallel_loop3A_329 = vector.shape_cast %parallel_loop3A_328 : vector<16xf32> to vector<16xf32>
          %parallel_loop3A_330 = vector.shape_cast %parallel_loop3A_326 : vector<16xf32> to vector<16xf32>
          tpu.vector_store %arg12[%parallel_loop3A_327], %parallel_loop3A_330 {add = true, strides = array<i32>} : memref<5120xf32, #tpu.memory_space<vmem>>, vector<16xf32>,
        } {sc.loop_unroll_factor = 8 : i64, sc.parallel_access}
      } else {
      }
      %ge3A_248 = arith.constant 2 : i32
      %ge3A_249 = arith.cmpi sge, %add3A_184, %ge3A_248 : i32
      %and3A_250 = arith.andi %and3A_232, %ge3A_249 : i1
      %convert_element_type3A_251 = arith.extui %and3A_250 : i1 to i32
      %cond3A_252 = arith.constant 0 : i32
      %cond3A_253 = arith.cmpi ne, %convert_element_type3A_251, %cond3A_252 : i32
      scf.if %cond3A_253 {
        %sub3A_264 = arith.constant 2 : i32
        %sub3A_265 = arith.subi %add3A_184, %sub3A_264 : i32
        %jit3A_266 = arith.constant 4 : i32
        %eq3A_267 = arith.constant 0 : i32
        %eq3A_268 = arith.cmpi eq, %jit3A_266, %eq3A_267 : i32
        %jit3A_269 = arith.constant 1 : i32
        %select_n3A_270 = arith.select %eq3A_268, %jit3A_269, %jit3A_266 : i32
        %rem3A_271 = arith.remsi %sub3A_265, %select_n3A_270 : i32
        %ne3A_272 = arith.constant 0 : i32
        %ne3A_273 = arith.cmpi ne, %rem3A_271, %ne3A_272 : i32
        %lt3A_274 = arith.constant 0 : i32
        %lt3A_275 = arith.cmpi slt, %rem3A_271, %lt3A_274 : i32
        %lt3A_276 = arith.constant 0 : i32
        %lt3A_277 = arith.cmpi slt, %select_n3A_270, %lt3A_276 : i32
        %ne3A_278 = arith.xori %lt3A_275, %lt3A_277 : i1
        %and3A_279 = arith.andi %ne3A_278, %ne3A_273 : i1
        %add3A_280 = arith.addi %rem3A_271, %select_n3A_270 : i32
        %select_n3A_281 = arith.select %and3A_279, %add3A_280, %rem3A_271 : i32
        %mul3A_282 = arith.constant 5136 : i32
        %mul3A_283 = arith.muli %select_n3A_281, %mul3A_282 : i32
        %sub3A_284 = arith.constant 1 : i32
        %sub3A_285 = arith.subi %add3A_184, %sub3A_284 : i32
        %jit3A_286 = arith.constant 4 : i32
        %eq3A_287 = arith.constant 0 : i32
        %eq3A_288 = arith.cmpi eq, %jit3A_286, %eq3A_287 : i32
        %jit3A_289 = arith.constant 1 : i32
        %select_n3A_290 = arith.select %eq3A_288, %jit3A_289, %jit3A_286 : i32
        %rem3A_291 = arith.remsi %sub3A_285, %select_n3A_290 : i32
        %ne3A_292 = arith.constant 0 : i32
        %ne3A_293 = arith.cmpi ne, %rem3A_291, %ne3A_292 : i32
        %lt3A_294 = arith.constant 0 : i32
        %lt3A_295 = arith.cmpi slt, %rem3A_291, %lt3A_294 : i32
        %lt3A_296 = arith.constant 0 : i32
        %lt3A_297 = arith.cmpi slt, %select_n3A_290, %lt3A_296 : i32
        %ne3A_298 = arith.xori %lt3A_295, %lt3A_297 : i1
        %and3A_299 = arith.andi %ne3A_298, %ne3A_293 : i1
        %add3A_300 = arith.addi %rem3A_291, %select_n3A_290 : i32
        %select_n3A_301 = arith.select %and3A_299, %add3A_300, %rem3A_291 : i32
        %mul3A_302 = arith.constant 5136 : i32
        %mul3A_303 = arith.muli %select_n3A_301, %mul3A_302 : i32
        %parallel_loop3A = arith.constant 0 : i32
        %parallel_loop3A_304 = arith.constant 320 : i32
        %parallel_loop3A_305 = arith.constant 1 : i32
        scf.for %parallel_loop3A_306 = %parallel_loop3A to %parallel_loop3A_304 step %parallel_loop3A_305  : i32 {
          %parallel_loop3A_307 = arith.constant 16 : i32
          %parallel_loop3A_308 = arith.muli %parallel_loop3A_306, %parallel_loop3A_307 : i32
          %parallel_loop3A_309 = arith.addi %mul3A_283, %parallel_loop3A_308 : i32
          %parallel_loop3A_310 = arith.index_cast %parallel_loop3A_309 : i32 to index
          %parallel_loop3A_311 = tpu.vector_load %arg11[%parallel_loop3A_310] {strides = array<i32>} : memref<20544xf32, #tpu.memory_space<vmem>>, vector<16xf32>,
          %parallel_loop3A_312 = vector.shape_cast %parallel_loop3A_311 : vector<16xf32> to vector<16xf32>
          %parallel_loop3A_313 = arith.addi %mul3A_303, %parallel_loop3A_308 : i32
          %parallel_loop3A_314 = arith.constant 1 : i32
          %parallel_loop3A_315 = arith.addi %parallel_loop3A_313, %parallel_loop3A_314 : i32
          %parallel_loop3A_316 = arith.index_cast %parallel_loop3A_315 : i32 to index
          %parallel_loop3A_317 = tpu.vector_load %arg11[%parallel_loop3A_316] {strides = array<i32>} : memref<20544xf32, #tpu.memory_space<vmem>>, vector<16xf32>,
          %parallel_loop3A_318 = vector.shape_cast %parallel_loop3A_317 : vector<16xf32> to vector<16xf32>
          %parallel_loop3A_319 = arith.addi %mul3A_220, %parallel_loop3A_308 : i32
          %parallel_loop3A_320 = arith.constant 2 : i32
          %parallel_loop3A_321 = arith.addi %parallel_loop3A_319, %parallel_loop3A_320 : i32
          %parallel_loop3A_322 = arith.index_cast %parallel_loop3A_321 : i32 to index
          %parallel_loop3A_323 = tpu.vector_load %arg11[%parallel_loop3A_322] {strides = array<i32>} : memref<20544xf32, #tpu.memory_space<vmem>>, vector<16xf32>,
          %parallel_loop3A_324 = vector.shape_cast %parallel_loop3A_323 : vector<16xf32> to vector<16xf32>
          %parallel_loop3A_325 = arith.mulf %parallel_loop3A_312, %parallel_loop3A_318 : vector<16xf32>
          %parallel_loop3A_326 = arith.mulf %parallel_loop3A_325, %parallel_loop3A_324 : vector<16xf32>
          %parallel_loop3A_327 = arith.index_cast %parallel_loop3A_308 : i32 to index
          %parallel_loop3A_328 = tpu.vector_load %arg12[%parallel_loop3A_327] {strides = array<i32>} : memref<5120xf32, #tpu.memory_space<vmem>>, vector<16xf32>,
          %parallel_loop3A_329 = vector.shape_cast %parallel_loop3A_328 : vector<16xf32> to vector<16xf32>
          %parallel_loop3A_330 = vector.shape_cast %parallel_loop3A_326 : vector<16xf32> to vector<16xf32>
          tpu.vector_store %arg12[%parallel_loop3A_327], %parallel_loop3A_330 {add = true, strides = array<i32>} : memref<5120xf32, #tpu.memory_space<vmem>>, vector<16xf32>,
        } {sc.loop_unroll_factor = 8 : i64, sc.parallel_access}
      } else {
      }
      %mul3A_254 = arith.constant 2 : i32
      %mul3A_255 = arith.muli %mul3A_254, %scan3A_74 : i32
      %add3A_256 = arith.constant 3 : i32
      %add3A_257 = arith.addi %mul3A_255, %add3A_256 : i32
      %lt3A_258 = arith.constant 34 : i32
      %lt3A_259 = arith.cmpi slt, %add3A_257, %lt3A_258 : i32
      %convert_element_type3A_260 = arith.extui %lt3A_259 : i1 to i32
      %cond3A_261 = arith.constant 0 : i32
      %cond3A_262 = arith.cmpi ne, %convert_element_type3A_260, %cond3A_261 : i32
      scf.if %cond3A_262 {
        %mul3A_264 = arith.constant 2 : i32
        %mul3A_265 = arith.muli %mul3A_264, %scan3A_74 : i32
        %add3A_266 = arith.constant 3 : i32
        %add3A_267 = arith.addi %mul3A_265, %add3A_266 : i32
        %mul3A_268 = arith.constant 8 : i32
        %mul3A_269 = arith.muli %add3A_267, %mul3A_268 : i32
        %eq3A_270 = arith.constant 0 : i32
        %eq3A_271 = arith.cmpi eq, %arg0, %eq3A_270 : i32
        %convert_element_type3A_272 = arith.extui %eq3A_271 : i1 to i32
        %cond3A_273 = arith.constant 0 : i32
        %cond3A_274 = arith.cmpi ne, %convert_element_type3A_272, %cond3A_273 : i32
        scf.if %cond3A_274 {
          %dma_start3A = tpu.memref_slice %arg7[%mul3A_269] : memref<272xi32, #tpu.memory_space<vmem>> -> memref<8xi32, #tpu.memory_space<vmem>>
          %dma_start3A_280 = arith.constant 0 : i32
          %dma_start3A_281 = arith.constant 0 : i32
          %dma_start3A_282 = tpu.memref_slice %arg2[%dma_start3A_280, %dma_start3A_281] : memref<1024x10000xf32, #tpu.memory_space<hbm>> -> memref<1024x5120xf32, #tpu.memory_space<hbm>>
          tpu.enqueue_indirect_dma source(%dma_start3A_282 : memref<1024x5120xf32, #tpu.memory_space<hbm>>) target(%arg10 : memref<8x5120xf32, #tpu.memory_space<vmem>>) offsets(%dma_start3A : memref<8xi32, #tpu.memory_space<vmem>>) semaphore(%arg14 : memref<!tpu.dma_semaphore, #tpu.memory_space<semaphore_mem>>)
        } else {
        }
        %eq3A_275 = arith.constant 1 : i32
        %eq3A_276 = arith.cmpi eq, %arg0, %eq3A_275 : i32
        %convert_element_type3A_277 = arith.extui %eq3A_276 : i1 to i32
        %cond3A_278 = arith.constant 0 : i32
        %cond3A_279 = arith.cmpi ne, %convert_element_type3A_277, %cond3A_278 : i32
        scf.if %cond3A_279 {
          %dma_start3A = arith.constant 0 : i32
          %dma_start3A_280 = arith.constant 0 : i32
          %dma_start3A_281 = tpu.memref_slice %arg10[%dma_start3A, %dma_start3A_280] : memref<8x5120xf32, #tpu.memory_space<vmem>> -> memref<8x4992xf32, #tpu.memory_space<vmem>>
          %dma_start3A_282 = tpu.memref_slice %arg7[%mul3A_269] : memref<272xi32, #tpu.memory_space<vmem>> -> memref<8xi32, #tpu.memory_space<vmem>>
          %dma_start3A_283 = arith.constant 0 : i32
          %dma_start3A_284 = arith.constant 4992 : i32
          %dma_start3A_285 = tpu.memref_slice %arg2[%dma_start3A_283, %dma_start3A_284] : memref<1024x10000xf32, #tpu.memory_space<hbm>> -> memref<1024x4992xf32, #tpu.memory_space<hbm>>
          tpu.enqueue_indirect_dma source(%dma_start3A_285 : memref<1024x4992xf32, #tpu.memory_space<hbm>>) target(%dma_start3A_281 : memref<8x4992xf32, #tpu.memory_space<vmem>>) offsets(%dma_start3A_282 : memref<8xi32, #tpu.memory_space<vmem>>) semaphore(%arg14 : memref<!tpu.dma_semaphore, #tpu.memory_space<semaphore_mem>>)
          %dma_start3A_286 = arith.constant 0 : i32
          %dma_start3A_287 = arith.constant 4992 : i32
          %dma_start3A_288 = tpu.memref_slice %arg10[%dma_start3A_286, %dma_start3A_287] : memref<8x5120xf32, #tpu.memory_space<vmem>> -> memref<8x128xf32, #tpu.memory_space<vmem>>
          %dma_start3A_289 = tpu.memref_slice %arg7[%mul3A_269] : memref<272xi32, #tpu.memory_space<vmem>> -> memref<8xi32, #tpu.memory_space<vmem>>
          %dma_start3A_290 = arith.constant 0 : i32
          %dma_start3A_291 = arith.constant 0 : i32
          %dma_start3A_292 = tpu.memref_slice %arg3[%dma_start3A_290, %dma_start3A_291] : memref<1024x128xf32, #tpu.memory_space<hbm>> -> memref<1024x128xf32, #tpu.memory_space<hbm>>
          tpu.enqueue_indirect_dma source(%dma_start3A_292 : memref<1024x128xf32, #tpu.memory_space<hbm>>) target(%dma_start3A_288 : memref<8x128xf32, #tpu.memory_space<vmem>>) offsets(%dma_start3A_289 : memref<8xi32, #tpu.memory_space<vmem>>) semaphore(%arg14 : memref<!tpu.dma_semaphore, #tpu.memory_space<semaphore_mem>>)
        } else {
        }
      } else {
      }
      %scan3A_263 = arith.constant 0 : i32
      scf.yield %scan3A_263 : i32
    }
    %scan3A_68 = arith.constant 17 : i32
    %mul3A_69 = arith.constant 16 : i32
    %mul3A_70 = arith.muli %arg0, %mul3A_69 : i32
    %add3A_71 = arith.addi %mul3A_70, %arg1 : i32
    %mul3A_72 = arith.constant 5120 : i32
    %mul3A_73 = arith.muli %add3A_71, %mul3A_72 : i32
    "tpu.region"() ({
      %run_scoped3A = tpu.sem_alloc : memref<!tpu.dma_semaphore, #tpu.memory_space<semaphore_mem>>
      %dma_start3A = tpu.memref_slice %arg6[%mul3A_73] : memref<163840xf32, #tpu.memory_space<hbm>> -> memref<5120xf32, #tpu.memory_space<hbm>>
      %dma_start3A_74 = tpu.memref_slice %arg6[%mul3A_73] : memref<163840xf32, #tpu.memory_space<hbm>> -> memref<5120xf32, #tpu.memory_space<hbm>>
      tpu.enqueue_dma source(%arg12 : memref<5120xf32, #tpu.memory_space<vmem>>) target(%dma_start3A_74 : memref<5120xf32, #tpu.memory_space<hbm>>) target_semaphore(%run_scoped3A : memref<!tpu.dma_semaphore, #tpu.memory_space<semaphore_mem>>)
      %dma_wait3A = tpu.memref_slice %arg6[%mul3A_73] : memref<163840xf32, #tpu.memory_space<hbm>> -> memref<5120xf32, #tpu.memory_space<hbm>>
      %dma_wait3A_75 = tpu.memref_slice %arg6[%mul3A_73] : memref<163840xf32, #tpu.memory_space<hbm>> -> memref<5120xf32, #tpu.memory_space<hbm>>
      tpu.wait_dma2 semaphore(%run_scoped3A : memref<!tpu.dma_semaphore, #tpu.memory_space<semaphore_mem>>) src(%arg12 : memref<5120xf32, #tpu.memory_space<vmem>>) dst(%dma_wait3A_75 : memref<5120xf32, #tpu.memory_space<hbm>>)
      tpu.yield
    }) : () -> ()
    return
  }
}

</mosaic_0001>

<sc_bundles>
// kernel: kernel.3.cloned.1.call-start
scs
__scs_entry_jumppad:
0x0: {  	(pc) =	sbr.rel $0x88, $3  }
0x1: {  	(tag) =	ssettag $0x0;
	lr =	simm.s32 $0x1  }
0x2: {  	[smem:$0x3F9B] =	sst lr;
	_ =	strace $0xD0000000  }
0x3: {  	_ = 	snop  }
0x4: {  	_ = 	snop  }
0x5: {  	_ = 	snop  }
0x6: {  	_ = 	snop  }
0x7: {  	_ = 	snop  }
__scs_overlays_trampoline_lowered:
0x8: {  	[smem:$0x3FAA] =	sst s0  }
0x9: {  	[smem:$0x3FAB] =	sst s1  }
0xa: {  	[smem:$0x3FAC] =	sst s2  }
0xb: {  	[smem:$0x3FAD] =	sst s3  }
0xc: {  	[smem:$0x3FAE] =	sst s4  }
0xd: {  	[smem:$0x3FAF] =	sst s5  }
0xe: {  	[smem:$0x3FB0] =	sst s6  }
0xf: {  	[smem:$0x3FB1] =	sst s7  }
0x10: {  	[smem:$0x3FB2] =	sst s8  }
0x11: {  	[smem:$0x3FB3] =	sst s9;
	s0 =	simm.s32 @!p0 $0x0  }
0x12: {  	s1 =	sld [smem:$0x3F99];
	s0 =	simm.s32 @p0 $0x1  }
0x13: {  	[smem:$0x3FB4] =	sst s0;
	s0 =	simm.s32 @!p1 $0x0  }
0x14: {  	s2 =	sld [smem:$0x3F98];
	s0 =	simm.s32 @p1 $0x1  }
0x15: {  	[smem:$0x3FB5] =	sst s0;
	s0 =	simm.s32 @!p2 $0x0  }
0x16: {  	s3 =	sld [smem:$0x3FDB];
	s0 =	simm.s32 @p2 $0x1  }
0x17: {  	s4 =	simm.s32 $0x1BF5;
	[smem:$0x3FB7] =	sst s0  }
0x18: {  	s0 =	sld [smem:$0x3F9A];
	_ =	swait.ge [sflag:s4], $0x0  }
0x19: {  	s7 =	sld [smem:$0x3F9B]  }
0x1a: {  	s8 =	sadd.s32 $0xFFFFE003, lr  }
0x1b: {  	s9 =	sadd.s32 $0xFFFFFEF7, lr;
	s5 =	simm.s32 $0xFFFFFFFF;
	p2 =	slt.u32 s8, $0xFFFFF086  }
0x1c: {  	p1 =	slt.u32 s9, $0xF7A;
	s5 =	simm.s32 @!p2 $0x0  }
0x1d: {  	s5 =	simm.s32 @p1 $0x1;
	p0 =	seq.s32 s7, s2  }
0x1e: {  	s7 =	smul.u32 @!p0 $0xF7A, s2;
	p2 =	seq.s32 @!p0 s5, $0x0  }
0x1f: {  	s9 =	smul.u32 $0xF7A, s1;
	s8 =	simm.s32 @!p0 $0x1BF5;
	p2 =	por !p2, p0  }
0x20: {  	[sflag:s8] =	ssyncset.s32 @!p0 $0xFFFFF086;
	s6 =	sadd.s32 @!p0 s3, s7;
	s7 =	simm.s32 @!p0 $0x108  }
0x21: {  	s3 =	sadd.s32 s3, s9;
	s6 =	sadd.s32 @!p0 $0x88, s6;
	s7 =	simm.s32 @p2 $0x1082  }
0x22: {  	[simem:s7], [sflag:s8] =	dma.local @!p0 [hbm:s6], $0xF7A  }
0x23: {  	s9 =	sor.u32 $0xD0000000, s2;
	s6 =	simm.s32 $0x108;
	_ =	swait.ge @!p0 [sflag:s8], $0x0  }
0x24: {  	s3 =	sadd.s32 $0x88, s3;
	s6 =	simm.s32 @!p1 $0x1082;
	[sflag:s4] =	ssyncset.s32 $0xFFFFF086  }
0x25: {  	[simem:s6], [sflag:s4] =	dma.local [hbm:s3], $0xF7A  }
0x26: {  	[smem:$0x3F9B] =	sst s1;
	(tag) =	ssettag s2;
	_ =	strace s9  }
0x27: {  	s1 =	sld [smem:$0x3FAB]  }
0x28: {  	s2 =	sld [smem:$0x3FAC]  }
0x29: {  	s4 =	sld [smem:$0x3FAE]  }
0x2a: {  	p0 =	seq.s32 s5, $0x0;
	s5 =	sld [smem:$0x3FAF]  }
0x2b: {  	s6 =	sld [smem:$0x3FB0]  }
0x2c: {  	s7 =	sld [smem:$0x3FB1]  }
0x2d: {  	s3 =	simm.s32 $0x108;
	s8 =	sld [smem:$0x3FB2]  }
0x2e: {  	s3 =	simm.s32 @!p0 $0x1082;
	s9 =	sld [smem:$0x3FB3]  }
0x2f: {  	lr =	sadd.s32 s0, s3;
	s0 =	sld [smem:$0x3FAA]  }
0x30: {  	s3 =	sld [smem:$0x3FAD]  }
0x31: {  	[smem:$0x3FB6] =	sst s10  }
0x32: {  	s10 =	sld [smem:$0x3FB4];
	_ =	sdelay $0x3  }
0x33: {  	p0 =	seq.s32 s10, $0x1;
	s10 =	sld [smem:$0x3FB6];
	_ =	sdelay $0x3  }
0x34: {  	[smem:$0x3FB6] =	sst s10  }
0x35: {  	s10 =	sld [smem:$0x3FB5];
	_ =	sdelay $0x3  }
0x36: {  	p1 =	seq.s32 s10, $0x1;
	s10 =	sld [smem:$0x3FB6];
	_ =	sdelay $0x3  }
0x37: {  	[smem:$0x3FB6] =	sst s10  }
0x38: {  	s10 =	sld [smem:$0x3FB7]  }
0x39: {  	_ = 	snop;
	(pc) =	sbr.ind lr, $3  }
0x3a: {  	_ = 	snop  }
0x3b: {  	_ = 	snop  }
0x3c: {  	p2 =	seq.s32 s10, $0x1;
	s10 =	sld [smem:$0x3FB6]  }
0x3d: {  	_ =	shalt  }
0x3e: {  	_ =	shalt  }
0x3f: {  	_ =	shalt  }
0x40: {  	_ =	shalt  }
0x41: {  	_ =	shalt  }
0x42: {  	_ =	shalt  }
0x43: {  	_ =	shalt  }
0x44: {  	_ =	shalt  }
0x45: {  	_ =	shalt  }
0x46: {  	_ =	shalt  }
0x47: {  	_ =	shalt  }
0x48: {  	_ =	shalt  }
0x49: {  	_ =	shalt  }
0x4a: {  	_ =	shalt  }
0x4b: {  	_ =	shalt  }
0x4c: {  	_ =	shalt  }
0x4d: {  	_ =	shalt  }
0x4e: {  	_ =	shalt  }
0x4f: {  	_ =	shalt  }
0x50: {  	_ =	shalt  }
0x51: {  	_ =	shalt  }
0x52: {  	_ =	shalt  }
0x53: {  	_ =	shalt  }
0x54: {  	_ =	shalt  }
0x55: {  	_ =	shalt  }
0x56: {  	_ =	shalt  }
0x57: {  	_ =	shalt  }
0x58: {  	_ =	shalt  }
0x59: {  	_ =	shalt  }
0x5a: {  	_ =	shalt  }
0x5b: {  	_ =	shalt  }
0x5c: {  	_ =	shalt  }
0x5d: {  	_ =	shalt  }
0x5e: {  	_ =	shalt  }
0x5f: {  	_ =	shalt  }
0x60: {  	_ =	shalt  }
0x61: {  	_ =	shalt  }
0x62: {  	_ =	shalt  }
0x63: {  	_ =	shalt  }
0x64: {  	_ =	shalt  }
0x65: {  	_ =	shalt  }
0x66: {  	_ =	shalt  }
0x67: {  	_ =	shalt  }
0x68: {  	_ =	shalt  }
0x69: {  	_ =	shalt  }
0x6a: {  	_ =	shalt  }
0x6b: {  	_ =	shalt  }
0x6c: {  	_ =	shalt  }
0x6d: {  	_ =	shalt  }
0x6e: {  	_ =	shalt  }
0x6f: {  	_ =	shalt  }
0x70: {  	_ =	shalt  }
0x71: {  	_ =	shalt  }
0x72: {  	_ =	shalt  }
0x73: {  	_ =	shalt  }
0x74: {  	_ =	shalt  }
0x75: {  	_ =	shalt  }
0x76: {  	_ =	shalt  }
0x77: {  	_ =	shalt  }
0x78: {  	_ =	shalt  }
0x79: {  	_ =	shalt  }
0x7a: {  	_ =	shalt  }
0x7b: {  	_ =	shalt  }
0x7c: {  	_ =	shalt  }
0x7d: {  	_ =	shalt  }
0x7e: {  	_ =	shalt  }
0x7f: {  	_ =	shalt  }
0x80: {  	_ =	shalt  }
0x81: {  	_ =	shalt  }
0x82: {  	_ =	shalt  }
0x83: {  	_ =	shalt  }
0x84: {  	_ =	shalt  }
0x85: {  	_ =	shalt  }
0x86: {  	_ =	shalt  }
0x87: {  	_ =	shalt  }
.Lfunc_end0:
.L_simem_size_0:
called_computation_lowered:
.L_overlay_start_0:
0x88: {  	s2 =	sld [smem:$0x3FD9]  }
0x89: {  	s3 =	sld [smem:$0x3FFE];
	_ =	sdelay $0x1  }
0x8a: {  	s1 =	srdreg.scid  }
0x8b: {  	s0 =	sand.u32 $0x1, s1  }
0x8c: {  	s17 =	sshll.u32 s0, $0xA;
	s2 =	sadd.s32 s3, s2  }
0x8d: {  	s2 =	sadd.s32 s2, s17  }
0x8e: {  	[smem:$0x3FC2] =	sst s2  }
0x8f: {  	_ = 	snop  }
0x90: {  	s2 =	sld [smem:$0x3FD0];
	(tm) =	ssettm $0x1  }
0x91: {  	s18 =	sld [smem:$0x3FFB];
	_ =	sdelay $0x3  }
0x92: {  	_ =	strace s18  }
0x93: {  	s3 =	sld [smem:$0x3FFC];
	_ =	sdelay $0x3  }
0x94: {  	_ =	strace s3  }
0x95: {  	s3 =	sld [smem:$0x3FFD];
	_ =	sdelay $0x3  }
0x96: {  	_ =	strace s3  }
0x97: {  	_ =	strace $0x8FFFFFFF  }
0x98: {  	s19 =	sld [smem:$0x3FDB];
	_ =	sdelay $0x1  }
0x99: {  	s4 =	simm.s32 $_scs_section_size  }
0x9a: {  	s5 =	simm.s32 $_size__tile_overlayer_lowered;
	s6 =	simm.s32 $_tile_overlayer_lowered  }
0x9b: {  	s22 =	simm.s32 $0x1BFF;
	s21 =	sshll.u32 s6, $0x1;
	s3 =	sadd.s32 s4, s19  }
0x9c: {  	s7 =	simm.s32 $0x0;
	s20 =	sshll.u32 s5, $0x1;
	s5 =	sadd.s32 s21, s3  }
0x9d: {  	[timem:s7], [sflag:s22] =	dma.local [hbm:s5], s20  }
0x9e: {  	_ =	swait.ge [sflag:s22], s20  }
0x9f: {  	s4 =	ssub.s32 $0x0, s20;
	[sflag:s22] =	ssyncset.done $0x0  }
0xa0: {  	[sflag:s22] =	ssyncadd.s32 s4;
	_ =	sdelay $0x1  }
0xa1: {  	s23 =	simm.s32 $0x1B8B  }
0xa2: {  	_ =	swait.ge [sflag:s23], $0x1  }
0xa3: {  	[sflag:s23] =	ssyncset.done $0x0  }
0xa4: {  	s25 =	simm.s32 $0x1B8E;
	s24 =	sld [smem:$0x3FFE];
	[sflag:s23] =	ssyncadd.s32 $0xFFFFFFFF  }
0xa5: {  	s26 =	simm.s32 $execute0_lowered;
	[smem:$0x3FD2] =	sst s25  }
0xa6: {  	s5 =	sshll.u32 s26, $0x1;
	_ =	strace $0x80000046;
	[dreg:$0x1] =	wrdreg $0xFFFFFFFF  }
0xa7: {  	s28 =	simm.s32 $_size_execute0_lowered;
	s3 =	sadd.s32 s3, s5;
	[dreg:$0x0] =	wrdreg $0x0  }
0xa8: {  	s5 =	sshll.u32 s28, $0x1;
	[dreg:$0x2] =	wrdreg s3  }
0xa9: {  	[dreg:$0x3] =	wrdreg s5  }
0xaa: {  	[dreg:$0x4] =	wrdreg $0xC0  }
0xab: {  	_ =	task [dreg:s7], $0x5FFFF  }
0xac: {  	[dreg:$0x1] =	wrdreg $0xFFFFFFFF  }
0xad: {  	[dreg:$0x0] =	wrdreg $0x60  }
0xae: {  	[dreg:$0x2] =	wrdreg s24  }
0xaf: {  	[dreg:$0x3] =	wrdreg s2  }
0xb0: {  	[dreg:$0x4] =	wrdreg $0x9  }
0xb1: {  	_ =	task.clear_ibuf [dreg:s7], $0x5FFFF;
	_ =	strace $0x90000046  }
0xb2: {  	s29 =	simm.s32 $0x9;
	_ =	strace $0x80000048  }
0xb3: {  	_ =	swait.ge [sflag:s29], $0x1  }
0xb4: {  	[sflag:s29] =	ssyncadd.s32 $0xFFFFFFFF  }
0xb5: {  	_ =	strace $0x90000048  }
0xb6: {  	_ =	sfence  }
0xb7: {  	s30 =	sld [smem:$0x0];
	_ =	sdelay $0x2  }
0xb8: {  	s31 =	sshll.u32 s1, $0xD;
	s1 =	sshrl.u32 s1, $0x2  }
0xb9: {  	s3 =	sand.u32 $0x4000, s31;
	s1 =	sadd.s32 s1, s30  }
0xba: {  	s0 =	sor.u32 s3, s0;
	s1 =	sshll.u32 s1, $0x11  }
0xbb: {  	s0 =	sor.u32 s1, s0  }
0xbc: {  	s0 =	sadd.s32 $0x8F2B, s0  }
0xbd: {  	[sflag:s0] =	ssyncadd.remote.s32 $0x1  }
0xbe: {  	_ =	sfence.sel $0xFFFF  }
0xbf: {  	[dreg:$0x0] =	wrdreg $0xFFFFFFFF;
	(pc) =	sbr.abs _section_cstart, $3  }
0xc0: {  	[dreg:$0x1] =	wrdreg $0xFFFFFFFF  }
0xc1: {  	_ =	task.clear_ibuf [dreg:s7], $0x2FFFF;
	_ =	strace $0x9FFFFFFF  }
0xc2: {  	(tm) =	ssettm $0x7FFFFFFF  }
0xc3: {  	_ =	shalt  }
tec
execute0_lowered:
.L_overlay_start_1:
0x0: {  	(tag) =	ssettag $0x1  }
0x1: {  	s9 =	rddreg [dreg:$0x0]  }
0x2: {  	s0 =	rddreg [dreg:$0x1];
	s2 =	simm.s32 $0x0  }
0x3: {  	s1 =	srdreg.scid;
	s7 =	stileid.u32;
	s11 =	simm.s32 $0x8  }
0x4: {  	[smem:$0x7FF] =	sst s2;
	s1 =	sand.u32 $0x1, s1;
	s10 =	sadd.s32 $0x13C000, s9  }
0x5: {  	s4 =	sshll.u32 s7, $0x6;
	s6 =	sshll.u32 s7, $0x8;
	s18 =	sadd.s32 $0x200, s9  }
0x6: {  	s19 =	sadd.s32 $0x300, s9;
	_ =	strace $0x80000047;
	[dreg:$0x4] =	wrdreg s18  }
0x7: {  	s13 =	sadd.s32 $0x100, s9;
	s20 =	sadd.s32 $0x600, s9;
	[dreg:$0x8] =	wrdreg s19  }
0x8: {  	s14 =	sadd.s32 $0x400, s9;
	s21 =	sadd.s32 $0x900, s9;
	[dreg:$0xb] =	wrdreg s20  }
0x9: {  	s15 =	sadd.s32 $0x500, s9;
	s22 =	sadd.s32 $0xB00, s9;
	[dreg:$0x10] =	wrdreg s21  }
0xa: {  	s23 =	sadd.s32 $0xD00, s9;
	s30 =	sadd.s32 $0xF00, s9;
	[dreg:$0x19] =	wrdreg s22  }
0xb: {  	s31 =	sadd.s32 $0x1200, s9;
	s24 =	sadd.s32 $0x1300, s9;
	[dreg:$0xf] =	wrdreg s23  }
0xc: {  	s3 =	sshll.u32 s1, $0x6;
	s5 =	sshll.u32 s1, $0x4;
	[dreg:$0x13] =	wrdreg s24  }
0xd: {  	s4 =	sand.u32 $0x40, s4;
	s6 =	sand.u32 $0xE00, s6;
	[dreg:$0x6] =	wrdreg s13  }
0xe: {  	s8 =	ssub.s32 $0x2, s1;
	s19 =	sadd.s32 $0xA00, s9;
	[dreg:$0x7] =	wrdreg s14  }
0xf: {  	s21 =	sadd.s32 $0xC00, s9;
	s18 =	sadd.s32 $0xE00, s9;
	[dreg:$0x9] =	wrdreg s15  }
0x10: {  	p0 =	sne.s32 s1, $0x0;
	s20 =	sadd.s32 $0x1000, s9;
	[dreg:$0x12] =	wrdreg s31  }
0x11: {  	s22 =	sadd.s32 $0x1100, s9;
	s1 =	simm.s32 $0x0;
	[dreg:$0x18] =	wrdreg s30  }
0x12: {  	s5 =	sor.u32 s7, s5;
	s16 =	sshll.u32 s4, $0x2;
	[dreg:$0xc] =	wrdreg s18  }
0x13: {  	s3 =	sadd.s32 s3, s9;
	s17 =	sshrl.u32 s8, $0x1;
	[dreg:$0x11] =	wrdreg s22  }
0x14: {  	s7 =	sadd.s32 $0x1380, s9;
	s23 =	sxor.u32 $0x7F, s4;
	[dreg:$0x16] =	wrdreg s20  }
0x15: {  	s5 =	smul.u32 $0x280, s5;
	s6 =	sor.u32 s6, s16;
	s26 =	smin.u32 s23, $0x41  }
0x16: {  	s8 =	ssub.s32 s8, s17;
	s12 =	sadd.s32 $0x140000, s3;
	[dreg:$0x15] =	wrdreg s26  }
0x17: {  	s16 =	sadd.s32 $0x700, s9;
	s17 =	sadd.s32 $0x800, s9;
	[dreg:$0x5] =	wrdreg s12  }
.Ltmp0:
0x18: {  	s3 =	ssub.s32 $0x80, s4;
	[dreg:$0xa] =	wrdreg s16;
	(pc) =	sbr.rel .LBB2_1-.Ltmp0, $4  }
0x19: {  	s6 =	sshrl.u32 s6, $0x3;
	s25 =	smin.u32 s3, $0x42;
	[dreg:$0xe] =	wrdreg s17  }
0x1a: {  	v2 =	vlaneseq.u32;
	s5 =	sadd.s32 s5, s9;
	s0 =	sadd.s32 s0, s6;
	[dreg:$0x14] =	wrdreg s25  }
0x1b: {  	v0 =	vimm.f32 $0.0e+00;
	v1 =	vand.u32 $0x7, v2;
	v2 =	vshrl.u32 v2, $0x3;
	s29 =	smax.u32 s8, $0x1;
	[dreg:$0x3] =	wrdreg s0;
	s28 =	sadd.s32 $0x141400, s5  }
0x1c: {  	vm0 =	vmmov $0xffff;
	vm1 =	vmmov $0xff;
	v2 =	vmul.u32 $0x8, v2;
	s6 =	simm.s32 $0x2;
	s0 =	simm.s32 $0x3;
	[dreg:$0xd] =	wrdreg s28  }
.LBB2_50:
0x1d: {  	s0 =	simm.s32 $0x1E200  }
0x1e: {  	[hbm4b:s28+s2] =	stream.linear.scatter [tilespmem:s0], [sflag:$0x3], $0x1400, $0x38;
	[tilespmem:$0x1F600] =	vst v63  }
0x1f: {  	s0 =	simm.s32 $0x3  }
0x20: {  	_ =	swait.ge [sflag:s0], $0x1400  }
0x21: {  	s1 =	rddreg [dreg:$0x17]  }
0x22: {  	s1 =	sadd.s32 $0x1, s1  }
0x23: {  	p1 =	sne.s32 s1, s29  }
.Ltmp1:
0x24: {  	_ = 	snop;
	(pc) =	sbr.rel @!p1 .LBB2_51-.Ltmp1, $3  }
0x25: {  	_ =	sdelay $0x1  }
0x26: {  	[sflag:s0] =	ssyncset.done $0x0  }
0x27: {  	[sflag:s0] =	ssyncadd.s32 $0xFFFFEC00  }
.LBB2_1:
0x28: {  	[dreg:$0x17] =	wrdreg s1  }
0x29: {  	s25 =	rddreg [dreg:$0x3]  }
0x2a: {  	[tilespmem:s2], [sflag:$0x3] =	stream.linear.gather [hbm4b:s25+s2], $0x110, $0x38;
	[tilespmem:$0x1F600] =	vst v63  }
0x2b: {  	_ =	swait.ge [sflag:s0], $0x110  }
0x2c: {  	s26 =	simm.s32 $0x200;
	[sflag:s0] =	ssyncset.done $0x0  }
0x2d: {  	s4 =	simm.s32 $0x400;
	s5 =	simm.s32 $0x180;
	[sflag:s0] =	ssyncadd.s32 $0xFFFFFEF0  }
0x2e: {  	[tilespmem:s5], [sflag:$0x3] =	stream.strided.gather [hbm4b:s12+s26], $0x5000, s4, s26, $0x38;
	[tilespmem:$0x1F600] =	vst v63  }
0x2f: {  	_ =	swait.ge [sflag:s0], $0x5000  }
0x30: {  	[sflag:s0] =	ssyncset.done $0x0  }
0x31: {  	s1 =	simm.s32 $0x0;
	s4 =	simm.s32 $0x40;
	[sflag:s0] =	ssyncadd.s32 $0xFFFFB000  }
.LBB2_2:
0x32: {  	p1 =	sne.s32 s4, $0x5000;
	[tilespmem:s1+$0x1CDB0] =	vst v0;
	s5 =	smov.u32 s4;
	s4 =	sadd.s32 $0x40, s4  }
.Ltmp2:
0x33: {  	[tilespmem:s1+$0x1B9A0] =	vst v0;
	(pc) =	sbr.rel @p1 .LBB2_2-.Ltmp2, $4  }
0x34: {  	[tilespmem:s1+$0x1A590] =	vst v0  }
0x35: {  	[tilespmem:s1+$0x1E200] =	vst v0  }
0x36: {  	[tilespmem:s1+$0x19180] =	vst v0  }
0x37: {  	s1 =	sshra.s32 s5, $0x2  }
.Ltmp3:
0x38: {  	[tilespmem:s1+$0x1CDB0] =	vst v0;
	(pc) =	sbr.rel @p0 .LBB2_5-.Ltmp3, $4  }
0x39: {  	[tilespmem:s1+$0x1B9A0] =	vst v0  }
0x3a: {  	[tilespmem:s1+$0x1A590] =	vst v0  }
0x3b: {  	[tilespmem:s1+$0x1E200] =	vst v0  }
0x3c: {  	[tilespmem:s1+$0x19180] =	vst v0  }
0x3d: {  	v3 =	vld.msk [tilespmem:$0x0], $0xff;
	_ =	sdelay $0x4  }
0x3e: {  	v4 =	vshrl.u32 v3, $0x3  }
0x3f: {  	v4 =	vmul.u32 $0x278, v4  }
0x40: {  	v3 =	vand.u32 $0x7, v3  }
0x41: {  	v3 =	vor.u32 v3, v4  }
0x42: {  	v3 =	vperm.xlane v3, v1;
	_ =	sdelay $0x1  }
0x43: {  	v3 =	vadd.s32 v2, v3;
	_ =	sdelay $0x3  }
0x44: {  	s0 =	simm.s32 $0x5180  }
0x45: {  	[tilespmem:s0], [sflag:$0x1] =	stream.indirect_vreg.gather [hbm4b:s9+s2], $0x80, v3, vm0, $0xb8;
	[tilespmem:$0x1F600] =	vst v63  }
0x46: {  	s8 =	simm.s32 $0x5980  }
0x47: {  	[tilespmem:s8], [sflag:$0x1] =	stream.indirect_vreg.gather [hbm4b:s13+s2], $0x80, v3, vm0, $0xb8;
	[tilespmem:$0x1F600] =	vst v63  }
0x48: {  	s1 =	simm.s32 $0x6180;
	s0 =	rddreg [dreg:$0x4]  }
0x49: {  	[tilespmem:s1], [sflag:$0x1] =	stream.indirect_vreg.gather [hbm4b:s0+s2], $0x80, v3, vm0, $0xb8;
	[tilespmem:$0x1F600] =	vst v63  }
0x4a: {  	s4 =	simm.s32 $0x6980;
	s1 =	rddreg [dreg:$0x8]  }
0x4b: {  	[tilespmem:s4], [sflag:$0x1] =	stream.indirect_vreg.gather [hbm4b:s1+s2], $0x80, v3, vm0, $0xb8;
	[tilespmem:$0x1F600] =	vst v63  }
0x4c: {  	s24 =	simm.s32 $0x7180  }
0x4d: {  	[tilespmem:s24], [sflag:$0x1] =	stream.indirect_vreg.gather [hbm4b:s14+s2], $0x80, v3, vm0, $0xb8;
	[tilespmem:$0x1F600] =	vst v63  }
0x4e: {  	s25 =	simm.s32 $0x7980  }
0x4f: {  	[tilespmem:s25], [sflag:$0x1] =	stream.indirect_vreg.gather [hbm4b:s15+s2], $0x80, v3, vm0, $0xb8;
	[tilespmem:$0x1F600] =	vst v63  }
0x50: {  	s5 =	simm.s32 $0x8180;
	s4 =	rddreg [dreg:$0xb]  }
0x51: {  	[tilespmem:s5], [sflag:$0x1] =	stream.indirect_vreg.gather [hbm4b:s4+s2], $0x80, v3, vm0, $0xb8;
	[tilespmem:$0x1F600] =	vst v63  }
0x52: {  	s26 =	simm.s32 $0x8980  }
0x53: {  	[tilespmem:s26], [sflag:$0x1] =	stream.indirect_vreg.gather [hbm4b:s16+s2], $0x80, v3, vm0, $0xb8;
	[tilespmem:$0x1F600] =	vst v63  }
0x54: {  	s8 =	simm.s32 $0x9180  }
0x55: {  	[tilespmem:s8], [sflag:$0x1] =	stream.indirect_vreg.gather [hbm4b:s17+s2], $0x80, v3, vm0, $0xb8;
	[tilespmem:$0x1F600] =	vst v63  }
0x56: {  	s5 =	rddreg [dreg:$0x10];
	s8 =	simm.s32 $0x9980  }
0x57: {  	[tilespmem:s8], [sflag:$0x1] =	stream.indirect_vreg.gather [hbm4b:s5+s2], $0x80, v3, vm0, $0xb8;
	[tilespmem:$0x1F600] =	vst v63  }
0x58: {  	s24 =	simm.s32 $0xA180  }
0x59: {  	[tilespmem:s24], [sflag:$0x1] =	stream.indirect_vreg.gather [hbm4b:s19+s2], $0x80, v3, vm0, $0xb8;
	[tilespmem:$0x1F600] =	vst v63  }
0x5a: {  	s25 =	simm.s32 $0xA980;
	s26 =	rddreg [dreg:$0x19]  }
0x5b: {  	[tilespmem:s25], [sflag:$0x1] =	stream.indirect_vreg.gather [hbm4b:s26+s2], $0x80, v3, vm0, $0xb8;
	[tilespmem:$0x1F600] =	vst v63  }
0x5c: {  	s24 =	simm.s32 $0xB180  }
0x5d: {  	[tilespmem:s24], [sflag:$0x1] =	stream.indirect_vreg.gather [hbm4b:s21+s2], $0x80, v3, vm0, $0xb8;
	[tilespmem:$0x1F600] =	vst v63  }
0x5e: {  	s8 =	rddreg [dreg:$0xf];
	s24 =	simm.s32 $0xB980  }
0x5f: {  	[tilespmem:s24], [sflag:$0x1] =	stream.indirect_vreg.gather [hbm4b:s8+s2], $0x80, v3, vm0, $0xb8;
	[tilespmem:$0x1F600] =	vst v63  }
0x60: {  	s25 =	simm.s32 $0xC180  }
0x61: {  	[tilespmem:s25], [sflag:$0x1] =	stream.indirect_vreg.gather [hbm4b:s18+s2], $0x80, v3, vm0, $0xb8;
	[tilespmem:$0x1F600] =	vst v63  }
0x62: {  	s25 =	simm.s32 $0xC980  }
0x63: {  	[tilespmem:s25], [sflag:$0x1] =	stream.indirect_vreg.gather [hbm4b:s30+s2], $0x80, v3, vm0, $0xb8;
	[tilespmem:$0x1F600] =	vst v63  }
0x64: {  	s25 =	simm.s32 $0xD180  }
0x65: {  	[tilespmem:s25], [sflag:$0x1] =	stream.indirect_vreg.gather [hbm4b:s20+s2], $0x80, v3, vm0, $0xb8;
	[tilespmem:$0x1F600] =	vst v63  }
0x66: {  	s25 =	simm.s32 $0xD980  }
0x67: {  	[tilespmem:s25], [sflag:$0x1] =	stream.indirect_vreg.gather [hbm4b:s22+s2], $0x80, v3, vm0, $0xb8;
	[tilespmem:$0x1F600] =	vst v63  }
0x68: {  	s25 =	simm.s32 $0xE180  }
0x69: {  	[tilespmem:s25], [sflag:$0x1] =	stream.indirect_vreg.gather [hbm4b:s31+s2], $0x80, v3, vm0, $0xb8;
	[tilespmem:$0x1F600] =	vst v63  }
0x6a: {  	s24 =	rddreg [dreg:$0x13];
	s25 =	simm.s32 $0xE980  }
0x6b: {  	[tilespmem:s25], [sflag:$0x1] =	stream.indirect_vreg.gather [hbm4b:s24+s2], $0x80, v3, vm0, $0xb8;
	[tilespmem:$0x1F600] =	vst v63  }
0x6c: {  	v3 =	vld.msk [tilespmem:$0x8], $0xff;
	_ =	sdelay $0x4  }
0x6d: {  	v63 =	vshrl.u32 v3, $0x3  }
0x6e: {  	v4 =	vmul.u32 $0x278, v63  }
0x6f: {  	v3 =	vand.u32 $0x7, v3  }
0x70: {  	v3 =	vor.u32 v3, v4  }
0x71: {  	v3 =	vperm.xlane v3, v1;
	_ =	sdelay $0x1  }
0x72: {  	v3 =	vadd.s32 v2, v3;
	_ =	sdelay $0x3  }
0x73: {  	s25 =	simm.s32 $0xF180  }
0x74: {  	[tilespmem:s25], [sflag:$0x2] =	stream.indirect_vreg.gather [hbm4b:s9+s2], $0x80, v3, vm0, $0xb8;
	[tilespmem:$0x1F600] =	vst v63  }
0x75: {  	s25 =	simm.s32 $0xF980  }
0x76: {  	[tilespmem:s25], [sflag:$0x2] =	stream.indirect_vreg.gather [hbm4b:s13+s2], $0x80, v3, vm0, $0xb8;
	[tilespmem:$0x1F600] =	vst v63  }
0x77: {  	s25 =	simm.s32 $0x10180  }
0x78: {  	[tilespmem:s25], [sflag:$0x2] =	stream.indirect_vreg.gather [hbm4b:s0+s2], $0x80, v3, vm0, $0xb8;
	[tilespmem:$0x1F600] =	vst v63  }
0x79: {  	s25 =	simm.s32 $0x10980  }
0x7a: {  	[tilespmem:s25], [sflag:$0x2] =	stream.indirect_vreg.gather [hbm4b:s1+s2], $0x80, v3, vm0, $0xb8;
	[tilespmem:$0x1F600] =	vst v63  }
0x7b: {  	s1 =	simm.s32 $0x11180  }
0x7c: {  	[tilespmem:s1], [sflag:$0x2] =	stream.indirect_vreg.gather [hbm4b:s14+s2], $0x80, v3, vm0, $0xb8;
	[tilespmem:$0x1F600] =	vst v63  }
0x7d: {  	s25 =	simm.s32 $0x11980  }
0x7e: {  	[tilespmem:s25], [sflag:$0x2] =	stream.indirect_vreg.gather [hbm4b:s15+s2], $0x80, v3, vm0, $0xb8;
	[tilespmem:$0x1F600] =	vst v63  }
0x7f: {  	s1 =	simm.s32 $0x12180  }
0x80: {  	[tilespmem:s1], [sflag:$0x2] =	stream.indirect_vreg.gather [hbm4b:s4+s2], $0x80, v3, vm0, $0xb8;
	[tilespmem:$0x1F600] =	vst v63  }
0x81: {  	s4 =	simm.s32 $0x12980  }
0x82: {  	[tilespmem:s4], [sflag:$0x2] =	stream.indirect_vreg.gather [hbm4b:s16+s2], $0x80, v3, vm0, $0xb8;
	[tilespmem:$0x1F600] =	vst v63  }
0x83: {  	s25 =	simm.s32 $0x13180  }
0x84: {  	[tilespmem:s25], [sflag:$0x2] =	stream.indirect_vreg.gather [hbm4b:s17+s2], $0x80, v3, vm0, $0xb8;
	[tilespmem:$0x1F600] =	vst v63  }
0x85: {  	s1 =	simm.s32 $0x13980  }
0x86: {  	[tilespmem:s1], [sflag:$0x2] =	stream.indirect_vreg.gather [hbm4b:s5+s2], $0x80, v3, vm0, $0xb8;
	[tilespmem:$0x1F600] =	vst v63  }
0x87: {  	s4 =	simm.s32 $0x14180  }
0x88: {  	[tilespmem:s4], [sflag:$0x2] =	stream.indirect_vreg.gather [hbm4b:s19+s2], $0x80, v3, vm0, $0xb8;
	[tilespmem:$0x1F600] =	vst v63  }
0x89: {  	s5 =	simm.s32 $0x14980  }
0x8a: {  	[tilespmem:s5], [sflag:$0x2] =	stream.indirect_vreg.gather [hbm4b:s26+s2], $0x80, v3, vm0, $0xb8;
	[tilespmem:$0x1F600] =	vst v63  }
0x8b: {  	s25 =	simm.s32 $0x15180  }
0x8c: {  	[tilespmem:s25], [sflag:$0x2] =	stream.indirect_vreg.gather [hbm4b:s21+s2], $0x80, v3, vm0, $0xb8;
	[tilespmem:$0x1F600] =	vst v63  }
0x8d: {  	s26 =	simm.s32 $0x15980  }
0x8e: {  	[tilespmem:s26], [sflag:$0x2] =	stream.indirect_vreg.gather [hbm4b:s8+s2], $0x80, v3, vm0, $0xb8;
	[tilespmem:$0x1F600] =	vst v63  }
0x8f: {  	s1 =	simm.s32 $0x16180  }
0x90: {  	[tilespmem:s1], [sflag:$0x2] =	stream.indirect_vreg.gather [hbm4b:s18+s2], $0x80, v3, vm0, $0xb8;
	[tilespmem:$0x1F600] =	vst v63  }
0x91: {  	s4 =	simm.s32 $0x16980  }
0x92: {  	[tilespmem:s4], [sflag:$0x2] =	stream.indirect_vreg.gather [hbm4b:s30+s2], $0x80, v3, vm0, $0xb8;
	[tilespmem:$0x1F600] =	vst v63  }
0x93: {  	s5 =	simm.s32 $0x17180  }
0x94: {  	[tilespmem:s5], [sflag:$0x2] =	stream.indirect_vreg.gather [hbm4b:s20+s2], $0x80, v3, vm0, $0xb8;
	[tilespmem:$0x1F600] =	vst v63  }
0x95: {  	s8 =	simm.s32 $0x17980  }
0x96: {  	[tilespmem:s8], [sflag:$0x2] =	stream.indirect_vreg.gather [hbm4b:s22+s2], $0x80, v3, vm0, $0xb8;
	[tilespmem:$0x1F600] =	vst v63  }
.Ltmp4:
0x97: {  	_ = 	snop;
	(pc) =	sbr.rel .LBB2_6-.Ltmp4, $4  }
0x98: {  	s25 =	simm.s32 $0x18180  }
0x99: {  	[tilespmem:s25], [sflag:$0x2] =	stream.indirect_vreg.gather [hbm4b:s31+s2], $0x80, v3, vm0, $0xb8;
	[tilespmem:$0x1F600] =	vst v63  }
0x9a: {  	s26 =	simm.s32 $0x18980  }
0x9b: {  	[tilespmem:s26], [sflag:$0x2] =	stream.indirect_vreg.gather [hbm4b:s24+s2], $0x80, v3, vm0, $0xb8;
	[tilespmem:$0x1F600] =	vst v63  }
.LBB2_5:
0x9c: {  	v3 =	vld.msk [tilespmem:$0x0], $0xff;
	_ =	sdelay $0x4  }
0x9d: {  	v4 =	vshrl.u32 v3, $0x3  }
0x9e: {  	v4 =	vmul.u32 $0x278, v4  }
0x9f: {  	v3 =	vand.u32 $0x7, v3  }
0xa0: {  	v3 =	vor.u32 v3, v4  }
0xa1: {  	v3 =	vperm.xlane v3, v1;
	_ =	sdelay $0x1  }
0xa2: {  	v3 =	vadd.s32 v2, v3;
	_ =	sdelay $0x3  }
0xa3: {  	s0 =	simm.s32 $0x5180  }
0xa4: {  	[tilespmem:s0], [sflag:$0x1] =	stream.indirect_vreg.gather [hbm4b:s7+s2], $0x80, v3, vm0, $0xb8;
	[tilespmem:$0x1F600] =	vst v63  }
0xa5: {  	s1 =	sadd.s32 $0x100, s7;
	s15 =	simm.s32 $0x5980  }
0xa6: {  	[tilespmem:s15], [sflag:$0x1] =	stream.indirect_vreg.gather [hbm4b:s1+s2], $0x80, v3, vm0, $0xb8;
	[tilespmem:$0x1F600] =	vst v63  }
0xa7: {  	s4 =	sadd.s32 $0x200, s7;
	s16 =	simm.s32 $0x6180  }
0xa8: {  	[tilespmem:s16], [sflag:$0x1] =	stream.indirect_vreg.gather [hbm4b:s4+s2], $0x80, v3, vm0, $0xb8;
	[tilespmem:$0x1F600] =	vst v63  }
0xa9: {  	s5 =	sadd.s32 $0x300, s7;
	s17 =	simm.s32 $0x6980  }
0xaa: {  	[tilespmem:s17], [sflag:$0x1] =	stream.indirect_vreg.gather [hbm4b:s5+s2], $0x80, v3, vm0, $0xb8;
	[tilespmem:$0x1F600] =	vst v63  }
0xab: {  	s8 =	sadd.s32 $0x400, s7;
	s18 =	simm.s32 $0x7180  }
0xac: {  	[tilespmem:s18], [sflag:$0x1] =	stream.indirect_vreg.gather [hbm4b:s8+s2], $0x80, v3, vm0, $0xb8;
	[tilespmem:$0x1F600] =	vst v63  }
0xad: {  	s24 =	sadd.s32 $0x500, s7;
	s20 =	simm.s32 $0x7980  }
0xae: {  	[tilespmem:s20], [sflag:$0x1] =	stream.indirect_vreg.gather [hbm4b:s24+s2], $0x80, v3, vm0, $0xb8;
	[tilespmem:$0x1F600] =	vst v63  }
0xaf: {  	s25 =	sadd.s32 $0x600, s7;
	s22 =	simm.s32 $0x8180  }
0xb0: {  	[tilespmem:s22], [sflag:$0x1] =	stream.indirect_vreg.gather [hbm4b:s25+s2], $0x80, v3, vm0, $0xb8;
	[tilespmem:$0x1F600] =	vst v63  }
0xb1: {  	s9 =	sadd.s32 $0x700, s7;
	s26 =	simm.s32 $0x8980  }
0xb2: {  	[tilespmem:s26], [sflag:$0x1] =	stream.indirect_vreg.gather [hbm4b:s9+s2], $0x80, v3, vm0, $0xb8;
	[tilespmem:$0x1F600] =	vst v63  }
0xb3: {  	s28 =	smov.u32 s10;
	s10 =	sadd.s32 $0x800, s7;
	s11 =	simm.s32 $0x9180  }
0xb4: {  	[tilespmem:s11], [sflag:$0x1] =	stream.indirect_vreg.gather [hbm4b:s10+s2], $0x80, v3, vm0, $0xb8;
	[tilespmem:$0x1F600] =	vst v63  }
0xb5: {  	s12 =	simm.s32 $0x9980;
	s11 =	sadd.s32 $0x900, s7  }
0xb6: {  	[tilespmem:s12], [sflag:$0x1] =	stream.indirect_vreg.gather [hbm4b:s11+s2], $0x80, v3, vm0, $0xb8;
	[tilespmem:$0x1F600] =	vst v63  }
0xb7: {  	s13 =	simm.s32 $0xA180;
	s12 =	sadd.s32 $0xA00, s7  }
0xb8: {  	[tilespmem:s13], [sflag:$0x1] =	stream.indirect_vreg.gather [hbm4b:s12+s2], $0x80, v3, vm0, $0xb8;
	[tilespmem:$0x1F600] =	vst v63  }
0xb9: {  	s14 =	simm.s32 $0xA980;
	s13 =	sadd.s32 $0xB00, s7  }
0xba: {  	[tilespmem:s14], [sflag:$0x1] =	stream.indirect_vreg.gather [hbm4b:s13+s2], $0x80, v3, vm0, $0xb8;
	[tilespmem:$0x1F600] =	vst v63  }
0xbb: {  	s15 =	simm.s32 $0xB180;
	s14 =	sadd.s32 $0xC00, s7  }
0xbc: {  	[tilespmem:s15], [sflag:$0x1] =	stream.indirect_vreg.gather [hbm4b:s14+s2], $0x80, v3, vm0, $0xb8;
	[tilespmem:$0x1F600] =	vst v63  }
0xbd: {  	s16 =	simm.s32 $0xB980;
	s15 =	sadd.s32 $0xD00, s7  }
0xbe: {  	[tilespmem:s16], [sflag:$0x1] =	stream.indirect_vreg.gather [hbm4b:s15+s2], $0x80, v3, vm0, $0xb8;
	[tilespmem:$0x1F600] =	vst v63  }
0xbf: {  	s17 =	simm.s32 $0xC180;
	s16 =	sadd.s32 $0xE00, s7  }
0xc0: {  	[tilespmem:s17], [sflag:$0x1] =	stream.indirect_vreg.gather [hbm4b:s16+s2], $0x80, v3, vm0, $0xb8;
	[tilespmem:$0x1F600] =	vst v63  }
0xc1: {  	s18 =	simm.s32 $0xC980;
	s17 =	sadd.s32 $0xF00, s7  }
0xc2: {  	[tilespmem:s18], [sflag:$0x1] =	stream.indirect_vreg.gather [hbm4b:s17+s2], $0x80, v3, vm0, $0xb8;
	[tilespmem:$0x1F600] =	vst v63  }
0xc3: {  	s20 =	simm.s32 $0xD180;
	s18 =	sadd.s32 $0x1000, s7  }
0xc4: {  	[tilespmem:s20], [sflag:$0x1] =	stream.indirect_vreg.gather [hbm4b:s18+s2], $0x80, v3, vm0, $0xb8;
	[tilespmem:$0x1F600] =	vst v63  }
0xc5: {  	s31 =	smov.u32 s19;
	s19 =	sadd.s32 $0x1100, s7;
	s22 =	simm.s32 $0xD980  }
0xc6: {  	[tilespmem:s22], [sflag:$0x1] =	stream.indirect_vreg.gather [hbm4b:s19+s2], $0x80, v3, vm0, $0xb8;
	[tilespmem:$0x1F600] =	vst v63  }
0xc7: {  	s26 =	simm.s32 $0xE180;
	s20 =	sadd.s32 $0x1200, s7  }
0xc8: {  	[tilespmem:s26], [sflag:$0x1] =	stream.indirect_vreg.gather [hbm4b:s20+s2], $0x80, v3, vm0, $0xb8;
	[tilespmem:$0x1F600] =	vst v63  }
0xc9: {  	s22 =	simm.s32 $0xE980;
	s26 =	smov.u32 s3  }
0xca: {  	s3 =	smov.u32 s29;
	s29 =	smov.u32 s21;
	s21 =	sadd.s32 $0x1300, s7  }
0xcb: {  	[tilespmem:s22], [sflag:$0x1] =	stream.indirect_vreg.gather [hbm4b:s21+s2], $0x80, v3, vm1, $0xb8;
	[tilespmem:$0x1F600] =	vst v63  }
0xcc: {  	s0 =	simm.s32 $0x8;
	s22 =	simm.s32 $0xED80  }
0xcd: {  	[tilespmem:s22], [sflag:$0x1] =	stream.indirect.gather [hbm4b:s28+s0], $0x80, s2, s0, $0xb8;
	[tilespmem:$0x1F600] =	vst v63  }
0xce: {  	v3 =	vld.msk [tilespmem:$0x8], $0xff;
	_ =	sdelay $0x4  }
0xcf: {  	v63 =	vshrl.u32 v3, $0x3  }
0xd0: {  	v4 =	vmul.u32 $0x278, v63  }
0xd1: {  	v3 =	vand.u32 $0x7, v3  }
0xd2: {  	v3 =	vor.u32 v3, v4  }
0xd3: {  	v3 =	vperm.xlane v3, v1;
	_ =	sdelay $0x1  }
0xd4: {  	v3 =	vadd.s32 v2, v3;
	_ =	sdelay $0x3  }
0xd5: {  	s0 =	simm.s32 $0xF180  }
0xd6: {  	[tilespmem:s0], [sflag:$0x2] =	stream.indirect_vreg.gather [hbm4b:s7+s2], $0x80, v3, vm0, $0xb8;
	[tilespmem:$0x1F600] =	vst v63  }
0xd7: {  	s0 =	simm.s32 $0xF980  }
0xd8: {  	[tilespmem:s0], [sflag:$0x2] =	stream.indirect_vreg.gather [hbm4b:s1+s2], $0x80, v3, vm0, $0xb8;
	[tilespmem:$0x1F600] =	vst v63  }
0xd9: {  	s0 =	simm.s32 $0x10180  }
0xda: {  	[tilespmem:s0], [sflag:$0x2] =	stream.indirect_vreg.gather [hbm4b:s4+s2], $0x80, v3, vm0, $0xb8;
	[tilespmem:$0x1F600] =	vst v63  }
0xdb: {  	s4 =	simm.s32 $0x10980  }
0xdc: {  	[tilespmem:s4], [sflag:$0x2] =	stream.indirect_vreg.gather [hbm4b:s5+s2], $0x80, v3, vm0, $0xb8;
	[tilespmem:$0x1F600] =	vst v63  }
0xdd: {  	s5 =	simm.s32 $0x11180  }
0xde: {  	[tilespmem:s5], [sflag:$0x2] =	stream.indirect_vreg.gather [hbm4b:s8+s2], $0x80, v3, vm0, $0xb8;
	[tilespmem:$0x1F600] =	vst v63  }
0xdf: {  	s22 =	simm.s32 $0x11980  }
0xe0: {  	[tilespmem:s22], [sflag:$0x2] =	stream.indirect_vreg.gather [hbm4b:s24+s2], $0x80, v3, vm0, $0xb8;
	[tilespmem:$0x1F600] =	vst v63  }
0xe1: {  	s0 =	simm.s32 $0x12180  }
0xe2: {  	[tilespmem:s0], [sflag:$0x2] =	stream.indirect_vreg.gather [hbm4b:s25+s2], $0x80, v3, vm0, $0xb8;
	[tilespmem:$0x1F600] =	vst v63  }
0xe3: {  	s4 =	simm.s32 $0x12980  }
0xe4: {  	[tilespmem:s4], [sflag:$0x2] =	stream.indirect_vreg.gather [hbm4b:s9+s2], $0x80, v3, vm0, $0xb8;
	[tilespmem:$0x1F600] =	vst v63  }
0xe5: {  	s30 =	rddreg [dreg:$0x18];
	s5 =	simm.s32 $0x13180  }
0xe6: {  	[tilespmem:s5], [sflag:$0x2] =	stream.indirect_vreg.gather [hbm4b:s10+s2], $0x80, v3, vm0, $0xb8;
	[tilespmem:$0x1F600] =	vst v63  }
0xe7: {  	s8 =	simm.s32 $0x13980;
	s9 =	rddreg [dreg:$0x0]  }
0xe8: {  	[tilespmem:s8], [sflag:$0x2] =	stream.indirect_vreg.gather [hbm4b:s11+s2], $0x80, v3, vm0, $0xb8;
	[tilespmem:$0x1F600] =	vst v63  }
0xe9: {  	s22 =	simm.s32 $0x14180;
	s10 =	smov.u32 s28;
	s28 =	rddreg [dreg:$0xd]  }
0xea: {  	[tilespmem:s22], [sflag:$0x2] =	stream.indirect_vreg.gather [hbm4b:s12+s2], $0x80, v3, vm0, $0xb8;
	[tilespmem:$0x1F600] =	vst v63  }
0xeb: {  	s24 =	simm.s32 $0x14980;
	s12 =	rddreg [dreg:$0x5]  }
0xec: {  	[tilespmem:s24], [sflag:$0x2] =	stream.indirect_vreg.gather [hbm4b:s13+s2], $0x80, v3, vm0, $0xb8;
	[tilespmem:$0x1F600] =	vst v63  }
0xed: {  	s25 =	simm.s32 $0x15180;
	s13 =	rddreg [dreg:$0x6]  }
0xee: {  	[tilespmem:s25], [sflag:$0x2] =	stream.indirect_vreg.gather [hbm4b:s14+s2], $0x80, v3, vm0, $0xb8;
	[tilespmem:$0x1F600] =	vst v63  }
0xef: {  	s0 =	simm.s32 $0x15980;
	s14 =	rddreg [dreg:$0x7]  }
0xf0: {  	[tilespmem:s0], [sflag:$0x2] =	stream.indirect_vreg.gather [hbm4b:s15+s2], $0x80, v3, vm0, $0xb8;
	[tilespmem:$0x1F600] =	vst v63  }
0xf1: {  	s4 =	simm.s32 $0x16180;
	s15 =	rddreg [dreg:$0x9]  }
0xf2: {  	[tilespmem:s4], [sflag:$0x2] =	stream.indirect_vreg.gather [hbm4b:s16+s2], $0x80, v3, vm0, $0xb8;
	[tilespmem:$0x1F600] =	vst v63  }
0xf3: {  	s5 =	simm.s32 $0x16980;
	s16 =	rddreg [dreg:$0xa]  }
0xf4: {  	[tilespmem:s5], [sflag:$0x2] =	stream.indirect_vreg.gather [hbm4b:s17+s2], $0x80, v3, vm0, $0xb8;
	[tilespmem:$0x1F600] =	vst v63  }
0xf5: {  	s8 =	simm.s32 $0x17180;
	s17 =	rddreg [dreg:$0xe]  }
0xf6: {  	[tilespmem:s8], [sflag:$0x2] =	stream.indirect_vreg.gather [hbm4b:s18+s2], $0x80, v3, vm0, $0xb8;
	[tilespmem:$0x1F600] =	vst v63  }
0xf7: {  	s11 =	simm.s32 $0x17980;
	s18 =	rddreg [dreg:$0xc]  }
0xf8: {  	[tilespmem:s11], [sflag:$0x2] =	stream.indirect_vreg.gather [hbm4b:s19+s2], $0x80, v3, vm0, $0xb8;
	[tilespmem:$0x1F600] =	vst v63  }
0xf9: {  	s22 =	simm.s32 $0x18180;
	s19 =	smov.u32 s31;
	s31 =	rddreg [dreg:$0x12]  }
0xfa: {  	[tilespmem:s22], [sflag:$0x2] =	stream.indirect_vreg.gather [hbm4b:s20+s2], $0x80, v3, vm0, $0xb8;
	[tilespmem:$0x1F600] =	vst v63  }
0xfb: {  	s24 =	simm.s32 $0x18980;
	s25 =	simm.s32 $0x18D80;
	s20 =	rddreg [dreg:$0x16]  }
0xfc: {  	[tilespmem:s24], [sflag:$0x2] =	stream.indirect_vreg.gather [hbm4b:s21+s2], $0x80, v3, vm1, $0xb8;
	[tilespmem:$0x1F600] =	vst v63  }
0xfd: {  	s11 =	simm.s32 $0x8;
	s22 =	rddreg [dreg:$0x11];
	s21 =	smov.u32 s29  }
0xfe: {  	s29 =	smov.u32 s3;
	s3 =	smov.u32 s26;
	s26 =	simm.s32 $0x8  }
0xff: {  	[tilespmem:s25], [sflag:$0x2] =	stream.indirect.gather [hbm4b:s10+s26], $0x80, s26, s26, $0xb8;
	[tilespmem:$0x1F600] =	vst v63  }
.LBB2_6:
.Ltmp5:
0x100: {  	(pc) =	sbr.rel .LBB2_7-.Ltmp5, $2  }
0x101: {  	_ =	sdelay $0x2  }
0x102: {  	s24 =	simm.s32 $0x0  }
.LBB2_48:
0x103: {  	v3 =	vld.msk [tilespmem:s25+$0x18], $0xff;
	_ =	sdelay $0x4  }
0x104: {  	v4 =	vshrl.u32 v3, $0x3  }
0x105: {  	v4 =	vmul.u32 $0x278, v4  }
0x106: {  	v3 =	vand.u32 $0x7, v3  }
0x107: {  	v3 =	vor.u32 v3, v4  }
0x108: {  	v3 =	vperm.xlane v3, v1;
	_ =	sdelay $0x1  }
0x109: {  	v3 =	vadd.s32 v2, v3;
	_ =	sdelay $0x3  }
0x10a: {  	s0 =	simm.s32 $0xF180  }
0x10b: {  	[tilespmem:s0], [sflag:$0x2] =	stream.indirect_vreg.gather [hbm4b:s9+s2], $0x80, v3, vm0, $0xb8;
	[tilespmem:$0x1F600] =	vst v63  }
0x10c: {  	s25 =	simm.s32 $0xF980  }
0x10d: {  	[tilespmem:s25], [sflag:$0x2] =	stream.indirect_vreg.gather [hbm4b:s13+s2], $0x80, v3, vm0, $0xb8;
	[tilespmem:$0x1F600] =	vst v63  }
0x10e: {  	s26 =	rddreg [dreg:$0x4];
	s1 =	simm.s32 $0x10180  }
0x10f: {  	[tilespmem:s1], [sflag:$0x2] =	stream.indirect_vreg.gather [hbm4b:s26+s2], $0x80, v3, vm0, $0xb8;
	[tilespmem:$0x1F600] =	vst v63  }
0x110: {  	s4 =	simm.s32 $0x10980;
	s1 =	rddreg [dreg:$0x8]  }
0x111: {  	[tilespmem:s4], [sflag:$0x2] =	stream.indirect_vreg.gather [hbm4b:s1+s2], $0x80, v3, vm0, $0xb8;
	[tilespmem:$0x1F600] =	vst v63  }
0x112: {  	s5 =	simm.s32 $0x11180  }
0x113: {  	[tilespmem:s5], [sflag:$0x2] =	stream.indirect_vreg.gather [hbm4b:s14+s2], $0x80, v3, vm0, $0xb8;
	[tilespmem:$0x1F600] =	vst v63  }
0x114: {  	s8 =	simm.s32 $0x11980  }
0x115: {  	[tilespmem:s8], [sflag:$0x2] =	stream.indirect_vreg.gather [hbm4b:s15+s2], $0x80, v3, vm0, $0xb8;
	[tilespmem:$0x1F600] =	vst v63  }
0x116: {  	s25 =	rddreg [dreg:$0xb];
	s26 =	simm.s32 $0x12180  }
0x117: {  	[tilespmem:s26], [sflag:$0x2] =	stream.indirect_vreg.gather [hbm4b:s25+s2], $0x80, v3, vm0, $0xb8;
	[tilespmem:$0x1F600] =	vst v63  }
0x118: {  	s4 =	simm.s32 $0x12980  }
0x119: {  	[tilespmem:s4], [sflag:$0x2] =	stream.indirect_vreg.gather [hbm4b:s16+s2], $0x80, v3, vm0, $0xb8;
	[tilespmem:$0x1F600] =	vst v63  }
0x11a: {  	s5 =	simm.s32 $0x13180  }
0x11b: {  	[tilespmem:s5], [sflag:$0x2] =	stream.indirect_vreg.gather [hbm4b:s17+s2], $0x80, v3, vm0, $0xb8;
	[tilespmem:$0x1F600] =	vst v63  }
0x11c: {  	s8 =	rddreg [dreg:$0x10];
	s25 =	simm.s32 $0x13980  }
0x11d: {  	[tilespmem:s25], [sflag:$0x2] =	stream.indirect_vreg.gather [hbm4b:s8+s2], $0x80, v3, vm0, $0xb8;
	[tilespmem:$0x1F600] =	vst v63  }
0x11e: {  	s26 =	simm.s32 $0x14180  }
0x11f: {  	[tilespmem:s26], [sflag:$0x2] =	stream.indirect_vreg.gather [hbm4b:s19+s2], $0x80, v3, vm0, $0xb8;
	[tilespmem:$0x1F600] =	vst v63  }
0x120: {  	s1 =	simm.s32 $0x14980;
	s4 =	rddreg [dreg:$0x19]  }
0x121: {  	[tilespmem:s1], [sflag:$0x2] =	stream.indirect_vreg.gather [hbm4b:s4+s2], $0x80, v3, vm0, $0xb8;
	[tilespmem:$0x1F600] =	vst v63  }
0x122: {  	s5 =	simm.s32 $0x15180  }
0x123: {  	[tilespmem:s5], [sflag:$0x2] =	stream.indirect_vreg.gather [hbm4b:s21+s2], $0x80, v3, vm0, $0xb8;
	[tilespmem:$0x1F600] =	vst v63  }
0x124: {  	s8 =	rddreg [dreg:$0xf];
	s25 =	simm.s32 $0x15980  }
0x125: {  	[tilespmem:s25], [sflag:$0x2] =	stream.indirect_vreg.gather [hbm4b:s8+s2], $0x80, v3, vm0, $0xb8;
	[tilespmem:$0x1F600] =	vst v63  }
0x126: {  	s26 =	simm.s32 $0x16180  }
0x127: {  	[tilespmem:s26], [sflag:$0x2] =	stream.indirect_vreg.gather [hbm4b:s18+s2], $0x80, v3, vm0, $0xb8;
	[tilespmem:$0x1F600] =	vst v63  }
0x128: {  	s1 =	simm.s32 $0x16980  }
0x129: {  	[tilespmem:s1], [sflag:$0x2] =	stream.indirect_vreg.gather [hbm4b:s30+s2], $0x80, v3, vm0, $0xb8;
	[tilespmem:$0x1F600] =	vst v63  }
0x12a: {  	s4 =	simm.s32 $0x17180  }
0x12b: {  	[tilespmem:s4], [sflag:$0x2] =	stream.indirect_vreg.gather [hbm4b:s20+s2], $0x80, v3, vm0, $0xb8;
	[tilespmem:$0x1F600] =	vst v63  }
0x12c: {  	s5 =	simm.s32 $0x17980  }
0x12d: {  	[tilespmem:s5], [sflag:$0x2] =	stream.indirect_vreg.gather [hbm4b:s22+s2], $0x80, v3, vm0, $0xb8;
	[tilespmem:$0x1F600] =	vst v63  }
0x12e: {  	s8 =	simm.s32 $0x18180  }
0x12f: {  	[tilespmem:s8], [sflag:$0x2] =	stream.indirect_vreg.gather [hbm4b:s31+s2], $0x80, v3, vm0, $0xb8;
	[tilespmem:$0x1F600] =	vst v63  }
0x130: {  	s24 =	sadd.s32 $0x1, s24;
	s25 =	rddreg [dreg:$0x13];
	s26 =	simm.s32 $0x18980  }
0x131: {  	[tilespmem:s26], [sflag:$0x2] =	stream.indirect_vreg.gather [hbm4b:s25+s2], $0x80, v3, vm0, $0xb8;
	[tilespmem:$0x1F600] =	vst v63  }
.LBB2_7:
0x132: {  	s1 =	simm.s32 @p0 $0x1  }
0x133: {  	_ =	swait.ge @p0 [sflag:s1], $0x9C00  }
0x134: {  	[sflag:s1] =	ssyncset.done @p0 $0x0  }
0x135: {  	s5 =	sshll.u32 s24, $0x2;
	[sflag:s1] =	ssyncadd.s32 @p0 $0xFFFF6400  }
0x136: {  	p1 =	sge.u32 s5, s23;
	_ =	swait.ge @p0 [sflag:s1], $0x400  }
.Ltmp6:
0x137: {  	[sflag:s1] =	ssyncset.done @p0 $0x0;
	(pc) =	sbr.rel @p1 .LBB2_11-.Ltmp6, $4  }
0x138: {  	[sflag:s1] =	ssyncadd.s32 @p0 $0xFFFFFC00;
	s1 =	simm.s32 @!p0 $0x1  }
0x139: {  	_ =	swait.ge @!p0 [sflag:s1], $0xA000  }
0x13a: {  	[sflag:s1] =	ssyncset.done @!p0 $0x0  }
0x13b: {  	[sflag:s1] =	ssyncadd.s32 @!p0 $0xFFFF6000  }
0x13c: {  	s4 =	simm.s32 $0x280  }
0x13d: {  	v24 =	vld [tilespmem:s4+$0xFFFFFF70]  }
0x13e: {  	v25 =	vld [tilespmem:s4+$0xFFFFFFF0]  }
0x13f: {  	v26 =	vld [tilespmem:s4+$0x70]  }
0x140: {  	s25 =	simm.s32 $0x5380;
	v27 =	vld [tilespmem:s4+$0xF0]  }
0x141: {  	v3 =	vld [tilespmem:s25+$0xFFFFFE70]  }
0x142: {  	v4 =	vld [tilespmem:s25+$0xFFFFFEF0]  }
0x143: {  	v5 =	vld [tilespmem:s25+$0xFFFFFF70]  }
0x144: {  	v6 =	vld [tilespmem:s25+$0xFFFFFFF0]  }
0x145: {  	v10 =	vld [tilespmem:s4+$0xFFFFFF80]  }
0x146: {  	v8 =	vld [tilespmem:s4+$0x0]  }
0x147: {  	v9 =	vld [tilespmem:s4+$0x80]  }
0x148: {  	v28 =	vld [tilespmem:s25+$0xFFFFFE00]  }
0x149: {  	v29 =	vld [tilespmem:s25+$0xFFFFFE80]  }
0x14a: {  	v30 =	vld [tilespmem:s25+$0xFFFFFF00]  }
0x14b: {  	v31 =	vld [tilespmem:s25+$0xFFFFFF80]  }
0x14c: {  	v21 =	vld [tilespmem:s4+$0xFFFFFF10]  }
0x14d: {  	v22 =	vld [tilespmem:s4+$0xFFFFFF90]  }
0x14e: {  	v23 =	vld [tilespmem:s4+$0x10]  }
0x14f: {  	v20 =	vld [tilespmem:s4+$0x90]  }
0x150: {  	v7 =	vld [tilespmem:s25+$0xFFFFFF10]  }
0x151: {  	v36 =	vld [tilespmem:s25+$0xFFFFFF90]  }
0x152: {  	v37 =	vld [tilespmem:s4+$0xFFFFFF20]  }
0x153: {  	v38 =	vld [tilespmem:s4+$0xFFFFFFA0]  }
0x154: {  	v39 =	vld [tilespmem:s4+$0x20]  }
0x155: {  	v40 =	vld [tilespmem:s4+$0xA0]  }
0x156: {  	v41 =	vld [tilespmem:s25+$0xFFFFFE20]  }
0x157: {  	v42 =	vld [tilespmem:s25+$0xFFFFFEA0]  }
0x158: {  	v43 =	vld [tilespmem:s25+$0xFFFFFF20]  }
0x159: {  	v44 =	vld [tilespmem:s25+$0xFFFFFFA0]  }
0x15a: {  	v45 =	vld [tilespmem:s4+$0xFFFFFF30]  }
0x15b: {  	v46 =	vld [tilespmem:s4+$0xFFFFFFB0]  }
0x15c: {  	v19 =	vld [tilespmem:s4+$0x30]  }
0x15d: {  	v18 =	vld [tilespmem:s4+$0xB0]  }
0x15e: {  	v47 =	vld [tilespmem:s25+$0xFFFFFE30]  }
0x15f: {  	v48 =	vld [tilespmem:s25+$0xFFFFFEB0]  }
0x160: {  	v49 =	vld [tilespmem:s25+$0xFFFFFF30]  }
0x161: {  	v50 =	vld [tilespmem:s25+$0xFFFFFFB0]  }
0x162: {  	v16 =	vld [tilespmem:s4+$0xFFFFFF40]  }
0x163: {  	v17 =	vld [tilespmem:s4+$0xFFFFFFC0]  }
0x164: {  	v14 =	vld [tilespmem:s4+$0x40]  }
0x165: {  	v13 =	vld [tilespmem:s4+$0xC0]  }
0x166: {  	v51 =	vld [tilespmem:s25+$0xFFFFFE40]  }
0x167: {  	v52 =	vld [tilespmem:s25+$0xFFFFFEC0]  }
0x168: {  	v53 =	vld [tilespmem:s25+$0xFFFFFF40]  }
0x169: {  	v54 =	vld [tilespmem:s25+$0xFFFFFFC0]  }
0x16a: {  	v15 =	vld [tilespmem:s4+$0xFFFFFF50]  }
0x16b: {  	v11 =	vld [tilespmem:s4+$0xFFFFFFD0]  }
0x16c: {  	v12 =	vld [tilespmem:s4+$0x50]  }
0x16d: {  	v55 =	vld [tilespmem:s25+$0xFFFFFE50]  }
0x16e: {  	v56 =	vld [tilespmem:s25+$0xFFFFFED0]  }
0x16f: {  	v57 =	vld [tilespmem:s25+$0xFFFFFF50];
	v3 =	vmul.f32 v3, v24;
	v4 =	vmul.f32 v4, v25  }
0x170: {  	v58 =	vld [tilespmem:s25+$0xFFFFFFD0];
	v5 =	vmul.f32 v5, v26;
	v6 =	vmul.f32 v6, v27  }
0x171: {  	v61 =	vmul.f32 v7, v23;
	v7 =	vld [tilespmem:s4+$0x60]  }
0x172: {  	v36 =	vmul.f32 v36, v20;
	v3 =	vadd.f32 v4, v3;
	v4 =	vadd.f32 v6, v5;
	v6 =	vld [tilespmem:s25+$0xFFFFFE90]  }
0x173: {  	v5 =	vld [tilespmem:s4+$0xFFFFFF60]  }
0x174: {  	v41 =	vmul.f32 v41, v37;
	v42 =	vmul.f32 v42, v38;
	v36 =	vadd.f32 v36, v61;
	v61 =	vld [tilespmem:s25+$0xFFFFFEE0]  }
0x175: {  	v3 =	vadd.f32 v4, v3;
	v4 =	vld [tilespmem:s25+$0xFFFFFE10]  }
0x176: {  	s1 =	simm.s32 $0x1A600;
	v62 =	vadd.f32 v42, v41;
	v42 =	vld [tilespmem:s4+$0xFFFFFF00]  }
0x177: {  	[tilespmem:s1+$0xFFFFEBF0] =	vst v3;
	v3 =	vld [tilespmem:s4+$0xD0]  }
0x178: {  	v32 =	vld [tilespmem:s25+$0x70]  }
0x179: {  	v33 =	vld [tilespmem:s25+$0xF0]  }
0x17a: {  	v34 =	vld [tilespmem:s25+$0x170];
	v60 =	vmul.f32 v6, v22;
	v59 =	vmul.f32 v4, v21  }
0x17b: {  	v35 =	vld [tilespmem:s25+$0x1F0]  }
0x17c: {  	v6 =	vld [tilespmem:s4+$0xFFFFFFE0];
	v59 =	vadd.f32 v60, v59  }
0x17d: {  	v4 =	vld [tilespmem:s4+$0xE0]  }
0x17e: {  	v43 =	vmul.f32 v43, v39;
	v44 =	vmul.f32 v44, v40;
	v60 =	vld [tilespmem:s25+$0xFFFFFE60];
	v36 =	vadd.f32 v36, v59  }
0x17f: {  	v30 =	vmul.f32 v30, v8;
	v24 =	vmul.f32 v32, v24;
	v32 =	vld [tilespmem:s25+$0xFFFFFFE0]  }
0x180: {  	v31 =	vmul.f32 v31, v9;
	v29 =	vmul.f32 v29, v10;
	v63 =	vadd.f32 v44, v43;
	v59 =	vld [tilespmem:s25+$0xFFFFFF60];
	[tilespmem:s1+$0xFFFFEB90] =	vst v36  }
0x181: {  	v43 =	vmul.f32 v47, v45;
	v44 =	vmul.f32 v48, v46;
	v47 =	vld [tilespmem:s25+$0x10]  }
0x182: {  	v36 =	vadd.f32 v63, v62;
	v62 =	vmul.f32 v49, v19;
	v63 =	vmul.f32 v50, v18;
	v49 =	vld [tilespmem:s25+$0x90]  }
0x183: {  	v30 =	vadd.f32 v31, v30;
	v44 =	vadd.f32 v44, v43;
	v25 =	vmul.f32 v33, v25;
	v31 =	vld [tilespmem:s25+$0x110]  }
0x184: {  	v26 =	vmul.f32 v34, v26;
	v27 =	vmul.f32 v35, v27;
	v35 =	vld [tilespmem:s25+$0x190];
	[tilespmem:s1+$0xFFFFEBA0] =	vst v36;
	v48 =	vadd.f32 v63, v62  }
0x185: {  	v51 =	vmul.f32 v51, v16;
	v24 =	vadd.f32 v25, v24;
	v50 =	vmul.f32 v28, v42;
	v28 =	vld [tilespmem:s25+$0x20]  }
0x186: {  	v52 =	vmul.f32 v52, v17;
	v26 =	vadd.f32 v27, v26;
	v41 =	vld [tilespmem:s25+$0xA0];
	v33 =	vadd.f32 v48, v44  }
0x187: {  	v53 =	vmul.f32 v53, v14;
	v54 =	vmul.f32 v54, v13;
	v25 =	vadd.f32 v29, v50;
	v27 =	vld [tilespmem:s25+$0x120]  }
0x188: {  	v43 =	vmul.f32 v55, v15;
	v24 =	vadd.f32 v26, v24;
	v62 =	vmul.f32 v57, v12;
	v36 =	vld [tilespmem:s25+$0x1A0];
	[tilespmem:s1+$0xFFFFEBB0] =	vst v33  }
0x189: {  	v63 =	vmul.f32 v58, v3;
	v57 =	vmul.f32 v61, v6;
	v25 =	vadd.f32 v30, v25;
	v30 =	vld [tilespmem:s25+$0x30]  }
0x18a: {  	v29 =	vadd.f32 v54, v53;
	v32 =	vmul.f32 v32, v4;
	v58 =	vmul.f32 v59, v7;
	v50 =	vld [tilespmem:s25+$0xB0]  }
0x18b: {  	v44 =	vmul.f32 v56, v11;
	v56 =	vmul.f32 v60, v5;
	v34 =	vadd.f32 v63, v62;
	[tilespmem:s1+$0xFFFFEB80] =	vst v25;
	v25 =	vld [tilespmem:s25+$0x130]  }
0x18c: {  	v32 =	vadd.f32 v32, v58;
	v33 =	vadd.f32 v52, v51;
	v59 =	vld [tilespmem:s25+$0x0]  }
0x18d: {  	v43 =	vadd.f32 v44, v43;
	v26 =	vadd.f32 v57, v56;
	v60 =	vld [tilespmem:s25+$0x80]  }
0x18e: {  	v21 =	vmul.f32 v47, v21;
	v22 =	vmul.f32 v49, v22;
	v61 =	vld [tilespmem:s25+$0x100];
	v29 =	vadd.f32 v29, v33  }
0x18f: {  	v23 =	vmul.f32 v31, v23;
	v20 =	vmul.f32 v35, v20;
	v62 =	vld [tilespmem:s25+$0x180]  }
0x190: {  	v63 =	vld [tilespmem:s25+$0x1B0];
	v34 =	vadd.f32 v34, v43;
	v26 =	vadd.f32 v32, v26;
	v37 =	vmul.f32 v28, v37;
	[tilespmem:s1+$0xFFFFEBC0] =	vst v29  }
0x191: {  	v21 =	vadd.f32 v22, v21;
	v41 =	vmul.f32 v41, v38;
	v48 =	vmul.f32 v27, v39;
	v47 =	vld [tilespmem:s25+$0x40]  }
0x192: {  	v20 =	vadd.f32 v20, v23;
	v49 =	vmul.f32 v36, v40;
	v51 =	vld [tilespmem:s25+$0xC0];
	v53 =	vmul.f32 v30, v45  }
0x193: {  	v22 =	vadd.f32 v41, v37;
	v55 =	vld [tilespmem:s25+$0x140];
	v54 =	vmul.f32 v50, v46;
	v56 =	vmul.f32 v59, v42  }
0x194: {  	[tilespmem:s1+$0xFFFFEBD0] =	vst v34;
	v23 =	vadd.f32 v49, v48;
	v57 =	vld [tilespmem:s25+$0x1C0];
	v10 =	vmul.f32 v60, v10;
	v8 =	vmul.f32 v61, v8  }
0x195: {  	v20 =	vadd.f32 v20, v21;
	v58 =	vld [tilespmem:s25+$0x50];
	v9 =	vmul.f32 v62, v9;
	v19 =	vmul.f32 v25, v19  }
0x196: {  	v22 =	vadd.f32 v23, v22;
	v18 =	vmul.f32 v63, v18;
	v59 =	vld [tilespmem:s25+$0xD0];
	v10 =	vadd.f32 v10, v56  }
0x197: {  	[tilespmem:s1+$0x0] =	vst v24;
	v60 =	vld [tilespmem:s25+$0x150];
	v9 =	vadd.f32 v9, v8;
	v61 =	vadd.f32 v54, v53  }
0x198: {  	[tilespmem:s1+$0xFFFFEBE0] =	vst v26;
	v18 =	vadd.f32 v18, v19;
	v8 =	vld [tilespmem:s25+$0x1D0];
	v16 =	vmul.f32 v47, v16;
	v17 =	vmul.f32 v51, v17  }
0x199: {  	[tilespmem:s1+$0xFFFFFFA0] =	vst v20;
	v19 =	vadd.f32 v9, v10;
	v9 =	vld [tilespmem:s25+$0x60];
	v62 =	vmul.f32 v55, v14;
	v63 =	vmul.f32 v57, v13  }
0x19a: {  	[tilespmem:s1+$0xFFFFFFB0] =	vst v22;
	v18 =	vadd.f32 v18, v61;
	v10 =	vld [tilespmem:s25+$0xE0];
	v15 =	vmul.f32 v58, v15  }
0x19b: {  	v14 =	vld [tilespmem:s25+$0x160];
	v13 =	vadd.f32 v17, v16;
	[tilespmem:s1+$0xFFFFFF90] =	vst v19;
	v17 =	vadd.f32 v63, v62;
	v16 =	vmul.f32 v59, v11  }
0x19c: {  	s8 =	simm.s32 $0x480;
	s4 =	simm.s32 $0x0;
	v12 =	vmul.f32 v60, v12;
	[tilespmem:s1+$0xFFFFFFC0] =	vst v18;
	v11 =	vld [tilespmem:s25+$0x1E0]  }
.LBB2_9:
0x19d: {  	v18 =	vld [tilespmem:s8+$0xFFFFFF70];
	v13 =	vadd.f32 v17, v13;
	v15 =	vadd.f32 v16, v15;
	v3 =	vmul.f32 v8, v3  }
0x19e: {  	v19 =	vld [tilespmem:s8+$0xFFFFFFF0];
	v5 =	vmul.f32 v9, v5  }
0x19f: {  	v20 =	vld [tilespmem:s8+$0x70];
	[tilespmem:s1+$0xFFFFFFD0] =	vst v13;
	v3 =	vadd.f32 v3, v12;
	v6 =	vmul.f32 v10, v6  }
0x1a0: {  	s25 =	sadd.s32 $0x400, s25;
	v21 =	vld [tilespmem:s8+$0xF0];
	v7 =	vmul.f32 v14, v7  }
0x1a1: {  	v12 =	vld [tilespmem:s25+$0xFFFFFE70];
	v3 =	vadd.f32 v3, v15;
	v5 =	vadd.f32 v6, v5;
	v4 =	vmul.f32 v11, v4  }
0x1a2: {  	v6 =	vld [tilespmem:s25+$0xFFFFFEF0]  }
0x1a3: {  	v13 =	vld [tilespmem:s25+$0xFFFFFF70];
	[tilespmem:s1+$0xFFFFFFE0] =	vst v3;
	v3 =	vadd.f32 v4, v7  }
0x1a4: {  	v4 =	vld [tilespmem:s25+$0xFFFFFFF0]  }
0x1a5: {  	v9 =	vld [tilespmem:s8+$0xFFFFFF80];
	v3 =	vadd.f32 v3, v5  }
0x1a6: {  	v10 =	vld [tilespmem:s8+$0x0]  }
0x1a7: {  	s4 =	sadd.s32 $0x8, s4;
	v8 =	vld [tilespmem:s8+$0x80];
	[tilespmem:s1+$0xFFFFFFF0] =	vst v3  }
0x1a8: {  	p1 =	slt.u32 s4, $0x138;
	v3 =	vmul.f32 v12, v18;
	v5 =	vmul.f32 v6, v19;
	v11 =	vld [tilespmem:s25+$0xFFFFFE00]  }
0x1a9: {  	v7 =	vmul.f32 v13, v20;
	v6 =	vld [tilespmem:s25+$0xFFFFFE80];
	v4 =	vmul.f32 v4, v21  }
0x1aa: {  	v12 =	vld [tilespmem:s25+$0xFFFFFF00]  }
0x1ab: {  	v3 =	vadd.f32 v5, v3;
	v17 =	vld [tilespmem:s25+$0xFFFFFF80];
	v4 =	vadd.f32 v4, v7  }
0x1ac: {  	v15 =	vld [tilespmem:s8+$0xFFFFFF10]  }
0x1ad: {  	v13 =	vld [tilespmem:s8+$0xFFFFFF90];
	v3 =	vadd.f32 v4, v3  }
0x1ae: {  	s1 =	sadd.s32 $0x80, s1;
	v16 =	vmul.f32 v6, v9;
	v14 =	vld [tilespmem:s8+$0x10]  }
0x1af: {  	v4 =	vmul.f32 v12, v10;
	v12 =	vld [tilespmem:s8+$0x90];
	[tilespmem:s1+$0xFFFFEBF0] =	vst v3  }
0x1b0: {  	v3 =	vmul.f32 v17, v8;
	v5 =	vld [tilespmem:s25+$0x70]  }
0x1b1: {  	v6 =	vld [tilespmem:s25+$0xF0]  }
0x1b2: {  	v17 =	vadd.f32 v3, v4;
	v3 =	vld [tilespmem:s25+$0x170]  }
0x1b3: {  	v4 =	vld [tilespmem:s25+$0x1F0]  }
0x1b4: {  	v7 =	vld [tilespmem:s25+$0xFFFFFE10]  }
0x1b5: {  	v23 =	vld [tilespmem:s25+$0xFFFFFE90]  }
0x1b6: {  	v24 =	vld [tilespmem:s25+$0xFFFFFF10]  }
0x1b7: {  	v5 =	vmul.f32 v5, v18;
	v6 =	vmul.f32 v6, v19;
	v25 =	vld [tilespmem:s25+$0xFFFFFF90]  }
0x1b8: {  	v3 =	vmul.f32 v3, v20;
	v22 =	vld [tilespmem:s8+$0xFFFFFF20];
	v4 =	vmul.f32 v4, v21  }
0x1b9: {  	v7 =	vmul.f32 v7, v15;
	v21 =	vld [tilespmem:s8+$0xFFFFFFA0]  }
0x1ba: {  	v5 =	vadd.f32 v6, v5;
	v18 =	vmul.f32 v23, v13;
	v19 =	vld [tilespmem:s8+$0x20];
	v3 =	vadd.f32 v4, v3  }
0x1bb: {  	v4 =	vmul.f32 v24, v14;
	v20 =	vld [tilespmem:s8+$0xA0]  }
0x1bc: {  	v6 =	vadd.f32 v18, v7;
	v7 =	vmul.f32 v25, v12;
	v18 =	vld [tilespmem:s25+$0xFFFFFE20];
	v3 =	vadd.f32 v3, v5  }
0x1bd: {  	v5 =	vld [tilespmem:s25+$0xFFFFFEA0]  }
0x1be: {  	v4 =	vadd.f32 v7, v4;
	v7 =	vld [tilespmem:s25+$0xFFFFFF20];
	[tilespmem:s1+$0x0] =	vst v3  }
0x1bf: {  	v3 =	vld [tilespmem:s25+$0xFFFFFFA0]  }
0x1c0: {  	v4 =	vadd.f32 v4, v6;
	v29 =	vld [tilespmem:s8+$0xFFFFFF30]  }
0x1c1: {  	v6 =	vmul.f32 v18, v22;
	v27 =	vld [tilespmem:s8+$0xFFFFFFB0]  }
0x1c2: {  	[tilespmem:s1+$0xFFFFEB90] =	vst v4;
	v4 =	vmul.f32 v5, v21;
	v30 =	vld [tilespmem:s8+$0x30]  }
0x1c3: {  	v5 =	vmul.f32 v7, v19;
	v18 =	vld [tilespmem:s8+$0xB0]  }
0x1c4: {  	v4 =	vadd.f32 v4, v6;
	v3 =	vmul.f32 v3, v20;
	v6 =	vld [tilespmem:s25+$0xFFFFFE30]  }
0x1c5: {  	v7 =	vld [tilespmem:s25+$0xFFFFFEB0]  }
0x1c6: {  	v3 =	vadd.f32 v3, v5;
	v5 =	vld [tilespmem:s25+$0xFFFFFF30]  }
0x1c7: {  	v28 =	vld [tilespmem:s25+$0xFFFFFFB0]  }
0x1c8: {  	v3 =	vadd.f32 v3, v4;
	v26 =	vld [tilespmem:s8+$0xFFFFFF40]  }
0x1c9: {  	v4 =	vmul.f32 v6, v29;
	v24 =	vld [tilespmem:s8+$0xFFFFFFC0]  }
0x1ca: {  	[tilespmem:s1+$0xFFFFEBA0] =	vst v3;
	v3 =	vmul.f32 v7, v27;
	v25 =	vld [tilespmem:s8+$0x40]  }
0x1cb: {  	v5 =	vmul.f32 v5, v30;
	v23 =	vld [tilespmem:s8+$0xC0]  }
0x1cc: {  	v3 =	vadd.f32 v3, v4;
	v4 =	vmul.f32 v28, v18;
	v6 =	vld [tilespmem:s25+$0xFFFFFE40]  }
0x1cd: {  	v7 =	vld [tilespmem:s25+$0xFFFFFEC0]  }
0x1ce: {  	v4 =	vadd.f32 v4, v5;
	v5 =	vld [tilespmem:s25+$0xFFFFFF40]  }
0x1cf: {  	v33 =	vld [tilespmem:s25+$0xFFFFFFC0]  }
0x1d0: {  	v3 =	vadd.f32 v4, v3;
	v32 =	vld [tilespmem:s8+$0xFFFFFF50]  }
0x1d1: {  	v4 =	vmul.f32 v6, v26;
	v28 =	vld [tilespmem:s8+$0xFFFFFFD0]  }
0x1d2: {  	[tilespmem:s1+$0xFFFFEBB0] =	vst v3;
	v6 =	vmul.f32 v7, v24;
	v31 =	vld [tilespmem:s8+$0x50]  }
0x1d3: {  	v5 =	vmul.f32 v5, v25;
	v3 =	vld [tilespmem:s8+$0xD0]  }
0x1d4: {  	v4 =	vadd.f32 v6, v4;
	v6 =	vmul.f32 v33, v23;
	v7 =	vld [tilespmem:s25+$0xFFFFFE50]  }
0x1d5: {  	v33 =	vld [tilespmem:s25+$0xFFFFFED0]  }
0x1d6: {  	v5 =	vadd.f32 v6, v5;
	v34 =	vld [tilespmem:s25+$0xFFFFFF50]  }
0x1d7: {  	v35 =	vld [tilespmem:s25+$0xFFFFFFD0]  }
0x1d8: {  	v4 =	vadd.f32 v5, v4;
	v5 =	vld [tilespmem:s8+$0xFFFFFF60]  }
0x1d9: {  	v36 =	vmul.f32 v7, v32;
	v6 =	vld [tilespmem:s8+$0xFFFFFFE0]  }
0x1da: {  	[tilespmem:s1+$0xFFFFEBC0] =	vst v4;
	v33 =	vmul.f32 v33, v28;
	v7 =	vld [tilespmem:s8+$0x60]  }
0x1db: {  	v34 =	vmul.f32 v34, v31;
	v4 =	vld [tilespmem:s8+$0xE0]  }
0x1dc: {  	v33 =	vadd.f32 v33, v36;
	v35 =	vmul.f32 v35, v3;
	v36 =	vld [tilespmem:s25+$0xFFFFFE60]  }
0x1dd: {  	v37 =	vld [tilespmem:s25+$0xFFFFFEE0]  }
0x1de: {  	v34 =	vadd.f32 v35, v34;
	v35 =	vld [tilespmem:s25+$0xFFFFFF60]  }
0x1df: {  	v38 =	vld [tilespmem:s25+$0xFFFFFFE0]  }
0x1e0: {  	v39 =	vld [tilespmem:s8+$0xFFFFFF00];
	v33 =	vadd.f32 v34, v33  }
0x1e1: {  	v34 =	vld [tilespmem:s25+$0x10];
	v36 =	vmul.f32 v36, v5  }
0x1e2: {  	v40 =	vld [tilespmem:s25+$0x90];
	[tilespmem:s1+$0xFFFFEBD0] =	vst v33;
	v33 =	vmul.f32 v37, v6  }
0x1e3: {  	v37 =	vld [tilespmem:s25+$0x110];
	v35 =	vmul.f32 v35, v7  }
0x1e4: {  	v41 =	vld [tilespmem:s25+$0x190];
	v33 =	vadd.f32 v33, v36;
	v36 =	vmul.f32 v38, v4  }
0x1e5: {  	v11 =	vmul.f32 v11, v39;
	v38 =	vld [tilespmem:s25+$0x20]  }
0x1e6: {  	v15 =	vmul.f32 v34, v15;
	v34 =	vld [tilespmem:s25+$0xA0];
	v35 =	vadd.f32 v36, v35  }
0x1e7: {  	v11 =	vadd.f32 v16, v11;
	v13 =	vmul.f32 v40, v13;
	v16 =	vld [tilespmem:s25+$0x120]  }
0x1e8: {  	v14 =	vmul.f32 v37, v14;
	v36 =	vld [tilespmem:s25+$0x1A0];
	v33 =	vadd.f32 v35, v33  }
0x1e9: {  	v11 =	vadd.f32 v17, v11;
	v13 =	vadd.f32 v13, v15;
	v12 =	vmul.f32 v41, v12;
	v15 =	vld [tilespmem:s25+$0x30]  }
0x1ea: {  	v17 =	vmul.f32 v38, v22;
	v22 =	vld [tilespmem:s25+$0xB0];
	[tilespmem:s1+$0xFFFFEBE0] =	vst v33  }
0x1eb: {  	[tilespmem:s1+$0xFFFFEB80] =	vst v11;
	v11 =	vadd.f32 v12, v14;
	v12 =	vmul.f32 v34, v21;
	v14 =	vld [tilespmem:s25+$0x130]  }
0x1ec: {  	v21 =	vld [tilespmem:s25+$0x0];
	v16 =	vmul.f32 v16, v19  }
0x1ed: {  	v19 =	vld [tilespmem:s25+$0x80];
	v11 =	vadd.f32 v11, v13;
	v12 =	vadd.f32 v12, v17;
	v13 =	vmul.f32 v36, v20  }
0x1ee: {  	v17 =	vld [tilespmem:s25+$0x100];
	v15 =	vmul.f32 v15, v29  }
0x1ef: {  	v20 =	vld [tilespmem:s25+$0x180];
	[tilespmem:s1+$0xFFFFFFA0] =	vst v11;
	v11 =	vadd.f32 v13, v16;
	v13 =	vmul.f32 v22, v27  }
0x1f0: {  	v14 =	vmul.f32 v14, v30;
	v16 =	vld [tilespmem:s25+$0x1B0]  }
0x1f1: {  	v21 =	vmul.f32 v21, v39;
	v11 =	vadd.f32 v11, v12;
	v12 =	vadd.f32 v13, v15;
	v13 =	vld [tilespmem:s25+$0x40]  }
0x1f2: {  	v9 =	vmul.f32 v19, v9;
	v15 =	vld [tilespmem:s25+$0xC0]  }
0x1f3: {  	v10 =	vmul.f32 v17, v10;
	[tilespmem:s1+$0xFFFFFFB0] =	vst v11;
	v11 =	vld [tilespmem:s25+$0x140]  }
0x1f4: {  	v9 =	vadd.f32 v9, v21;
	v8 =	vmul.f32 v20, v8;
	v17 =	vld [tilespmem:s25+$0x1C0]  }
0x1f5: {  	v16 =	vmul.f32 v16, v18;
	v18 =	vld [tilespmem:s25+$0x50]  }
0x1f6: {  	v8 =	vadd.f32 v8, v10;
	v10 =	vmul.f32 v13, v26;
	v19 =	vld [tilespmem:s25+$0xD0]  }
0x1f7: {  	v13 =	vadd.f32 v16, v14;
	v14 =	vmul.f32 v15, v24;
	v20 =	vld [tilespmem:s25+$0x150]  }
.Ltmp7:
0x1f8: {  	v15 =	vadd.f32 v8, v9;
	v11 =	vmul.f32 v11, v25;
	v8 =	vld [tilespmem:s25+$0x1D0];
	(pc) =	sbr.rel @p1 .LBB2_9-.Ltmp7, $4  }
0x1f9: {  	v12 =	vadd.f32 v13, v12;
	v13 =	vadd.f32 v14, v10;
	v14 =	vmul.f32 v17, v23;
	v9 =	vld [tilespmem:s25+$0x60]  }
0x1fa: {  	[tilespmem:s1+$0xFFFFFF90] =	vst v15;
	v15 =	vmul.f32 v18, v32;
	v10 =	vld [tilespmem:s25+$0xE0]  }
0x1fb: {  	[tilespmem:s1+$0xFFFFFFC0] =	vst v12;
	v17 =	vadd.f32 v14, v11;
	v16 =	vmul.f32 v19, v28;
	v14 =	vld [tilespmem:s25+$0x160]  }
0x1fc: {  	s8 =	sadd.s32 $0x200, s8;
	v12 =	vmul.f32 v20, v31;
	v11 =	vld [tilespmem:s25+$0x1E0]  }
0x1fd: {  	_ =	sdelay $0x1  }
0x1fe: {  	v3 =	vmul.f32 v8, v3  }
0x1ff: {  	v5 =	vmul.f32 v9, v5;
	v6 =	vmul.f32 v10, v6  }
0x200: {  	v62 =	vadd.f32 v17, v13;
	v7 =	vmul.f32 v14, v7;
	v4 =	vmul.f32 v11, v4  }
0x201: {  	v63 =	vadd.f32 v16, v15;
	v3 =	vadd.f32 v3, v12  }
.Ltmp8:
0x202: {  	v5 =	vadd.f32 v6, v5;
	v4 =	vadd.f32 v4, v7;
	(pc) =	sbr.rel .LBB2_15-.Ltmp8, $4  }
0x203: {  	v3 =	vadd.f32 v3, v63  }
0x204: {  	[tilespmem:s1+$0xFFFFFFD0] =	vst v62;
	v4 =	vadd.f32 v4, v5  }
0x205: {  	[tilespmem:s1+$0xFFFFFFE0] =	vst v3  }
0x206: {  	[tilespmem:s1+$0xFFFFFFF0] =	vst v4  }
.LBB2_11:
0x207: {  	p1 =	sge.u32 s5, s3  }
.Ltmp9:
0x208: {  	_ = 	snop;
	(pc) =	sbr.rel @p1 .LBB2_15-.Ltmp9, $1  }
0x209: {  	_ =	sdelay $0x3  }
0x20a: {  	s25 =	simm.s32 $0x280  }
0x20b: {  	v4 =	vld [tilespmem:s25+$0xFFFFFF70]  }
0x20c: {  	v5 =	vld [tilespmem:s25+$0xFFFFFFF0]  }
0x20d: {  	v6 =	vld [tilespmem:s25+$0x70]  }
0x20e: {  	s1 =	simm.s32 $0x5280;
	v7 =	vld [tilespmem:s25+$0xF0]  }
0x20f: {  	v8 =	vld [tilespmem:s1+$0xFFFFFF70]  }
0x210: {  	v9 =	vld [tilespmem:s1+$0xFFFFFFF0]  }
0x211: {  	v10 =	vld [tilespmem:s1+$0x70]  }
0x212: {  	v11 =	vld [tilespmem:s1+$0xF0]  }
0x213: {  	v14 =	vld [tilespmem:s25+$0xFFFFFF80]  }
0x214: {  	v12 =	vld [tilespmem:s25+$0x0]  }
0x215: {  	v13 =	vld [tilespmem:s25+$0x80]  }
0x216: {  	v3 =	vld [tilespmem:s1+$0xFFFFFF00]  }
0x217: {  	v15 =	vld [tilespmem:s1+$0xFFFFFF80]  }
0x218: {  	v16 =	vld [tilespmem:s1+$0x0]  }
0x219: {  	v17 =	vld [tilespmem:s1+$0x80]  }
0x21a: {  	v18 =	vld [tilespmem:s25+$0xFFFFFF10]  }
0x21b: {  	v19 =	vld [tilespmem:s25+$0xFFFFFF90]  }
0x21c: {  	v20 =	vld [tilespmem:s25+$0x10]  }
0x21d: {  	v21 =	vld [tilespmem:s25+$0x90]  }
0x21e: {  	v22 =	vld [tilespmem:s1+$0xFFFFFF10]  }
0x21f: {  	v23 =	vld [tilespmem:s1+$0xFFFFFF90]  }
0x220: {  	v24 =	vld [tilespmem:s1+$0x10]  }
0x221: {  	v25 =	vld [tilespmem:s1+$0x90]  }
0x222: {  	v26 =	vld [tilespmem:s25+$0xFFFFFF20]  }
0x223: {  	v27 =	vld [tilespmem:s25+$0xFFFFFFA0]  }
0x224: {  	v28 =	vld [tilespmem:s25+$0x20]  }
0x225: {  	v29 =	vld [tilespmem:s25+$0xA0]  }
0x226: {  	v30 =	vld [tilespmem:s1+$0xFFFFFF20]  }
0x227: {  	v31 =	vld [tilespmem:s1+$0xFFFFFFA0]  }
0x228: {  	v32 =	vld [tilespmem:s1+$0x20]  }
0x229: {  	v33 =	vld [tilespmem:s1+$0xA0]  }
0x22a: {  	v34 =	vld [tilespmem:s25+$0xFFFFFF30]  }
0x22b: {  	v35 =	vld [tilespmem:s25+$0xFFFFFFB0]  }
0x22c: {  	v36 =	vld [tilespmem:s25+$0x30]  }
0x22d: {  	v37 =	vld [tilespmem:s25+$0xB0]  }
0x22e: {  	v38 =	vld [tilespmem:s1+$0xFFFFFF30]  }
0x22f: {  	v39 =	vld [tilespmem:s1+$0xFFFFFFB0]  }
0x230: {  	v40 =	vld [tilespmem:s1+$0x30]  }
0x231: {  	v41 =	vld [tilespmem:s1+$0xB0]  }
0x232: {  	v42 =	vld [tilespmem:s25+$0xFFFFFF40]  }
0x233: {  	v43 =	vld [tilespmem:s25+$0xFFFFFFC0]  }
0x234: {  	v44 =	vld [tilespmem:s25+$0x40]  }
0x235: {  	v45 =	vld [tilespmem:s25+$0xC0]  }
0x236: {  	v46 =	vld [tilespmem:s1+$0xFFFFFF40]  }
0x237: {  	v47 =	vld [tilespmem:s1+$0xFFFFFFC0];
	v4 =	vmul.f32 v8, v4  }
0x238: {  	v48 =	vld [tilespmem:s1+$0x40];
	v5 =	vmul.f32 v9, v5;
	v6 =	vmul.f32 v10, v6  }
0x239: {  	v63 =	vld [tilespmem:s1+$0xFFFFFF50];
	v7 =	vmul.f32 v11, v7;
	v10 =	vmul.f32 v22, v18  }
0x23a: {  	v50 =	vld [tilespmem:s1+$0xFFFFFFD0];
	v11 =	vmul.f32 v23, v19;
	v61 =	vmul.f32 v25, v21  }
0x23b: {  	v52 =	vld [tilespmem:s1+$0x50];
	v62 =	vmul.f32 v31, v27;
	v49 =	vmul.f32 v33, v29  }
0x23c: {  	v55 =	vld [tilespmem:s1+$0xD0];
	v51 =	vmul.f32 v39, v35;
	v53 =	vmul.f32 v40, v36  }
0x23d: {  	v8 =	vld [tilespmem:s1+$0xC0];
	v54 =	vmul.f32 v41, v37;
	v56 =	vmul.f32 v46, v42  }
0x23e: {  	v9 =	vld [tilespmem:s25+$0xFFFFFF50];
	v57 =	vmul.f32 v47, v43;
	v58 =	vmul.f32 v48, v44  }
0x23f: {  	v18 =	vld [tilespmem:s25+$0xFFFFFFD0];
	v16 =	vmul.f32 v16, v12;
	v17 =	vmul.f32 v17, v13;
	v4 =	vadd.f32 v5, v4  }
0x240: {  	v5 =	vmul.f32 v24, v20;
	v6 =	vadd.f32 v7, v6;
	v7 =	vadd.f32 v11, v10;
	v10 =	vld [tilespmem:s25+$0xD0]  }
0x241: {  	v20 =	vld [tilespmem:s25+$0x50];
	v11 =	vmul.f32 v30, v26;
	v19 =	vadd.f32 v54, v53;
	v60 =	vadd.f32 v57, v56  }
0x242: {  	v13 =	vld [tilespmem:s1+$0x60];
	v5 =	vadd.f32 v61, v5;
	v4 =	vadd.f32 v6, v4;
	v6 =	vmul.f32 v32, v28  }
0x243: {  	v12 =	vld [tilespmem:s1+$0xE0];
	v11 =	vadd.f32 v62, v11;
	v59 =	vmul.f32 v8, v45;
	v21 =	vmul.f32 v63, v9  }
0x244: {  	v5 =	vadd.f32 v5, v7;
	v7 =	vmul.f32 v38, v34;
	v22 =	vadd.f32 v49, v6;
	v6 =	vld [tilespmem:s25+$0xFFFFFF60]  }
0x245: {  	s4 =	simm.s32 $0x191C0;
	v18 =	vmul.f32 v50, v18;
	v61 =	vadd.f32 v59, v58;
	v62 =	vmul.f32 v55, v10;
	v10 =	vld [tilespmem:s1+$0xFFFFFF60]  }
0x246: {  	[tilespmem:s4+$0x30] =	vst v4;
	v20 =	vmul.f32 v52, v20;
	v24 =	vadd.f32 v51, v7;
	v7 =	vld [tilespmem:s25+$0xFFFFFFE0];
	v4 =	vadd.f32 v22, v11  }
0x247: {  	v18 =	vadd.f32 v18, v21;
	[tilespmem:s4+$0xFFFFFFD0] =	vst v5;
	v11 =	vld [tilespmem:s1+$0xFFFFFFE0];
	v63 =	vadd.f32 v61, v60  }
0x248: {  	v8 =	vld [tilespmem:s25+$0x60];
	v20 =	vadd.f32 v62, v20;
	v5 =	vadd.f32 v19, v24;
	[tilespmem:s4+$0xFFFFFFE0] =	vst v4  }
0x249: {  	v9 =	vld [tilespmem:s25+$0xE0];
	[tilespmem:s4+$0x0] =	vst v63  }
0x24a: {  	s8 =	simm.s32 $0x0;
	v4 =	vmul.f32 v15, v14;
	v14 =	vld [tilespmem:s25+$0xFFFFFF00];
	s25 =	simm.s32 $0x480;
	v15 =	vadd.f32 v20, v18;
	[tilespmem:s4+$0xFFFFFFF0] =	vst v5;
	v5 =	vadd.f32 v17, v16  }
.LBB2_13:
0x24b: {  	v16 =	vld [tilespmem:s25+$0xFFFFFF70];
	v6 =	vmul.f32 v10, v6  }
0x24c: {  	v10 =	vld [tilespmem:s25+$0xFFFFFFF0];
	[tilespmem:s4+$0x10] =	vst v15;
	v7 =	vmul.f32 v11, v7  }
0x24d: {  	v11 =	vld [tilespmem:s25+$0x70];
	v8 =	vmul.f32 v13, v8  }
0x24e: {  	s1 =	sadd.s32 $0x400, s1;
	v13 =	vld [tilespmem:s25+$0xF0];
	v6 =	vadd.f32 v7, v6;
	v7 =	vmul.f32 v12, v9  }
0x24f: {  	v9 =	vld [tilespmem:s1+$0xFFFFFF70];
	v3 =	vmul.f32 v3, v14  }
0x250: {  	v12 =	vld [tilespmem:s1+$0xFFFFFFF0];
	v7 =	vadd.f32 v7, v8  }
0x251: {  	v8 =	vld [tilespmem:s1+$0x70];
	v3 =	vadd.f32 v4, v3  }
0x252: {  	s8 =	sadd.s32 $0x8, s8;
	v4 =	vld [tilespmem:s1+$0xF0];
	v6 =	vadd.f32 v7, v6  }
0x253: {  	p1 =	slt.u32 s8, $0x138;
	v7 =	vld [tilespmem:s25+$0xFFFFFF80];
	v3 =	vadd.f32 v5, v3  }
0x254: {  	v5 =	vld [tilespmem:s25+$0x0];
	[tilespmem:s4+$0x20] =	vst v6  }
0x255: {  	v6 =	vld [tilespmem:s25+$0x80];
	[tilespmem:s4+$0xFFFFFFC0] =	vst v3  }
0x256: {  	v9 =	vmul.f32 v9, v16;
	v10 =	vmul.f32 v12, v10;
	v3 =	vld [tilespmem:s1+$0xFFFFFF00]  }
0x257: {  	v8 =	vmul.f32 v8, v11;
	v12 =	vld [tilespmem:s1+$0xFFFFFF80];
	v4 =	vmul.f32 v4, v13  }
0x258: {  	v11 =	vld [tilespmem:s1+$0x0]  }
0x259: {  	v9 =	vadd.f32 v10, v9;
	v13 =	vld [tilespmem:s1+$0x80];
	v4 =	vadd.f32 v4, v8  }
0x25a: {  	v8 =	vld [tilespmem:s25+$0xFFFFFF10]  }
0x25b: {  	v10 =	vld [tilespmem:s25+$0xFFFFFF90];
	v9 =	vadd.f32 v4, v9  }
0x25c: {  	s4 =	sadd.s32 $0x80, s4;
	v4 =	vmul.f32 v12, v7;
	v7 =	vld [tilespmem:s25+$0x10]  }
0x25d: {  	v5 =	vmul.f32 v11, v5;
	v11 =	vld [tilespmem:s25+$0x90];
	[tilespmem:s4+$0x30] =	vst v9  }
0x25e: {  	v6 =	vmul.f32 v13, v6;
	v9 =	vld [tilespmem:s1+$0xFFFFFF10]  }
0x25f: {  	v12 =	vld [tilespmem:s1+$0xFFFFFF90]  }
0x260: {  	v5 =	vadd.f32 v6, v5;
	v6 =	vld [tilespmem:s1+$0x10]  }
0x261: {  	v13 =	vld [tilespmem:s1+$0x90]  }
0x262: {  	v14 =	vld [tilespmem:s25+$0xFFFFFF20]  }
0x263: {  	v8 =	vmul.f32 v9, v8;
	v9 =	vld [tilespmem:s25+$0xFFFFFFA0]  }
0x264: {  	v10 =	vmul.f32 v12, v10;
	v12 =	vld [tilespmem:s25+$0x20]  }
0x265: {  	v6 =	vmul.f32 v6, v7;
	v7 =	vld [tilespmem:s25+$0xA0]  }
0x266: {  	v8 =	vadd.f32 v10, v8;
	v10 =	vmul.f32 v13, v11;
	v11 =	vld [tilespmem:s1+$0xFFFFFF20]  }
0x267: {  	v13 =	vld [tilespmem:s1+$0xFFFFFFA0]  }
0x268: {  	v6 =	vadd.f32 v10, v6;
	v10 =	vld [tilespmem:s1+$0x20]  }
0x269: {  	v15 =	vld [tilespmem:s1+$0xA0]  }
0x26a: {  	v6 =	vadd.f32 v6, v8;
	v8 =	vld [tilespmem:s25+$0xFFFFFF30]  }
0x26b: {  	v11 =	vmul.f32 v11, v14;
	v14 =	vld [tilespmem:s25+$0xFFFFFFB0]  }
0x26c: {  	[tilespmem:s4+$0xFFFFFFD0] =	vst v6;
	v6 =	vmul.f32 v13, v9;
	v9 =	vld [tilespmem:s25+$0x30]  }
0x26d: {  	v10 =	vmul.f32 v10, v12;
	v12 =	vld [tilespmem:s25+$0xB0]  }
0x26e: {  	v6 =	vadd.f32 v6, v11;
	v7 =	vmul.f32 v15, v7;
	v11 =	vld [tilespmem:s1+$0xFFFFFF30]  }
0x26f: {  	v13 =	vld [tilespmem:s1+$0xFFFFFFB0]  }
0x270: {  	v7 =	vadd.f32 v7, v10;
	v10 =	vld [tilespmem:s1+$0x30]  }
0x271: {  	v15 =	vld [tilespmem:s1+$0xB0]  }
0x272: {  	v6 =	vadd.f32 v7, v6;
	v7 =	vld [tilespmem:s25+$0xFFFFFF40]  }
0x273: {  	v8 =	vmul.f32 v11, v8;
	v11 =	vld [tilespmem:s25+$0xFFFFFFC0]  }
0x274: {  	[tilespmem:s4+$0xFFFFFFE0] =	vst v6;
	v6 =	vmul.f32 v13, v14;
	v13 =	vld [tilespmem:s25+$0x40]  }
0x275: {  	v9 =	vmul.f32 v10, v9;
	v10 =	vld [tilespmem:s25+$0xC0]  }
0x276: {  	v6 =	vadd.f32 v6, v8;
	v8 =	vmul.f32 v15, v12;
	v12 =	vld [tilespmem:s1+$0xFFFFFF40]  }
0x277: {  	v14 =	vld [tilespmem:s1+$0xFFFFFFC0]  }
0x278: {  	v8 =	vadd.f32 v8, v9;
	v9 =	vld [tilespmem:s1+$0x40]  }
0x279: {  	v15 =	vld [tilespmem:s1+$0xC0]  }
0x27a: {  	v6 =	vadd.f32 v8, v6;
	v8 =	vld [tilespmem:s25+$0xFFFFFF50]  }
0x27b: {  	v7 =	vmul.f32 v12, v7;
	v12 =	vld [tilespmem:s25+$0xFFFFFFD0]  }
0x27c: {  	[tilespmem:s4+$0xFFFFFFF0] =	vst v6;
	v6 =	vmul.f32 v14, v11;
	v11 =	vld [tilespmem:s25+$0x50]  }
0x27d: {  	v9 =	vmul.f32 v9, v13;
	v13 =	vld [tilespmem:s25+$0xD0]  }
0x27e: {  	v6 =	vadd.f32 v6, v7;
	v7 =	vmul.f32 v15, v10;
	v10 =	vld [tilespmem:s1+$0xFFFFFF50]  }
0x27f: {  	v14 =	vld [tilespmem:s1+$0xFFFFFFD0]  }
0x280: {  	v7 =	vadd.f32 v7, v9;
	v9 =	vld [tilespmem:s1+$0x50]  }
0x281: {  	v15 =	vld [tilespmem:s1+$0xD0]  }
0x282: {  	v16 =	vadd.f32 v7, v6;
	v6 =	vld [tilespmem:s25+$0xFFFFFF60]  }
0x283: {  	v10 =	vmul.f32 v10, v8;
	v7 =	vld [tilespmem:s25+$0xFFFFFFE0]  }
0x284: {  	[tilespmem:s4+$0x0] =	vst v16;
	v12 =	vmul.f32 v14, v12;
	v8 =	vld [tilespmem:s25+$0x60]  }
0x285: {  	v14 =	vmul.f32 v9, v11;
	v9 =	vld [tilespmem:s25+$0xE0]  }
.Ltmp10:
0x286: {  	v16 =	vadd.f32 v12, v10;
	v12 =	vmul.f32 v15, v13;
	v10 =	vld [tilespmem:s1+$0xFFFFFF60];
	(pc) =	sbr.rel @p1 .LBB2_13-.Ltmp10, $4  }
0x287: {  	v11 =	vld [tilespmem:s1+$0xFFFFFFE0]  }
0x288: {  	v15 =	vadd.f32 v12, v14;
	v13 =	vld [tilespmem:s1+$0x60]  }
0x289: {  	v12 =	vld [tilespmem:s1+$0xE0]  }
0x28a: {  	v14 =	vld [tilespmem:s25+$0xFFFFFF00];
	v15 =	vadd.f32 v15, v16;
	s25 =	sadd.s32 $0x200, s25  }
0x28b: {  	_ =	sdelay $0x1  }
0x28c: {  	v6 =	vmul.f32 v10, v6;
	v7 =	vmul.f32 v11, v7  }
0x28d: {  	v8 =	vmul.f32 v13, v8;
	v9 =	vmul.f32 v12, v9  }
0x28e: {  	v3 =	vmul.f32 v3, v14  }
0x28f: {  	v6 =	vadd.f32 v7, v6;
	v62 =	vadd.f32 v9, v8  }
0x290: {  	v3 =	vadd.f32 v4, v3  }
0x291: {  	v63 =	vadd.f32 v62, v6  }
0x292: {  	[tilespmem:s4+$0x10] =	vst v15;
	v3 =	vadd.f32 v5, v3  }
0x293: {  	[tilespmem:s4+$0x20] =	vst v63  }
0x294: {  	[tilespmem:s4+$0xFFFFFFC0] =	vst v3  }
.LBB2_15:
0x295: {  	p1 =	seq.s32 s24, $0x0  }
0x296: {  	p2 =	sge.u32 @!p1 s5, s3  }
0x297: {  	p2 =	por p1, p2  }
.Ltmp11:
0x298: {  	_ = 	snop;
	(pc) =	sbr.rel @p2 .LBB2_19-.Ltmp11, $1  }
0x299: {  	_ =	sdelay $0x3  }
0x29a: {  	s1 =	simm.s32 $0x0  }
0x29b: {  	v3 =	vld [tilespmem:s1+$0x1BA10]  }
0x29c: {  	v4 =	vld [tilespmem:s1+$0x1CE21]  }
0x29d: {  	v5 =	vld [tilespmem:s1+$0x1B9A0]  }
0x29e: {  	v6 =	vld [tilespmem:s1+$0x191F2]  }
0x29f: {  	v7 =	vld [tilespmem:s1+$0x1CDB1]  }
0x2a0: {  	v8 =	vld [tilespmem:s1+$0x1B9B0]  }
0x2a1: {  	v9 =	vld [tilespmem:s1+$0x1CDC1]  }
0x2a2: {  	v10 =	vld [tilespmem:s1+$0x1CDD1]  }
0x2a3: {  	v56 =	vld [tilespmem:s1+$0x1B9D0]  }
0x2a4: {  	v11 =	vld [tilespmem:s1+$0x1B9E0]  }
0x2a5: {  	v12 =	vld [tilespmem:s1+$0x1CDF1]  }
0x2a6: {  	v13 =	vld [tilespmem:s1+$0x1B9F0]  }
0x2a7: {  	v14 =	vld [tilespmem:s1+$0x1CE01]  }
0x2a8: {  	v15 =	vld [tilespmem:s1+$0x1BA00]  }
0x2a9: {  	v16 =	vld [tilespmem:s1+$0x19182]  }
0x2aa: {  	v17 =	vld [tilespmem:s1+$0x1CE11]  }
0x2ab: {  	v18 =	vld [tilespmem:s1+$0x19192];
	v3 =	vmul.f32 v4, v3  }
0x2ac: {  	v57 =	vld [tilespmem:s1+$0x191A2]  }
0x2ad: {  	v4 =	vld [tilespmem:s1+$0x1B9C0];
	v3 =	vmul.f32 v6, v3  }
0x2ae: {  	v58 =	vld [tilespmem:s1+$0x191C2]  }
0x2af: {  	[tilespmem:s1+$0x1E270] =	vst.add.f32.msk $0xffff, v3  }
0x2b0: {  	v5 =	vmul.f32 v7, v5;
	v3 =	vld [tilespmem:s1+$0x1CDE1]  }
0x2b1: {  	v59 =	vld [tilespmem:s1+$0x191D2]  }
0x2b2: {  	v19 =	vld [tilespmem:s1+$0x191B2];
	v5 =	vmul.f32 v16, v5;
	v4 =	vmul.f32 v10, v4  }
0x2b3: {  	v61 =	vld [tilespmem:s1+$0x191E2];
	v8 =	vmul.f32 v9, v8;
	v62 =	vmul.f32 v14, v13  }
0x2b4: {  	[tilespmem:s1+$0x1E200] =	vst.add.f32.msk $0xffff, v5;
	v5 =	vmul.f32 v12, v11;
	v4 =	vmul.f32 v57, v4  }
0x2b5: {  	v60 =	vmul.f32 v18, v8;
	v3 =	vmul.f32 v3, v56  }
0x2b6: {  	v63 =	vmul.f32 v59, v62;
	[tilespmem:s1+$0x1E220] =	vst.add.f32.msk $0xffff, v4;
	v4 =	vmul.f32 v58, v5  }
0x2b7: {  	[tilespmem:s1+$0x1E210] =	vst.add.f32.msk $0xffff, v60;
	v5 =	vmul.f32 v17, v15;
	v3 =	vmul.f32 v19, v3  }
0x2b8: {  	[tilespmem:s1+$0x1E250] =	vst.add.f32.msk $0xffff, v63  }
0x2b9: {  	[tilespmem:s1+$0x1E230] =	vst.add.f32.msk $0xffff, v3;
	v3 =	vmul.f32 v61, v5  }
0x2ba: {  	s4 =	simm.s32 $0x0;
	s8 =	simm.s32 $0x200;
	[tilespmem:s1+$0x1E240] =	vst.add.f32.msk $0xffff, v4  }
.LBB2_17:
0x2bb: {  	[tilespmem:s1+$0x1E260] =	vst.add.f32.msk $0xffff, v3;
	s1 =	sshra.s32 s8, $0x2  }
0x2bc: {  	s4 =	sadd.s32 $0x8, s4;
	v3 =	vld [tilespmem:s1+$0x1BA10]  }
0x2bd: {  	p2 =	slt.u32 s4, $0x138;
	v4 =	vld [tilespmem:s1+$0x1CE21]  }
0x2be: {  	v5 =	vld [tilespmem:s1+$0x1B9A0]  }
0x2bf: {  	v6 =	vld [tilespmem:s1+$0x191F2]  }
0x2c0: {  	v7 =	vld [tilespmem:s1+$0x1CDB1]  }
0x2c1: {  	v8 =	vld [tilespmem:s1+$0x1B9B0]  }
0x2c2: {  	v9 =	vld [tilespmem:s1+$0x1CDC1];
	v3 =	vmul.f32 v4, v3  }
0x2c3: {  	v4 =	vld [tilespmem:s1+$0x1B9C0]  }
0x2c4: {  	v10 =	vld [tilespmem:s1+$0x1CDD1];
	v3 =	vmul.f32 v6, v3  }
0x2c5: {  	v5 =	vmul.f32 v7, v5;
	v6 =	vld [tilespmem:s1+$0x1B9D0]  }
0x2c6: {  	[tilespmem:s1+$0x1E270] =	vst.add.f32.msk $0xffff, v3  }
0x2c7: {  	v3 =	vmul.f32 v9, v8;
	v7 =	vld [tilespmem:s1+$0x1CDE1]  }
0x2c8: {  	v8 =	vld [tilespmem:s1+$0x1B9E0]  }
0x2c9: {  	v4 =	vmul.f32 v10, v4;
	v9 =	vld [tilespmem:s1+$0x1CDF1]  }
0x2ca: {  	v10 =	vld [tilespmem:s1+$0x1B9F0]  }
0x2cb: {  	v11 =	vld [tilespmem:s1+$0x1CE01]  }
0x2cc: {  	v6 =	vmul.f32 v7, v6;
	v7 =	vld [tilespmem:s1+$0x1BA00]  }
0x2cd: {  	v12 =	vld [tilespmem:s1+$0x1CE11]  }
0x2ce: {  	v13 =	vld [tilespmem:s1+$0x19182];
	v8 =	vmul.f32 v9, v8  }
0x2cf: {  	v9 =	vld [tilespmem:s1+$0x19192]  }
0x2d0: {  	v14 =	vld [tilespmem:s1+$0x191A2];
	v10 =	vmul.f32 v11, v10  }
0x2d1: {  	v11 =	vld [tilespmem:s1+$0x191B2]  }
0x2d2: {  	v15 =	vld [tilespmem:s1+$0x191C2];
	v7 =	vmul.f32 v12, v7  }
0x2d3: {  	v5 =	vmul.f32 v13, v5;
	v12 =	vld [tilespmem:s1+$0x191D2]  }
0x2d4: {  	v3 =	vmul.f32 v9, v3;
	v9 =	vld [tilespmem:s1+$0x191E2]  }
0x2d5: {  	[tilespmem:s1+$0x1E200] =	vst.add.f32.msk $0xffff, v5;
	v4 =	vmul.f32 v14, v4  }
.Ltmp12:
0x2d6: {  	[tilespmem:s1+$0x1E210] =	vst.add.f32.msk $0xffff, v3;
	v3 =	vmul.f32 v11, v6;
	(pc) =	sbr.rel @p2 .LBB2_17-.Ltmp12, $4  }
0x2d7: {  	[tilespmem:s1+$0x1E220] =	vst.add.f32.msk $0xffff, v4;
	v4 =	vmul.f32 v15, v8  }
0x2d8: {  	[tilespmem:s1+$0x1E230] =	vst.add.f32.msk $0xffff, v3;
	v5 =	vmul.f32 v12, v10  }
0x2d9: {  	[tilespmem:s1+$0x1E240] =	vst.add.f32.msk $0xffff, v4;
	v3 =	vmul.f32 v9, v7  }
0x2da: {  	s8 =	sadd.s32 $0x200, s8;
	[tilespmem:s1+$0x1E250] =	vst.add.f32.msk $0xffff, v5  }
0x2db: {  	[tilespmem:s1+$0x1E260] =	vst.add.f32.msk $0xffff, v3  }
.LBB2_19:
0x2dc: {  	p2 =	sge.u32 @!p1 s5, s23  }
0x2dd: {  	p1 =	por p1, p2  }
.Ltmp13:
0x2de: {  	_ = 	snop;
	(pc) =	sbr.rel @p1 .LBB2_23-.Ltmp13, $1  }
0x2df: {  	_ =	sdelay $0x3  }
0x2e0: {  	s1 =	simm.s32 $0x0  }
0x2e1: {  	v3 =	vld [tilespmem:s1+$0x1CE20]  }
0x2e2: {  	v4 =	vld [tilespmem:s1+$0x191F1]  }
0x2e3: {  	v5 =	vld [tilespmem:s1+$0x1CDB0]  }
0x2e4: {  	v6 =	vld [tilespmem:s1+$0x1A602]  }
0x2e5: {  	v7 =	vld [tilespmem:s1+$0x19181]  }
0x2e6: {  	v8 =	vld [tilespmem:s1+$0x1CDC0]  }
0x2e7: {  	v9 =	vld [tilespmem:s1+$0x19191]  }
0x2e8: {  	v10 =	vld [tilespmem:s1+$0x191A1]  }
0x2e9: {  	v56 =	vld [tilespmem:s1+$0x1CDE0]  }
0x2ea: {  	v11 =	vld [tilespmem:s1+$0x1CDF0]  }
0x2eb: {  	v12 =	vld [tilespmem:s1+$0x191C1]  }
0x2ec: {  	v13 =	vld [tilespmem:s1+$0x1CE00]  }
0x2ed: {  	v14 =	vld [tilespmem:s1+$0x191D1]  }
0x2ee: {  	v15 =	vld [tilespmem:s1+$0x1CE10]  }
0x2ef: {  	v16 =	vld [tilespmem:s1+$0x1A592]  }
0x2f0: {  	v17 =	vld [tilespmem:s1+$0x191E1]  }
0x2f1: {  	v18 =	vld [tilespmem:s1+$0x1A5A2];
	v3 =	vmul.f32 v4, v3  }
0x2f2: {  	v57 =	vld [tilespmem:s1+$0x1A5B2]  }
0x2f3: {  	v4 =	vld [tilespmem:s1+$0x1CDD0];
	v3 =	vmul.f32 v6, v3  }
0x2f4: {  	v58 =	vld [tilespmem:s1+$0x1A5D2]  }
0x2f5: {  	[tilespmem:s1+$0x1E270] =	vst.add.f32.msk $0xffff, v3  }
0x2f6: {  	v5 =	vmul.f32 v7, v5;
	v3 =	vld [tilespmem:s1+$0x191B1]  }
0x2f7: {  	v59 =	vld [tilespmem:s1+$0x1A5E2]  }
0x2f8: {  	v19 =	vld [tilespmem:s1+$0x1A5C2];
	v5 =	vmul.f32 v16, v5;
	v4 =	vmul.f32 v10, v4  }
0x2f9: {  	v61 =	vld [tilespmem:s1+$0x1A5F2];
	v8 =	vmul.f32 v9, v8;
	v62 =	vmul.f32 v14, v13  }
0x2fa: {  	[tilespmem:s1+$0x1E200] =	vst.add.f32.msk $0xffff, v5;
	v5 =	vmul.f32 v12, v11;
	v4 =	vmul.f32 v57, v4  }
0x2fb: {  	v60 =	vmul.f32 v18, v8;
	v3 =	vmul.f32 v3, v56  }
0x2fc: {  	v63 =	vmul.f32 v59, v62;
	[tilespmem:s1+$0x1E220] =	vst.add.f32.msk $0xffff, v4;
	v4 =	vmul.f32 v58, v5  }
0x2fd: {  	[tilespmem:s1+$0x1E210] =	vst.add.f32.msk $0xffff, v60;
	v5 =	vmul.f32 v17, v15;
	v3 =	vmul.f32 v19, v3  }
0x2fe: {  	[tilespmem:s1+$0x1E250] =	vst.add.f32.msk $0xffff, v63  }
0x2ff: {  	[tilespmem:s1+$0x1E230] =	vst.add.f32.msk $0xffff, v3;
	v3 =	vmul.f32 v61, v5  }
0x300: {  	s4 =	simm.s32 $0x0;
	s8 =	simm.s32 $0x200;
	[tilespmem:s1+$0x1E240] =	vst.add.f32.msk $0xffff, v4  }
.LBB2_21:
0x301: {  	[tilespmem:s1+$0x1E260] =	vst.add.f32.msk $0xffff, v3;
	s1 =	sshra.s32 s8, $0x2  }
0x302: {  	s4 =	sadd.s32 $0x8, s4;
	v3 =	vld [tilespmem:s1+$0x1CE20]  }
0x303: {  	p1 =	slt.u32 s4, $0x138;
	v4 =	vld [tilespmem:s1+$0x191F1]  }
0x304: {  	v5 =	vld [tilespmem:s1+$0x1CDB0]  }
0x305: {  	v6 =	vld [tilespmem:s1+$0x1A602]  }
0x306: {  	v7 =	vld [tilespmem:s1+$0x19181]  }
0x307: {  	v8 =	vld [tilespmem:s1+$0x1CDC0]  }
0x308: {  	v9 =	vld [tilespmem:s1+$0x19191];
	v3 =	vmul.f32 v4, v3  }
0x309: {  	v4 =	vld [tilespmem:s1+$0x1CDD0]  }
0x30a: {  	v10 =	vld [tilespmem:s1+$0x191A1];
	v3 =	vmul.f32 v6, v3  }
0x30b: {  	v5 =	vmul.f32 v7, v5;
	v6 =	vld [tilespmem:s1+$0x1CDE0]  }
0x30c: {  	[tilespmem:s1+$0x1E270] =	vst.add.f32.msk $0xffff, v3  }
0x30d: {  	v3 =	vmul.f32 v9, v8;
	v7 =	vld [tilespmem:s1+$0x191B1]  }
0x30e: {  	v8 =	vld [tilespmem:s1+$0x1CDF0]  }
0x30f: {  	v4 =	vmul.f32 v10, v4;
	v9 =	vld [tilespmem:s1+$0x191C1]  }
0x310: {  	v10 =	vld [tilespmem:s1+$0x1CE00]  }
0x311: {  	v11 =	vld [tilespmem:s1+$0x191D1]  }
0x312: {  	v6 =	vmul.f32 v7, v6;
	v7 =	vld [tilespmem:s1+$0x1CE10]  }
0x313: {  	v12 =	vld [tilespmem:s1+$0x191E1]  }
0x314: {  	v13 =	vld [tilespmem:s1+$0x1A592];
	v8 =	vmul.f32 v9, v8  }
0x315: {  	v9 =	vld [tilespmem:s1+$0x1A5A2]  }
0x316: {  	v14 =	vld [tilespmem:s1+$0x1A5B2];
	v10 =	vmul.f32 v11, v10  }
0x317: {  	v11 =	vld [tilespmem:s1+$0x1A5C2]  }
0x318: {  	v15 =	vld [tilespmem:s1+$0x1A5D2];
	v7 =	vmul.f32 v12, v7  }
0x319: {  	v5 =	vmul.f32 v13, v5;
	v12 =	vld [tilespmem:s1+$0x1A5E2]  }
0x31a: {  	v3 =	vmul.f32 v9, v3;
	v9 =	vld [tilespmem:s1+$0x1A5F2]  }
0x31b: {  	[tilespmem:s1+$0x1E200] =	vst.add.f32.msk $0xffff, v5;
	v4 =	vmul.f32 v14, v4  }
.Ltmp14:
0x31c: {  	[tilespmem:s1+$0x1E210] =	vst.add.f32.msk $0xffff, v3;
	v3 =	vmul.f32 v11, v6;
	(pc) =	sbr.rel @p1 .LBB2_21-.Ltmp14, $4  }
0x31d: {  	[tilespmem:s1+$0x1E220] =	vst.add.f32.msk $0xffff, v4;
	v4 =	vmul.f32 v15, v8  }
0x31e: {  	[tilespmem:s1+$0x1E230] =	vst.add.f32.msk $0xffff, v3;
	v5 =	vmul.f32 v12, v10  }
0x31f: {  	[tilespmem:s1+$0x1E240] =	vst.add.f32.msk $0xffff, v4;
	v3 =	vmul.f32 v9, v7  }
0x320: {  	s8 =	sadd.s32 $0x200, s8;
	[tilespmem:s1+$0x1E250] =	vst.add.f32.msk $0xffff, v5  }
0x321: {  	[tilespmem:s1+$0x1E260] =	vst.add.f32.msk $0xffff, v3  }
.LBB2_23:
0x322: {  	p1 =	seq.s32 s24, $0x10  }
.Ltmp15:
0x323: {  	_ = 	snop;
	(pc) =	sbr.rel @!p1 .LBB2_24-.Ltmp15, $2  }
0x324: {  	_ =	sdelay $0x2  }
0x325: {  	s25 =	sshll.u32 s24, $0x4  }
.Ltmp16:
0x326: {  	(pc) =	sbr.rel @p0 .LBB2_29-.Ltmp16, $4  }
.Ltmp17:
0x327: {  	(pc) =	sbr.rel @!p0 .LBB2_27-.Ltmp17, $4  }
0x328: {  	_ = 	snop  }
0x329: {  	_ = 	snop  }
0x32a: {  	_ = 	snop  }
0x32b: {  	_ = 	snop  }
.LBB2_24:
.Ltmp18:
0x32c: {  	(pc) =	sbr.rel @p0 .LBB2_28-.Ltmp18, $1  }
0x32d: {  	_ =	sdelay $0x3  }
0x32e: {  	v3 =	vld.msk [tilespmem:s25+$0x10], $0xff;
	_ =	sdelay $0x4  }
0x32f: {  	v4 =	vshrl.u32 v3, $0x3  }
0x330: {  	v4 =	vmul.u32 $0x278, v4  }
0x331: {  	v3 =	vand.u32 $0x7, v3  }
0x332: {  	v3 =	vor.u32 v3, v4  }
0x333: {  	v3 =	vperm.xlane v3, v1;
	_ =	sdelay $0x1  }
0x334: {  	v3 =	vadd.s32 v2, v3;
	_ =	sdelay $0x3  }
0x335: {  	s0 =	simm.s32 $0x5180  }
0x336: {  	[tilespmem:s0], [sflag:$0x1] =	stream.indirect_vreg.gather [hbm4b:s9+s2], $0x80, v3, vm0, $0xb8;
	[tilespmem:$0x1F600] =	vst v63  }
0x337: {  	s1 =	simm.s32 $0x5980  }
0x338: {  	[tilespmem:s1], [sflag:$0x1] =	stream.indirect_vreg.gather [hbm4b:s13+s2], $0x80, v3, vm0, $0xb8;
	[tilespmem:$0x1F600] =	vst v63  }
0x339: {  	s4 =	rddreg [dreg:$0x4];
	s1 =	simm.s32 $0x6180  }
0x33a: {  	[tilespmem:s1], [sflag:$0x1] =	stream.indirect_vreg.gather [hbm4b:s4+s2], $0x80, v3, vm0, $0xb8;
	[tilespmem:$0x1F600] =	vst v63  }
0x33b: {  	s8 =	rddreg [dreg:$0x8];
	s26 =	simm.s32 $0x6980  }
0x33c: {  	[tilespmem:s26], [sflag:$0x1] =	stream.indirect_vreg.gather [hbm4b:s8+s2], $0x80, v3, vm0, $0xb8;
	[tilespmem:$0x1F600] =	vst v63  }
0x33d: {  	s1 =	simm.s32 $0x7180  }
0x33e: {  	[tilespmem:s1], [sflag:$0x1] =	stream.indirect_vreg.gather [hbm4b:s14+s2], $0x80, v3, vm0, $0xb8;
	[tilespmem:$0x1F600] =	vst v63  }
0x33f: {  	s4 =	simm.s32 $0x7980  }
0x340: {  	[tilespmem:s4], [sflag:$0x1] =	stream.indirect_vreg.gather [hbm4b:s15+s2], $0x80, v3, vm0, $0xb8;
	[tilespmem:$0x1F600] =	vst v63  }
0x341: {  	s8 =	rddreg [dreg:$0xb];
	s26 =	simm.s32 $0x8180  }
0x342: {  	[tilespmem:s26], [sflag:$0x1] =	stream.indirect_vreg.gather [hbm4b:s8+s2], $0x80, v3, vm0, $0xb8;
	[tilespmem:$0x1F600] =	vst v63  }
0x343: {  	s1 =	simm.s32 $0x8980  }
0x344: {  	[tilespmem:s1], [sflag:$0x1] =	stream.indirect_vreg.gather [hbm4b:s16+s2], $0x80, v3, vm0, $0xb8;
	[tilespmem:$0x1F600] =	vst v63  }
0x345: {  	s4 =	simm.s32 $0x9180  }
0x346: {  	[tilespmem:s4], [sflag:$0x1] =	stream.indirect_vreg.gather [hbm4b:s17+s2], $0x80, v3, vm0, $0xb8;
	[tilespmem:$0x1F600] =	vst v63  }
0x347: {  	s8 =	rddreg [dreg:$0x10];
	s26 =	simm.s32 $0x9980  }
0x348: {  	[tilespmem:s26], [sflag:$0x1] =	stream.indirect_vreg.gather [hbm4b:s8+s2], $0x80, v3, vm0, $0xb8;
	[tilespmem:$0x1F600] =	vst v63  }
0x349: {  	s4 =	simm.s32 $0xA180  }
0x34a: {  	[tilespmem:s4], [sflag:$0x1] =	stream.indirect_vreg.gather [hbm4b:s19+s2], $0x80, v3, vm0, $0xb8;
	[tilespmem:$0x1F600] =	vst v63  }
0x34b: {  	s8 =	simm.s32 $0xA980;
	s26 =	rddreg [dreg:$0x19]  }
0x34c: {  	[tilespmem:s8], [sflag:$0x1] =	stream.indirect_vreg.gather [hbm4b:s26+s2], $0x80, v3, vm0, $0xb8;
	[tilespmem:$0x1F600] =	vst v63  }
0x34d: {  	s4 =	simm.s32 $0xB180  }
0x34e: {  	[tilespmem:s4], [sflag:$0x1] =	stream.indirect_vreg.gather [hbm4b:s21+s2], $0x80, v3, vm0, $0xb8;
	[tilespmem:$0x1F600] =	vst v63  }
0x34f: {  	s8 =	rddreg [dreg:$0xf];
	s26 =	simm.s32 $0xB980  }
0x350: {  	[tilespmem:s26], [sflag:$0x1] =	stream.indirect_vreg.gather [hbm4b:s8+s2], $0x80, v3, vm0, $0xb8;
	[tilespmem:$0x1F600] =	vst v63  }
0x351: {  	s4 =	simm.s32 $0xC180  }
0x352: {  	[tilespmem:s4], [sflag:$0x1] =	stream.indirect_vreg.gather [hbm4b:s18+s2], $0x80, v3, vm0, $0xb8;
	[tilespmem:$0x1F600] =	vst v63  }
0x353: {  	s8 =	simm.s32 $0xC980  }
0x354: {  	[tilespmem:s8], [sflag:$0x1] =	stream.indirect_vreg.gather [hbm4b:s30+s2], $0x80, v3, vm0, $0xb8;
	[tilespmem:$0x1F600] =	vst v63  }
0x355: {  	s26 =	simm.s32 $0xD180  }
0x356: {  	[tilespmem:s26], [sflag:$0x1] =	stream.indirect_vreg.gather [hbm4b:s20+s2], $0x80, v3, vm0, $0xb8;
	[tilespmem:$0x1F600] =	vst v63  }
0x357: {  	s1 =	simm.s32 $0xD980  }
0x358: {  	[tilespmem:s1], [sflag:$0x1] =	stream.indirect_vreg.gather [hbm4b:s22+s2], $0x80, v3, vm0, $0xb8;
	[tilespmem:$0x1F600] =	vst v63  }
0x359: {  	s4 =	simm.s32 $0xE180  }
0x35a: {  	[tilespmem:s4], [sflag:$0x1] =	stream.indirect_vreg.gather [hbm4b:s31+s2], $0x80, v3, vm0, $0xb8;
	[tilespmem:$0x1F600] =	vst v63  }
0x35b: {  	s8 =	rddreg [dreg:$0x13];
	s26 =	simm.s32 $0xE980  }
0x35c: {  	[tilespmem:s26], [sflag:$0x1] =	stream.indirect_vreg.gather [hbm4b:s8+s2], $0x80, v3, vm0, $0xb8;
	[tilespmem:$0x1F600] =	vst v63  }
.LBB2_27:
.Ltmp19:
0x35d: {  	(pc) =	sbr.rel .LBB2_30-.Ltmp19, $4  }
0x35e: {  	_ = 	snop  }
0x35f: {  	_ =	swait.ge [sflag:s6], $0xA000  }
0x360: {  	[sflag:s6] =	ssyncset.done $0x0  }
0x361: {  	[sflag:s6] =	ssyncadd.s32 $0xFFFF6000  }
.LBB2_28:
0x362: {  	v3 =	vld.msk [tilespmem:s25+$0x10], $0xff;
	_ =	sdelay $0x4  }
0x363: {  	v4 =	vshrl.u32 v3, $0x3  }
0x364: {  	v4 =	vmul.u32 $0x278, v4  }
0x365: {  	v3 =	vand.u32 $0x7, v3  }
0x366: {  	v3 =	vor.u32 v3, v4  }
0x367: {  	v3 =	vperm.xlane v3, v1;
	_ =	sdelay $0x1  }
0x368: {  	v3 =	vadd.s32 v2, v3;
	_ =	sdelay $0x3  }
0x369: {  	s0 =	simm.s32 $0x5180  }
0x36a: {  	[tilespmem:s0], [sflag:$0x1] =	stream.indirect_vreg.gather [hbm4b:s7+s2], $0x80, v3, vm0, $0xb8;
	[tilespmem:$0x1F600] =	vst v63  }
0x36b: {  	s1 =	sadd.s32 $0x100, s7;
	s4 =	simm.s32 $0x5980  }
0x36c: {  	[tilespmem:s4], [sflag:$0x1] =	stream.indirect_vreg.gather [hbm4b:s1+s2], $0x80, v3, vm0, $0xb8;
	[tilespmem:$0x1F600] =	vst v63  }
0x36d: {  	s8 =	sadd.s32 $0x200, s7;
	s26 =	simm.s32 $0x6180  }
0x36e: {  	[tilespmem:s26], [sflag:$0x1] =	stream.indirect_vreg.gather [hbm4b:s8+s2], $0x80, v3, vm0, $0xb8;
	[tilespmem:$0x1F600] =	vst v63  }
0x36f: {  	s0 =	sadd.s32 $0x300, s7;
	s4 =	simm.s32 $0x6980  }
0x370: {  	[tilespmem:s4], [sflag:$0x1] =	stream.indirect_vreg.gather [hbm4b:s0+s2], $0x80, v3, vm0, $0xb8;
	[tilespmem:$0x1F600] =	vst v63  }
0x371: {  	s8 =	sadd.s32 $0x400, s7;
	s26 =	simm.s32 $0x7180  }
0x372: {  	[tilespmem:s26], [sflag:$0x1] =	stream.indirect_vreg.gather [hbm4b:s8+s2], $0x80, v3, vm0, $0xb8;
	[tilespmem:$0x1F600] =	vst v63  }
0x373: {  	s0 =	sadd.s32 $0x500, s7;
	s4 =	simm.s32 $0x7980  }
0x374: {  	[tilespmem:s4], [sflag:$0x1] =	stream.indirect_vreg.gather [hbm4b:s0+s2], $0x80, v3, vm0, $0xb8;
	[tilespmem:$0x1F600] =	vst v63  }
0x375: {  	s8 =	sadd.s32 $0x600, s7;
	s26 =	simm.s32 $0x8180  }
0x376: {  	[tilespmem:s26], [sflag:$0x1] =	stream.indirect_vreg.gather [hbm4b:s8+s2], $0x80, v3, vm0, $0xb8;
	[tilespmem:$0x1F600] =	vst v63  }
0x377: {  	s0 =	sadd.s32 $0x700, s7;
	s4 =	simm.s32 $0x8980  }
0x378: {  	[tilespmem:s4], [sflag:$0x1] =	stream.indirect_vreg.gather [hbm4b:s0+s2], $0x80, v3, vm0, $0xb8;
	[tilespmem:$0x1F600] =	vst v63  }
0x379: {  	s8 =	sadd.s32 $0x800, s7;
	s26 =	simm.s32 $0x9180  }
0x37a: {  	[tilespmem:s26], [sflag:$0x1] =	stream.indirect_vreg.gather [hbm4b:s8+s2], $0x80, v3, vm0, $0xb8;
	[tilespmem:$0x1F600] =	vst v63  }
0x37b: {  	s0 =	sadd.s32 $0x900, s7;
	s4 =	simm.s32 $0x9980  }
0x37c: {  	[tilespmem:s4], [sflag:$0x1] =	stream.indirect_vreg.gather [hbm4b:s0+s2], $0x80, v3, vm0, $0xb8;
	[tilespmem:$0x1F600] =	vst v63  }
0x37d: {  	s8 =	sadd.s32 $0xA00, s7;
	s26 =	simm.s32 $0xA180  }
0x37e: {  	[tilespmem:s26], [sflag:$0x1] =	stream.indirect_vreg.gather [hbm4b:s8+s2], $0x80, v3, vm0, $0xb8;
	[tilespmem:$0x1F600] =	vst v63  }
0x37f: {  	s0 =	sadd.s32 $0xB00, s7;
	s4 =	simm.s32 $0xA980  }
0x380: {  	[tilespmem:s4], [sflag:$0x1] =	stream.indirect_vreg.gather [hbm4b:s0+s2], $0x80, v3, vm0, $0xb8;
	[tilespmem:$0x1F600] =	vst v63  }
0x381: {  	s8 =	sadd.s32 $0xC00, s7;
	s26 =	simm.s32 $0xB180  }
0x382: {  	[tilespmem:s26], [sflag:$0x1] =	stream.indirect_vreg.gather [hbm4b:s8+s2], $0x80, v3, vm0, $0xb8;
	[tilespmem:$0x1F600] =	vst v63  }
0x383: {  	s0 =	sadd.s32 $0xD00, s7;
	s4 =	simm.s32 $0xB980  }
0x384: {  	[tilespmem:s4], [sflag:$0x1] =	stream.indirect_vreg.gather [hbm4b:s0+s2], $0x80, v3, vm0, $0xb8;
	[tilespmem:$0x1F600] =	vst v63  }
0x385: {  	s8 =	sadd.s32 $0xE00, s7;
	s26 =	simm.s32 $0xC180  }
0x386: {  	[tilespmem:s26], [sflag:$0x1] =	stream.indirect_vreg.gather [hbm4b:s8+s2], $0x80, v3, vm0, $0xb8;
	[tilespmem:$0x1F600] =	vst v63  }
0x387: {  	s0 =	sadd.s32 $0xF00, s7;
	s4 =	simm.s32 $0xC980  }
0x388: {  	[tilespmem:s4], [sflag:$0x1] =	stream.indirect_vreg.gather [hbm4b:s0+s2], $0x80, v3, vm0, $0xb8;
	[tilespmem:$0x1F600] =	vst v63  }
0x389: {  	s8 =	sadd.s32 $0x1000, s7;
	s26 =	simm.s32 $0xD180  }
0x38a: {  	[tilespmem:s26], [sflag:$0x1] =	stream.indirect_vreg.gather [hbm4b:s8+s2], $0x80, v3, vm0, $0xb8;
	[tilespmem:$0x1F600] =	vst v63  }
0x38b: {  	s0 =	sadd.s32 $0x1100, s7;
	s4 =	simm.s32 $0xD980  }
0x38c: {  	[tilespmem:s4], [sflag:$0x1] =	stream.indirect_vreg.gather [hbm4b:s0+s2], $0x80, v3, vm0, $0xb8;
	[tilespmem:$0x1F600] =	vst v63  }
0x38d: {  	s8 =	sadd.s32 $0x1200, s7;
	s26 =	simm.s32 $0xE180  }
0x38e: {  	[tilespmem:s26], [sflag:$0x1] =	stream.indirect_vreg.gather [hbm4b:s8+s2], $0x80, v3, vm0, $0xb8;
	[tilespmem:$0x1F600] =	vst v63  }
0x38f: {  	s0 =	sadd.s32 $0x1300, s7;
	s4 =	simm.s32 $0xE980  }
0x390: {  	[tilespmem:s4], [sflag:$0x1] =	stream.indirect_vreg.gather [hbm4b:s0+s2], $0x80, v3, vm1, $0xb8;
	[tilespmem:$0x1F600] =	vst v63  }
0x391: {  	s8 =	sadd.s32 $0x10, s25;
	s26 =	simm.s32 $0xED80  }
0x392: {  	[tilespmem:s26], [sflag:$0x1] =	stream.indirect.gather [hbm4b:s10+s11], $0x80, s8, s11, $0xb8;
	[tilespmem:$0x1F600] =	vst v63  }
.LBB2_29:
0x393: {  	_ =	swait.ge [sflag:s6], $0x9C00  }
0x394: {  	[sflag:s6] =	ssyncset.done $0x0  }
0x395: {  	[sflag:s6] =	ssyncadd.s32 $0xFFFF6400  }
0x396: {  	_ =	swait.ge [sflag:s6], $0x400  }
0x397: {  	[sflag:s6] =	ssyncset.done $0x0  }
0x398: {  	[sflag:s6] =	ssyncadd.s32 $0xFFFFFC00  }
.LBB2_30:
0x399: {  	s1 =	sor.u32 $0x3, s5;
	s0 =	rddreg [dreg:$0x15]  }
0x39a: {  	p2 =	sgt.u32 s1, s0  }
.Ltmp20:
0x39b: {  	_ = 	snop;
	(pc) =	sbr.rel @!p2 .LBB2_31-.Ltmp20, $3  }
0x39c: {  	_ =	sdelay $0x1  }
0x39d: {  	s4 =	sor.u32 $0x2, s5;
	s26 =	rddreg [dreg:$0x14]  }
0x39e: {  	p3 =	sge.u32 s4, s26  }
.Ltmp21:
0x39f: {  	(pc) =	sbr.rel @p3 .LBB2_42-.Ltmp21, $1  }
0x3a0: {  	_ =	sdelay $0x3  }
0x3a1: {  	s8 =	simm.s32 $0x280  }
0x3a2: {  	v4 =	vld [tilespmem:s8+$0xFFFFFF70]  }
0x3a3: {  	v5 =	vld [tilespmem:s8+$0xFFFFFFF0]  }
0x3a4: {  	v6 =	vld [tilespmem:s8+$0x70]  }
0x3a5: {  	s1 =	simm.s32 $0xF280;
	v7 =	vld [tilespmem:s8+$0xF0]  }
0x3a6: {  	v8 =	vld [tilespmem:s1+$0xFFFFFF70]  }
0x3a7: {  	v9 =	vld [tilespmem:s1+$0xFFFFFFF0]  }
0x3a8: {  	v10 =	vld [tilespmem:s1+$0x70]  }
0x3a9: {  	v11 =	vld [tilespmem:s1+$0xF0]  }
0x3aa: {  	v14 =	vld [tilespmem:s8+$0xFFFFFF80]  }
0x3ab: {  	v12 =	vld [tilespmem:s8+$0x0]  }
0x3ac: {  	v13 =	vld [tilespmem:s8+$0x80]  }
0x3ad: {  	v3 =	vld [tilespmem:s1+$0xFFFFFF00]  }
0x3ae: {  	v15 =	vld [tilespmem:s1+$0xFFFFFF80]  }
0x3af: {  	v16 =	vld [tilespmem:s1+$0x0]  }
0x3b0: {  	v17 =	vld [tilespmem:s1+$0x80]  }
0x3b1: {  	v18 =	vld [tilespmem:s8+$0xFFFFFF10]  }
0x3b2: {  	v19 =	vld [tilespmem:s8+$0xFFFFFF90]  }
0x3b3: {  	v20 =	vld [tilespmem:s8+$0x10]  }
0x3b4: {  	v21 =	vld [tilespmem:s8+$0x90]  }
0x3b5: {  	v22 =	vld [tilespmem:s1+$0xFFFFFF10]  }
0x3b6: {  	v23 =	vld [tilespmem:s1+$0xFFFFFF90]  }
0x3b7: {  	v24 =	vld [tilespmem:s1+$0x10]  }
0x3b8: {  	v25 =	vld [tilespmem:s1+$0x90]  }
0x3b9: {  	v26 =	vld [tilespmem:s8+$0xFFFFFF20]  }
0x3ba: {  	v27 =	vld [tilespmem:s8+$0xFFFFFFA0]  }
0x3bb: {  	v28 =	vld [tilespmem:s8+$0x20]  }
0x3bc: {  	v29 =	vld [tilespmem:s8+$0xA0]  }
0x3bd: {  	v30 =	vld [tilespmem:s1+$0xFFFFFF20]  }
0x3be: {  	v31 =	vld [tilespmem:s1+$0xFFFFFFA0]  }
0x3bf: {  	v32 =	vld [tilespmem:s1+$0x20]  }
0x3c0: {  	v33 =	vld [tilespmem:s1+$0xA0]  }
0x3c1: {  	v34 =	vld [tilespmem:s8+$0xFFFFFF30]  }
0x3c2: {  	v35 =	vld [tilespmem:s8+$0xFFFFFFB0]  }
0x3c3: {  	v36 =	vld [tilespmem:s8+$0x30]  }
0x3c4: {  	v37 =	vld [tilespmem:s8+$0xB0]  }
0x3c5: {  	v38 =	vld [tilespmem:s1+$0xFFFFFF30]  }
0x3c6: {  	v39 =	vld [tilespmem:s1+$0xFFFFFFB0]  }
0x3c7: {  	v40 =	vld [tilespmem:s1+$0x30]  }
0x3c8: {  	v41 =	vld [tilespmem:s1+$0xB0]  }
0x3c9: {  	v42 =	vld [tilespmem:s8+$0xFFFFFF40]  }
0x3ca: {  	v43 =	vld [tilespmem:s8+$0xFFFFFFC0]  }
0x3cb: {  	v44 =	vld [tilespmem:s8+$0x40]  }
0x3cc: {  	v45 =	vld [tilespmem:s8+$0xC0]  }
0x3cd: {  	v46 =	vld [tilespmem:s1+$0xFFFFFF40]  }
0x3ce: {  	v47 =	vld [tilespmem:s1+$0xFFFFFFC0];
	v4 =	vmul.f32 v8, v4  }
0x3cf: {  	v48 =	vld [tilespmem:s1+$0x40];
	v5 =	vmul.f32 v9, v5;
	v6 =	vmul.f32 v10, v6  }
0x3d0: {  	v63 =	vld [tilespmem:s1+$0xFFFFFF50];
	v7 =	vmul.f32 v11, v7;
	v10 =	vmul.f32 v22, v18  }
0x3d1: {  	v50 =	vld [tilespmem:s1+$0xFFFFFFD0];
	v11 =	vmul.f32 v23, v19;
	v61 =	vmul.f32 v25, v21  }
0x3d2: {  	v52 =	vld [tilespmem:s1+$0x50];
	v62 =	vmul.f32 v31, v27;
	v49 =	vmul.f32 v33, v29  }
0x3d3: {  	v55 =	vld [tilespmem:s1+$0xD0];
	v51 =	vmul.f32 v39, v35;
	v53 =	vmul.f32 v40, v36  }
0x3d4: {  	v8 =	vld [tilespmem:s1+$0xC0];
	v54 =	vmul.f32 v41, v37;
	v56 =	vmul.f32 v46, v42  }
0x3d5: {  	v9 =	vld [tilespmem:s8+$0xFFFFFF50];
	v57 =	vmul.f32 v47, v43;
	v58 =	vmul.f32 v48, v44  }
0x3d6: {  	v18 =	vld [tilespmem:s8+$0xFFFFFFD0];
	v16 =	vmul.f32 v16, v12;
	v17 =	vmul.f32 v17, v13;
	v4 =	vadd.f32 v5, v4  }
0x3d7: {  	v5 =	vmul.f32 v24, v20;
	v6 =	vadd.f32 v7, v6;
	v7 =	vadd.f32 v11, v10;
	v10 =	vld [tilespmem:s8+$0xD0]  }
0x3d8: {  	v20 =	vld [tilespmem:s8+$0x50];
	v11 =	vmul.f32 v30, v26;
	v19 =	vadd.f32 v54, v53;
	v60 =	vadd.f32 v57, v56  }
0x3d9: {  	v13 =	vld [tilespmem:s1+$0x60];
	v5 =	vadd.f32 v61, v5;
	v4 =	vadd.f32 v6, v4;
	v6 =	vmul.f32 v32, v28  }
0x3da: {  	v12 =	vld [tilespmem:s1+$0xE0];
	v11 =	vadd.f32 v62, v11;
	v59 =	vmul.f32 v8, v45;
	v21 =	vmul.f32 v63, v9  }
0x3db: {  	v5 =	vadd.f32 v5, v7;
	v7 =	vmul.f32 v38, v34;
	v22 =	vadd.f32 v49, v6;
	v6 =	vld [tilespmem:s8+$0xFFFFFF60]  }
0x3dc: {  	s4 =	simm.s32 $0x1BA10;
	v18 =	vmul.f32 v50, v18;
	v61 =	vadd.f32 v59, v58;
	v62 =	vmul.f32 v55, v10;
	v10 =	vld [tilespmem:s1+$0xFFFFFF60]  }
0x3dd: {  	[tilespmem:s4+$0x0] =	vst v4;
	v20 =	vmul.f32 v52, v20;
	v24 =	vadd.f32 v51, v7;
	v7 =	vld [tilespmem:s8+$0xFFFFFFE0];
	v4 =	vadd.f32 v22, v11  }
0x3de: {  	v18 =	vadd.f32 v18, v21;
	[tilespmem:s4+$0xFFFFFFA0] =	vst v5;
	v11 =	vld [tilespmem:s1+$0xFFFFFFE0];
	v63 =	vadd.f32 v61, v60  }
0x3df: {  	v8 =	vld [tilespmem:s8+$0x60];
	v20 =	vadd.f32 v62, v20;
	v5 =	vadd.f32 v19, v24;
	[tilespmem:s4+$0xFFFFFFB0] =	vst v4  }
0x3e0: {  	v9 =	vld [tilespmem:s8+$0xE0];
	[tilespmem:s4+$0xFFFFFFD0] =	vst v63  }
0x3e1: {  	s5 =	simm.s32 $0x0;
	v4 =	vmul.f32 v15, v14;
	v14 =	vld [tilespmem:s8+$0xFFFFFF00];
	s8 =	simm.s32 $0x480;
	v15 =	vadd.f32 v20, v18;
	[tilespmem:s4+$0xFFFFFFC0] =	vst v5;
	v5 =	vadd.f32 v17, v16  }
.LBB2_36:
0x3e2: {  	v16 =	vld [tilespmem:s8+$0xFFFFFF70];
	v6 =	vmul.f32 v10, v6  }
0x3e3: {  	v10 =	vld [tilespmem:s8+$0xFFFFFFF0];
	[tilespmem:s4+$0xFFFFFFE0] =	vst v15;
	v7 =	vmul.f32 v11, v7  }
0x3e4: {  	v11 =	vld [tilespmem:s8+$0x70];
	v8 =	vmul.f32 v13, v8  }
0x3e5: {  	s1 =	sadd.s32 $0x400, s1;
	v13 =	vld [tilespmem:s8+$0xF0];
	v6 =	vadd.f32 v7, v6;
	v7 =	vmul.f32 v12, v9  }
0x3e6: {  	v9 =	vld [tilespmem:s1+$0xFFFFFF70];
	v3 =	vmul.f32 v3, v14  }
0x3e7: {  	v12 =	vld [tilespmem:s1+$0xFFFFFFF0];
	v7 =	vadd.f32 v7, v8  }
0x3e8: {  	v8 =	vld [tilespmem:s1+$0x70];
	v3 =	vadd.f32 v4, v3  }
0x3e9: {  	s5 =	sadd.s32 $0x8, s5;
	v4 =	vld [tilespmem:s1+$0xF0];
	v6 =	vadd.f32 v7, v6  }
0x3ea: {  	p4 =	slt.u32 s5, $0x138;
	v7 =	vld [tilespmem:s8+$0xFFFFFF80];
	v3 =	vadd.f32 v5, v3  }
0x3eb: {  	v5 =	vld [tilespmem:s8+$0x0];
	[tilespmem:s4+$0xFFFFFFF0] =	vst v6  }
0x3ec: {  	v6 =	vld [tilespmem:s8+$0x80];
	[tilespmem:s4+$0xFFFFFF90] =	vst v3  }
0x3ed: {  	v9 =	vmul.f32 v9, v16;
	v10 =	vmul.f32 v12, v10;
	v3 =	vld [tilespmem:s1+$0xFFFFFF00]  }
0x3ee: {  	v8 =	vmul.f32 v8, v11;
	v12 =	vld [tilespmem:s1+$0xFFFFFF80];
	v4 =	vmul.f32 v4, v13  }
0x3ef: {  	v11 =	vld [tilespmem:s1+$0x0]  }
0x3f0: {  	v9 =	vadd.f32 v10, v9;
	v13 =	vld [tilespmem:s1+$0x80];
	v4 =	vadd.f32 v4, v8  }
0x3f1: {  	v8 =	vld [tilespmem:s8+$0xFFFFFF10]  }
0x3f2: {  	v10 =	vld [tilespmem:s8+$0xFFFFFF90];
	v9 =	vadd.f32 v4, v9  }
0x3f3: {  	s4 =	sadd.s32 $0x80, s4;
	v4 =	vmul.f32 v12, v7;
	v7 =	vld [tilespmem:s8+$0x10]  }
0x3f4: {  	v5 =	vmul.f32 v11, v5;
	v11 =	vld [tilespmem:s8+$0x90];
	[tilespmem:s4+$0x0] =	vst v9  }
0x3f5: {  	v6 =	vmul.f32 v13, v6;
	v9 =	vld [tilespmem:s1+$0xFFFFFF10]  }
0x3f6: {  	v12 =	vld [tilespmem:s1+$0xFFFFFF90]  }
0x3f7: {  	v5 =	vadd.f32 v6, v5;
	v6 =	vld [tilespmem:s1+$0x10]  }
0x3f8: {  	v13 =	vld [tilespmem:s1+$0x90]  }
0x3f9: {  	v14 =	vld [tilespmem:s8+$0xFFFFFF20]  }
0x3fa: {  	v8 =	vmul.f32 v9, v8;
	v9 =	vld [tilespmem:s8+$0xFFFFFFA0]  }
0x3fb: {  	v10 =	vmul.f32 v12, v10;
	v12 =	vld [tilespmem:s8+$0x20]  }
0x3fc: {  	v6 =	vmul.f32 v6, v7;
	v7 =	vld [tilespmem:s8+$0xA0]  }
0x3fd: {  	v8 =	vadd.f32 v10, v8;
	v10 =	vmul.f32 v13, v11;
	v11 =	vld [tilespmem:s1+$0xFFFFFF20]  }
0x3fe: {  	v13 =	vld [tilespmem:s1+$0xFFFFFFA0]  }
0x3ff: {  	v6 =	vadd.f32 v10, v6;
	v10 =	vld [tilespmem:s1+$0x20]  }
0x400: {  	v15 =	vld [tilespmem:s1+$0xA0]  }
0x401: {  	v6 =	vadd.f32 v6, v8;
	v8 =	vld [tilespmem:s8+$0xFFFFFF30]  }
0x402: {  	v11 =	vmul.f32 v11, v14;
	v14 =	vld [tilespmem:s8+$0xFFFFFFB0]  }
0x403: {  	[tilespmem:s4+$0xFFFFFFA0] =	vst v6;
	v6 =	vmul.f32 v13, v9;
	v9 =	vld [tilespmem:s8+$0x30]  }
0x404: {  	v10 =	vmul.f32 v10, v12;
	v12 =	vld [tilespmem:s8+$0xB0]  }
0x405: {  	v6 =	vadd.f32 v6, v11;
	v7 =	vmul.f32 v15, v7;
	v11 =	vld [tilespmem:s1+$0xFFFFFF30]  }
0x406: {  	v13 =	vld [tilespmem:s1+$0xFFFFFFB0]  }
0x407: {  	v7 =	vadd.f32 v7, v10;
	v10 =	vld [tilespmem:s1+$0x30]  }
0x408: {  	v15 =	vld [tilespmem:s1+$0xB0]  }
0x409: {  	v6 =	vadd.f32 v7, v6;
	v7 =	vld [tilespmem:s8+$0xFFFFFF40]  }
0x40a: {  	v8 =	vmul.f32 v11, v8;
	v11 =	vld [tilespmem:s8+$0xFFFFFFC0]  }
0x40b: {  	[tilespmem:s4+$0xFFFFFFB0] =	vst v6;
	v6 =	vmul.f32 v13, v14;
	v13 =	vld [tilespmem:s8+$0x40]  }
0x40c: {  	v9 =	vmul.f32 v10, v9;
	v10 =	vld [tilespmem:s8+$0xC0]  }
0x40d: {  	v6 =	vadd.f32 v6, v8;
	v8 =	vmul.f32 v15, v12;
	v12 =	vld [tilespmem:s1+$0xFFFFFF40]  }
0x40e: {  	v14 =	vld [tilespmem:s1+$0xFFFFFFC0]  }
0x40f: {  	v8 =	vadd.f32 v8, v9;
	v9 =	vld [tilespmem:s1+$0x40]  }
0x410: {  	v15 =	vld [tilespmem:s1+$0xC0]  }
0x411: {  	v6 =	vadd.f32 v8, v6;
	v8 =	vld [tilespmem:s8+$0xFFFFFF50]  }
0x412: {  	v7 =	vmul.f32 v12, v7;
	v12 =	vld [tilespmem:s8+$0xFFFFFFD0]  }
0x413: {  	[tilespmem:s4+$0xFFFFFFC0] =	vst v6;
	v6 =	vmul.f32 v14, v11;
	v11 =	vld [tilespmem:s8+$0x50]  }
0x414: {  	v9 =	vmul.f32 v9, v13;
	v13 =	vld [tilespmem:s8+$0xD0]  }
0x415: {  	v6 =	vadd.f32 v6, v7;
	v7 =	vmul.f32 v15, v10;
	v10 =	vld [tilespmem:s1+$0xFFFFFF50]  }
0x416: {  	v14 =	vld [tilespmem:s1+$0xFFFFFFD0]  }
0x417: {  	v7 =	vadd.f32 v7, v9;
	v9 =	vld [tilespmem:s1+$0x50]  }
0x418: {  	v15 =	vld [tilespmem:s1+$0xD0]  }
0x419: {  	v16 =	vadd.f32 v7, v6;
	v6 =	vld [tilespmem:s8+$0xFFFFFF60]  }
0x41a: {  	v10 =	vmul.f32 v10, v8;
	v7 =	vld [tilespmem:s8+$0xFFFFFFE0]  }
0x41b: {  	[tilespmem:s4+$0xFFFFFFD0] =	vst v16;
	v12 =	vmul.f32 v14, v12;
	v8 =	vld [tilespmem:s8+$0x60]  }
0x41c: {  	v14 =	vmul.f32 v9, v11;
	v9 =	vld [tilespmem:s8+$0xE0]  }
.Ltmp22:
0x41d: {  	v16 =	vadd.f32 v12, v10;
	v12 =	vmul.f32 v15, v13;
	v10 =	vld [tilespmem:s1+$0xFFFFFF60];
	(pc) =	sbr.rel @p4 .LBB2_36-.Ltmp22, $4  }
0x41e: {  	v11 =	vld [tilespmem:s1+$0xFFFFFFE0]  }
0x41f: {  	v15 =	vadd.f32 v12, v14;
	v13 =	vld [tilespmem:s1+$0x60]  }
0x420: {  	v12 =	vld [tilespmem:s1+$0xE0]  }
0x421: {  	v14 =	vld [tilespmem:s8+$0xFFFFFF00];
	v15 =	vadd.f32 v15, v16;
	s8 =	sadd.s32 $0x200, s8  }
0x422: {  	_ =	sdelay $0x1  }
0x423: {  	v6 =	vmul.f32 v10, v6;
	v7 =	vmul.f32 v11, v7  }
0x424: {  	v8 =	vmul.f32 v13, v8;
	v9 =	vmul.f32 v12, v9  }
0x425: {  	v3 =	vmul.f32 v3, v14  }
0x426: {  	v6 =	vadd.f32 v7, v6;
	v62 =	vadd.f32 v9, v8  }
.Ltmp23:
0x427: {  	v3 =	vadd.f32 v4, v3;
	(pc) =	sbr.rel .LBB2_38-.Ltmp23, $4  }
0x428: {  	v63 =	vadd.f32 v62, v6  }
0x429: {  	[tilespmem:s4+$0xFFFFFFE0] =	vst v15;
	v3 =	vadd.f32 v5, v3  }
0x42a: {  	[tilespmem:s4+$0xFFFFFFF0] =	vst v63  }
0x42b: {  	[tilespmem:s4+$0xFFFFFF90] =	vst v3  }
.LBB2_31:
0x42c: {  	s4 =	simm.s32 $0x280  }
0x42d: {  	v24 =	vld [tilespmem:s4+$0xFFFFFF70]  }
0x42e: {  	v25 =	vld [tilespmem:s4+$0xFFFFFFF0]  }
0x42f: {  	v26 =	vld [tilespmem:s4+$0x70]  }
0x430: {  	s5 =	simm.s32 $0xF380;
	v27 =	vld [tilespmem:s4+$0xF0]  }
0x431: {  	v3 =	vld [tilespmem:s5+$0xFFFFFE70]  }
0x432: {  	v4 =	vld [tilespmem:s5+$0xFFFFFEF0]  }
0x433: {  	v5 =	vld [tilespmem:s5+$0xFFFFFF70]  }
0x434: {  	v6 =	vld [tilespmem:s5+$0xFFFFFFF0]  }
0x435: {  	v10 =	vld [tilespmem:s4+$0xFFFFFF80]  }
0x436: {  	v8 =	vld [tilespmem:s4+$0x0]  }
0x437: {  	v9 =	vld [tilespmem:s4+$0x80]  }
0x438: {  	v28 =	vld [tilespmem:s5+$0xFFFFFE00]  }
0x439: {  	v29 =	vld [tilespmem:s5+$0xFFFFFE80]  }
0x43a: {  	v30 =	vld [tilespmem:s5+$0xFFFFFF00]  }
0x43b: {  	v31 =	vld [tilespmem:s5+$0xFFFFFF80]  }
0x43c: {  	v21 =	vld [tilespmem:s4+$0xFFFFFF10]  }
0x43d: {  	v22 =	vld [tilespmem:s4+$0xFFFFFF90]  }
0x43e: {  	v23 =	vld [tilespmem:s4+$0x10]  }
0x43f: {  	v20 =	vld [tilespmem:s4+$0x90]  }
0x440: {  	v7 =	vld [tilespmem:s5+$0xFFFFFF10]  }
0x441: {  	v36 =	vld [tilespmem:s5+$0xFFFFFF90]  }
0x442: {  	v37 =	vld [tilespmem:s4+$0xFFFFFF20]  }
0x443: {  	v38 =	vld [tilespmem:s4+$0xFFFFFFA0]  }
0x444: {  	v39 =	vld [tilespmem:s4+$0x20]  }
0x445: {  	v40 =	vld [tilespmem:s4+$0xA0]  }
0x446: {  	v41 =	vld [tilespmem:s5+$0xFFFFFE20]  }
0x447: {  	v42 =	vld [tilespmem:s5+$0xFFFFFEA0]  }
0x448: {  	v43 =	vld [tilespmem:s5+$0xFFFFFF20]  }
0x449: {  	v44 =	vld [tilespmem:s5+$0xFFFFFFA0]  }
0x44a: {  	v45 =	vld [tilespmem:s4+$0xFFFFFF30]  }
0x44b: {  	v46 =	vld [tilespmem:s4+$0xFFFFFFB0]  }
0x44c: {  	v19 =	vld [tilespmem:s4+$0x30]  }
0x44d: {  	v18 =	vld [tilespmem:s4+$0xB0]  }
0x44e: {  	v47 =	vld [tilespmem:s5+$0xFFFFFE30]  }
0x44f: {  	v48 =	vld [tilespmem:s5+$0xFFFFFEB0]  }
0x450: {  	v49 =	vld [tilespmem:s5+$0xFFFFFF30]  }
0x451: {  	v50 =	vld [tilespmem:s5+$0xFFFFFFB0]  }
0x452: {  	v16 =	vld [tilespmem:s4+$0xFFFFFF40]  }
0x453: {  	v17 =	vld [tilespmem:s4+$0xFFFFFFC0]  }
0x454: {  	v14 =	vld [tilespmem:s4+$0x40]  }
0x455: {  	v13 =	vld [tilespmem:s4+$0xC0]  }
0x456: {  	v51 =	vld [tilespmem:s5+$0xFFFFFE40]  }
0x457: {  	v52 =	vld [tilespmem:s5+$0xFFFFFEC0]  }
0x458: {  	v53 =	vld [tilespmem:s5+$0xFFFFFF40]  }
0x459: {  	v54 =	vld [tilespmem:s5+$0xFFFFFFC0]  }
0x45a: {  	v15 =	vld [tilespmem:s4+$0xFFFFFF50]  }
0x45b: {  	v11 =	vld [tilespmem:s4+$0xFFFFFFD0]  }
0x45c: {  	v12 =	vld [tilespmem:s4+$0x50]  }
0x45d: {  	v55 =	vld [tilespmem:s5+$0xFFFFFE50]  }
0x45e: {  	v56 =	vld [tilespmem:s5+$0xFFFFFED0]  }
0x45f: {  	v57 =	vld [tilespmem:s5+$0xFFFFFF50];
	v3 =	vmul.f32 v3, v24;
	v4 =	vmul.f32 v4, v25  }
0x460: {  	v58 =	vld [tilespmem:s5+$0xFFFFFFD0];
	v5 =	vmul.f32 v5, v26;
	v6 =	vmul.f32 v6, v27  }
0x461: {  	v61 =	vmul.f32 v7, v23;
	v7 =	vld [tilespmem:s4+$0x60]  }
0x462: {  	v36 =	vmul.f32 v36, v20;
	v3 =	vadd.f32 v4, v3;
	v4 =	vadd.f32 v6, v5;
	v6 =	vld [tilespmem:s5+$0xFFFFFE90]  }
0x463: {  	v5 =	vld [tilespmem:s4+$0xFFFFFF60]  }
0x464: {  	v41 =	vmul.f32 v41, v37;
	v42 =	vmul.f32 v42, v38;
	v36 =	vadd.f32 v36, v61;
	v61 =	vld [tilespmem:s5+$0xFFFFFEE0]  }
0x465: {  	v3 =	vadd.f32 v4, v3;
	v4 =	vld [tilespmem:s5+$0xFFFFFE10]  }
0x466: {  	s1 =	simm.s32 $0x1CE20;
	v62 =	vadd.f32 v42, v41;
	v42 =	vld [tilespmem:s4+$0xFFFFFF00]  }
0x467: {  	[tilespmem:s1+$0xFFFFEBF0] =	vst v3;
	v3 =	vld [tilespmem:s4+$0xD0]  }
0x468: {  	v32 =	vld [tilespmem:s5+$0x70]  }
0x469: {  	v33 =	vld [tilespmem:s5+$0xF0]  }
0x46a: {  	v34 =	vld [tilespmem:s5+$0x170];
	v60 =	vmul.f32 v6, v22;
	v59 =	vmul.f32 v4, v21  }
0x46b: {  	v35 =	vld [tilespmem:s5+$0x1F0]  }
0x46c: {  	v6 =	vld [tilespmem:s4+$0xFFFFFFE0];
	v59 =	vadd.f32 v60, v59  }
0x46d: {  	v4 =	vld [tilespmem:s4+$0xE0]  }
0x46e: {  	v43 =	vmul.f32 v43, v39;
	v44 =	vmul.f32 v44, v40;
	v60 =	vld [tilespmem:s5+$0xFFFFFE60];
	v36 =	vadd.f32 v36, v59  }
0x46f: {  	v30 =	vmul.f32 v30, v8;
	v24 =	vmul.f32 v32, v24;
	v32 =	vld [tilespmem:s5+$0xFFFFFFE0]  }
0x470: {  	v31 =	vmul.f32 v31, v9;
	v29 =	vmul.f32 v29, v10;
	v63 =	vadd.f32 v44, v43;
	v59 =	vld [tilespmem:s5+$0xFFFFFF60];
	[tilespmem:s1+$0xFFFFEB90] =	vst v36  }
0x471: {  	v43 =	vmul.f32 v47, v45;
	v44 =	vmul.f32 v48, v46;
	v47 =	vld [tilespmem:s5+$0x10]  }
0x472: {  	v36 =	vadd.f32 v63, v62;
	v62 =	vmul.f32 v49, v19;
	v63 =	vmul.f32 v50, v18;
	v49 =	vld [tilespmem:s5+$0x90]  }
0x473: {  	v30 =	vadd.f32 v31, v30;
	v44 =	vadd.f32 v44, v43;
	v25 =	vmul.f32 v33, v25;
	v31 =	vld [tilespmem:s5+$0x110]  }
0x474: {  	v26 =	vmul.f32 v34, v26;
	v27 =	vmul.f32 v35, v27;
	v35 =	vld [tilespmem:s5+$0x190];
	[tilespmem:s1+$0xFFFFEBA0] =	vst v36;
	v48 =	vadd.f32 v63, v62  }
0x475: {  	v51 =	vmul.f32 v51, v16;
	v24 =	vadd.f32 v25, v24;
	v50 =	vmul.f32 v28, v42;
	v28 =	vld [tilespmem:s5+$0x20]  }
0x476: {  	v52 =	vmul.f32 v52, v17;
	v26 =	vadd.f32 v27, v26;
	v41 =	vld [tilespmem:s5+$0xA0];
	v33 =	vadd.f32 v48, v44  }
0x477: {  	v53 =	vmul.f32 v53, v14;
	v54 =	vmul.f32 v54, v13;
	v25 =	vadd.f32 v29, v50;
	v27 =	vld [tilespmem:s5+$0x120]  }
0x478: {  	v43 =	vmul.f32 v55, v15;
	v24 =	vadd.f32 v26, v24;
	v62 =	vmul.f32 v57, v12;
	v36 =	vld [tilespmem:s5+$0x1A0];
	[tilespmem:s1+$0xFFFFEBB0] =	vst v33  }
0x479: {  	v63 =	vmul.f32 v58, v3;
	v57 =	vmul.f32 v61, v6;
	v25 =	vadd.f32 v30, v25;
	v30 =	vld [tilespmem:s5+$0x30]  }
0x47a: {  	v29 =	vadd.f32 v54, v53;
	v32 =	vmul.f32 v32, v4;
	v58 =	vmul.f32 v59, v7;
	v50 =	vld [tilespmem:s5+$0xB0]  }
0x47b: {  	v44 =	vmul.f32 v56, v11;
	v56 =	vmul.f32 v60, v5;
	v34 =	vadd.f32 v63, v62;
	[tilespmem:s1+$0xFFFFEB80] =	vst v25;
	v25 =	vld [tilespmem:s5+$0x130]  }
0x47c: {  	v32 =	vadd.f32 v32, v58;
	v33 =	vadd.f32 v52, v51;
	v59 =	vld [tilespmem:s5+$0x0]  }
0x47d: {  	v43 =	vadd.f32 v44, v43;
	v26 =	vadd.f32 v57, v56;
	v60 =	vld [tilespmem:s5+$0x80]  }
0x47e: {  	v21 =	vmul.f32 v47, v21;
	v22 =	vmul.f32 v49, v22;
	v61 =	vld [tilespmem:s5+$0x100];
	v29 =	vadd.f32 v29, v33  }
0x47f: {  	v23 =	vmul.f32 v31, v23;
	v20 =	vmul.f32 v35, v20;
	v62 =	vld [tilespmem:s5+$0x180]  }
0x480: {  	v63 =	vld [tilespmem:s5+$0x1B0];
	v34 =	vadd.f32 v34, v43;
	v26 =	vadd.f32 v32, v26;
	v37 =	vmul.f32 v28, v37;
	[tilespmem:s1+$0xFFFFEBC0] =	vst v29  }
0x481: {  	v21 =	vadd.f32 v22, v21;
	v41 =	vmul.f32 v41, v38;
	v48 =	vmul.f32 v27, v39;
	v47 =	vld [tilespmem:s5+$0x40]  }
0x482: {  	v20 =	vadd.f32 v20, v23;
	v49 =	vmul.f32 v36, v40;
	v51 =	vld [tilespmem:s5+$0xC0];
	v53 =	vmul.f32 v30, v45  }
0x483: {  	v22 =	vadd.f32 v41, v37;
	v55 =	vld [tilespmem:s5+$0x140];
	v54 =	vmul.f32 v50, v46;
	v56 =	vmul.f32 v59, v42  }
0x484: {  	[tilespmem:s1+$0xFFFFEBD0] =	vst v34;
	v23 =	vadd.f32 v49, v48;
	v57 =	vld [tilespmem:s5+$0x1C0];
	v10 =	vmul.f32 v60, v10;
	v8 =	vmul.f32 v61, v8  }
0x485: {  	v20 =	vadd.f32 v20, v21;
	v58 =	vld [tilespmem:s5+$0x50];
	v9 =	vmul.f32 v62, v9;
	v19 =	vmul.f32 v25, v19  }
0x486: {  	v22 =	vadd.f32 v23, v22;
	v18 =	vmul.f32 v63, v18;
	v59 =	vld [tilespmem:s5+$0xD0];
	v10 =	vadd.f32 v10, v56  }
0x487: {  	[tilespmem:s1+$0x0] =	vst v24;
	v60 =	vld [tilespmem:s5+$0x150];
	v9 =	vadd.f32 v9, v8;
	v61 =	vadd.f32 v54, v53  }
0x488: {  	[tilespmem:s1+$0xFFFFEBE0] =	vst v26;
	v18 =	vadd.f32 v18, v19;
	v8 =	vld [tilespmem:s5+$0x1D0];
	v16 =	vmul.f32 v47, v16;
	v17 =	vmul.f32 v51, v17  }
0x489: {  	[tilespmem:s1+$0xFFFFFFA0] =	vst v20;
	v19 =	vadd.f32 v9, v10;
	v9 =	vld [tilespmem:s5+$0x60];
	v62 =	vmul.f32 v55, v14;
	v63 =	vmul.f32 v57, v13  }
0x48a: {  	[tilespmem:s1+$0xFFFFFFB0] =	vst v22;
	v18 =	vadd.f32 v18, v61;
	v10 =	vld [tilespmem:s5+$0xE0];
	v15 =	vmul.f32 v58, v15  }
0x48b: {  	v14 =	vld [tilespmem:s5+$0x160];
	v13 =	vadd.f32 v17, v16;
	[tilespmem:s1+$0xFFFFFF90] =	vst v19;
	v17 =	vadd.f32 v63, v62;
	v16 =	vmul.f32 v59, v11  }
0x48c: {  	s8 =	simm.s32 $0x480;
	s4 =	simm.s32 $0x0;
	v12 =	vmul.f32 v60, v12;
	[tilespmem:s1+$0xFFFFFFC0] =	vst v18;
	v11 =	vld [tilespmem:s5+$0x1E0]  }
.LBB2_32:
0x48d: {  	v18 =	vld [tilespmem:s8+$0xFFFFFF70];
	v13 =	vadd.f32 v17, v13;
	v15 =	vadd.f32 v16, v15;
	v3 =	vmul.f32 v8, v3  }
0x48e: {  	v19 =	vld [tilespmem:s8+$0xFFFFFFF0];
	v5 =	vmul.f32 v9, v5  }
0x48f: {  	v20 =	vld [tilespmem:s8+$0x70];
	[tilespmem:s1+$0xFFFFFFD0] =	vst v13;
	v3 =	vadd.f32 v3, v12;
	v6 =	vmul.f32 v10, v6  }
0x490: {  	s5 =	sadd.s32 $0x400, s5;
	v21 =	vld [tilespmem:s8+$0xF0];
	v7 =	vmul.f32 v14, v7  }
0x491: {  	v12 =	vld [tilespmem:s5+$0xFFFFFE70];
	v3 =	vadd.f32 v3, v15;
	v5 =	vadd.f32 v6, v5;
	v4 =	vmul.f32 v11, v4  }
0x492: {  	v6 =	vld [tilespmem:s5+$0xFFFFFEF0]  }
0x493: {  	v13 =	vld [tilespmem:s5+$0xFFFFFF70];
	[tilespmem:s1+$0xFFFFFFE0] =	vst v3;
	v3 =	vadd.f32 v4, v7  }
0x494: {  	v4 =	vld [tilespmem:s5+$0xFFFFFFF0]  }
0x495: {  	v9 =	vld [tilespmem:s8+$0xFFFFFF80];
	v3 =	vadd.f32 v3, v5  }
0x496: {  	v10 =	vld [tilespmem:s8+$0x0]  }
0x497: {  	s4 =	sadd.s32 $0x8, s4;
	v8 =	vld [tilespmem:s8+$0x80];
	[tilespmem:s1+$0xFFFFFFF0] =	vst v3  }
0x498: {  	p4 =	slt.u32 s4, $0x138;
	v3 =	vmul.f32 v12, v18;
	v5 =	vmul.f32 v6, v19;
	v11 =	vld [tilespmem:s5+$0xFFFFFE00]  }
0x499: {  	v7 =	vmul.f32 v13, v20;
	v6 =	vld [tilespmem:s5+$0xFFFFFE80];
	v4 =	vmul.f32 v4, v21  }
0x49a: {  	v12 =	vld [tilespmem:s5+$0xFFFFFF00]  }
0x49b: {  	v3 =	vadd.f32 v5, v3;
	v17 =	vld [tilespmem:s5+$0xFFFFFF80];
	v4 =	vadd.f32 v4, v7  }
0x49c: {  	v15 =	vld [tilespmem:s8+$0xFFFFFF10]  }
0x49d: {  	v13 =	vld [tilespmem:s8+$0xFFFFFF90];
	v3 =	vadd.f32 v4, v3  }
0x49e: {  	s1 =	sadd.s32 $0x80, s1;
	v16 =	vmul.f32 v6, v9;
	v14 =	vld [tilespmem:s8+$0x10]  }
0x49f: {  	v4 =	vmul.f32 v12, v10;
	v12 =	vld [tilespmem:s8+$0x90];
	[tilespmem:s1+$0xFFFFEBF0] =	vst v3  }
0x4a0: {  	v3 =	vmul.f32 v17, v8;
	v5 =	vld [tilespmem:s5+$0x70]  }
0x4a1: {  	v6 =	vld [tilespmem:s5+$0xF0]  }
0x4a2: {  	v17 =	vadd.f32 v3, v4;
	v3 =	vld [tilespmem:s5+$0x170]  }
0x4a3: {  	v4 =	vld [tilespmem:s5+$0x1F0]  }
0x4a4: {  	v7 =	vld [tilespmem:s5+$0xFFFFFE10]  }
0x4a5: {  	v23 =	vld [tilespmem:s5+$0xFFFFFE90]  }
0x4a6: {  	v24 =	vld [tilespmem:s5+$0xFFFFFF10]  }
0x4a7: {  	v5 =	vmul.f32 v5, v18;
	v6 =	vmul.f32 v6, v19;
	v25 =	vld [tilespmem:s5+$0xFFFFFF90]  }
0x4a8: {  	v3 =	vmul.f32 v3, v20;
	v22 =	vld [tilespmem:s8+$0xFFFFFF20];
	v4 =	vmul.f32 v4, v21  }
0x4a9: {  	v7 =	vmul.f32 v7, v15;
	v21 =	vld [tilespmem:s8+$0xFFFFFFA0]  }
0x4aa: {  	v5 =	vadd.f32 v6, v5;
	v18 =	vmul.f32 v23, v13;
	v19 =	vld [tilespmem:s8+$0x20];
	v3 =	vadd.f32 v4, v3  }
0x4ab: {  	v4 =	vmul.f32 v24, v14;
	v20 =	vld [tilespmem:s8+$0xA0]  }
0x4ac: {  	v6 =	vadd.f32 v18, v7;
	v7 =	vmul.f32 v25, v12;
	v18 =	vld [tilespmem:s5+$0xFFFFFE20];
	v3 =	vadd.f32 v3, v5  }
0x4ad: {  	v5 =	vld [tilespmem:s5+$0xFFFFFEA0]  }
0x4ae: {  	v4 =	vadd.f32 v7, v4;
	v7 =	vld [tilespmem:s5+$0xFFFFFF20];
	[tilespmem:s1+$0x0] =	vst v3  }
0x4af: {  	v3 =	vld [tilespmem:s5+$0xFFFFFFA0]  }
0x4b0: {  	v4 =	vadd.f32 v4, v6;
	v29 =	vld [tilespmem:s8+$0xFFFFFF30]  }
0x4b1: {  	v6 =	vmul.f32 v18, v22;
	v27 =	vld [tilespmem:s8+$0xFFFFFFB0]  }
0x4b2: {  	[tilespmem:s1+$0xFFFFEB90] =	vst v4;
	v4 =	vmul.f32 v5, v21;
	v30 =	vld [tilespmem:s8+$0x30]  }
0x4b3: {  	v5 =	vmul.f32 v7, v19;
	v18 =	vld [tilespmem:s8+$0xB0]  }
0x4b4: {  	v4 =	vadd.f32 v4, v6;
	v3 =	vmul.f32 v3, v20;
	v6 =	vld [tilespmem:s5+$0xFFFFFE30]  }
0x4b5: {  	v7 =	vld [tilespmem:s5+$0xFFFFFEB0]  }
0x4b6: {  	v3 =	vadd.f32 v3, v5;
	v5 =	vld [tilespmem:s5+$0xFFFFFF30]  }
0x4b7: {  	v28 =	vld [tilespmem:s5+$0xFFFFFFB0]  }
0x4b8: {  	v3 =	vadd.f32 v3, v4;
	v26 =	vld [tilespmem:s8+$0xFFFFFF40]  }
0x4b9: {  	v4 =	vmul.f32 v6, v29;
	v24 =	vld [tilespmem:s8+$0xFFFFFFC0]  }
0x4ba: {  	[tilespmem:s1+$0xFFFFEBA0] =	vst v3;
	v3 =	vmul.f32 v7, v27;
	v25 =	vld [tilespmem:s8+$0x40]  }
0x4bb: {  	v5 =	vmul.f32 v5, v30;
	v23 =	vld [tilespmem:s8+$0xC0]  }
0x4bc: {  	v3 =	vadd.f32 v3, v4;
	v4 =	vmul.f32 v28, v18;
	v6 =	vld [tilespmem:s5+$0xFFFFFE40]  }
0x4bd: {  	v7 =	vld [tilespmem:s5+$0xFFFFFEC0]  }
0x4be: {  	v4 =	vadd.f32 v4, v5;
	v5 =	vld [tilespmem:s5+$0xFFFFFF40]  }
0x4bf: {  	v33 =	vld [tilespmem:s5+$0xFFFFFFC0]  }
0x4c0: {  	v3 =	vadd.f32 v4, v3;
	v32 =	vld [tilespmem:s8+$0xFFFFFF50]  }
0x4c1: {  	v4 =	vmul.f32 v6, v26;
	v28 =	vld [tilespmem:s8+$0xFFFFFFD0]  }
0x4c2: {  	[tilespmem:s1+$0xFFFFEBB0] =	vst v3;
	v6 =	vmul.f32 v7, v24;
	v31 =	vld [tilespmem:s8+$0x50]  }
0x4c3: {  	v5 =	vmul.f32 v5, v25;
	v3 =	vld [tilespmem:s8+$0xD0]  }
0x4c4: {  	v4 =	vadd.f32 v6, v4;
	v6 =	vmul.f32 v33, v23;
	v7 =	vld [tilespmem:s5+$0xFFFFFE50]  }
0x4c5: {  	v33 =	vld [tilespmem:s5+$0xFFFFFED0]  }
0x4c6: {  	v5 =	vadd.f32 v6, v5;
	v34 =	vld [tilespmem:s5+$0xFFFFFF50]  }
0x4c7: {  	v35 =	vld [tilespmem:s5+$0xFFFFFFD0]  }
0x4c8: {  	v4 =	vadd.f32 v5, v4;
	v5 =	vld [tilespmem:s8+$0xFFFFFF60]  }
0x4c9: {  	v36 =	vmul.f32 v7, v32;
	v6 =	vld [tilespmem:s8+$0xFFFFFFE0]  }
0x4ca: {  	[tilespmem:s1+$0xFFFFEBC0] =	vst v4;
	v33 =	vmul.f32 v33, v28;
	v7 =	vld [tilespmem:s8+$0x60]  }
0x4cb: {  	v34 =	vmul.f32 v34, v31;
	v4 =	vld [tilespmem:s8+$0xE0]  }
0x4cc: {  	v33 =	vadd.f32 v33, v36;
	v35 =	vmul.f32 v35, v3;
	v36 =	vld [tilespmem:s5+$0xFFFFFE60]  }
0x4cd: {  	v37 =	vld [tilespmem:s5+$0xFFFFFEE0]  }
0x4ce: {  	v34 =	vadd.f32 v35, v34;
	v35 =	vld [tilespmem:s5+$0xFFFFFF60]  }
0x4cf: {  	v38 =	vld [tilespmem:s5+$0xFFFFFFE0]  }
0x4d0: {  	v39 =	vld [tilespmem:s8+$0xFFFFFF00];
	v33 =	vadd.f32 v34, v33  }
0x4d1: {  	v34 =	vld [tilespmem:s5+$0x10];
	v36 =	vmul.f32 v36, v5  }
0x4d2: {  	v40 =	vld [tilespmem:s5+$0x90];
	[tilespmem:s1+$0xFFFFEBD0] =	vst v33;
	v33 =	vmul.f32 v37, v6  }
0x4d3: {  	v37 =	vld [tilespmem:s5+$0x110];
	v35 =	vmul.f32 v35, v7  }
0x4d4: {  	v41 =	vld [tilespmem:s5+$0x190];
	v33 =	vadd.f32 v33, v36;
	v36 =	vmul.f32 v38, v4  }
0x4d5: {  	v11 =	vmul.f32 v11, v39;
	v38 =	vld [tilespmem:s5+$0x20]  }
0x4d6: {  	v15 =	vmul.f32 v34, v15;
	v34 =	vld [tilespmem:s5+$0xA0];
	v35 =	vadd.f32 v36, v35  }
0x4d7: {  	v11 =	vadd.f32 v16, v11;
	v13 =	vmul.f32 v40, v13;
	v16 =	vld [tilespmem:s5+$0x120]  }
0x4d8: {  	v14 =	vmul.f32 v37, v14;
	v36 =	vld [tilespmem:s5+$0x1A0];
	v33 =	vadd.f32 v35, v33  }
0x4d9: {  	v11 =	vadd.f32 v17, v11;
	v13 =	vadd.f32 v13, v15;
	v12 =	vmul.f32 v41, v12;
	v15 =	vld [tilespmem:s5+$0x30]  }
0x4da: {  	v17 =	vmul.f32 v38, v22;
	v22 =	vld [tilespmem:s5+$0xB0];
	[tilespmem:s1+$0xFFFFEBE0] =	vst v33  }
0x4db: {  	[tilespmem:s1+$0xFFFFEB80] =	vst v11;
	v11 =	vadd.f32 v12, v14;
	v12 =	vmul.f32 v34, v21;
	v14 =	vld [tilespmem:s5+$0x130]  }
0x4dc: {  	v21 =	vld [tilespmem:s5+$0x0];
	v16 =	vmul.f32 v16, v19  }
0x4dd: {  	v19 =	vld [tilespmem:s5+$0x80];
	v11 =	vadd.f32 v11, v13;
	v12 =	vadd.f32 v12, v17;
	v13 =	vmul.f32 v36, v20  }
0x4de: {  	v17 =	vld [tilespmem:s5+$0x100];
	v15 =	vmul.f32 v15, v29  }
0x4df: {  	v20 =	vld [tilespmem:s5+$0x180];
	[tilespmem:s1+$0xFFFFFFA0] =	vst v11;
	v11 =	vadd.f32 v13, v16;
	v13 =	vmul.f32 v22, v27  }
0x4e0: {  	v14 =	vmul.f32 v14, v30;
	v16 =	vld [tilespmem:s5+$0x1B0]  }
0x4e1: {  	v21 =	vmul.f32 v21, v39;
	v11 =	vadd.f32 v11, v12;
	v12 =	vadd.f32 v13, v15;
	v13 =	vld [tilespmem:s5+$0x40]  }
0x4e2: {  	v9 =	vmul.f32 v19, v9;
	v15 =	vld [tilespmem:s5+$0xC0]  }
0x4e3: {  	v10 =	vmul.f32 v17, v10;
	[tilespmem:s1+$0xFFFFFFB0] =	vst v11;
	v11 =	vld [tilespmem:s5+$0x140]  }
0x4e4: {  	v9 =	vadd.f32 v9, v21;
	v8 =	vmul.f32 v20, v8;
	v17 =	vld [tilespmem:s5+$0x1C0]  }
0x4e5: {  	v16 =	vmul.f32 v16, v18;
	v18 =	vld [tilespmem:s5+$0x50]  }
0x4e6: {  	v8 =	vadd.f32 v8, v10;
	v10 =	vmul.f32 v13, v26;
	v19 =	vld [tilespmem:s5+$0xD0]  }
0x4e7: {  	v13 =	vadd.f32 v16, v14;
	v14 =	vmul.f32 v15, v24;
	v20 =	vld [tilespmem:s5+$0x150]  }
.Ltmp24:
0x4e8: {  	v15 =	vadd.f32 v8, v9;
	v11 =	vmul.f32 v11, v25;
	v8 =	vld [tilespmem:s5+$0x1D0];
	(pc) =	sbr.rel @p4 .LBB2_32-.Ltmp24, $4  }
0x4e9: {  	v12 =	vadd.f32 v13, v12;
	v13 =	vadd.f32 v14, v10;
	v14 =	vmul.f32 v17, v23;
	v9 =	vld [tilespmem:s5+$0x60]  }
0x4ea: {  	[tilespmem:s1+$0xFFFFFF90] =	vst v15;
	v15 =	vmul.f32 v18, v32;
	v10 =	vld [tilespmem:s5+$0xE0]  }
0x4eb: {  	[tilespmem:s1+$0xFFFFFFC0] =	vst v12;
	v17 =	vadd.f32 v14, v11;
	v16 =	vmul.f32 v19, v28;
	v14 =	vld [tilespmem:s5+$0x160]  }
0x4ec: {  	s8 =	sadd.s32 $0x200, s8;
	v12 =	vmul.f32 v20, v31;
	v11 =	vld [tilespmem:s5+$0x1E0]  }
0x4ed: {  	_ =	sdelay $0x1  }
0x4ee: {  	v3 =	vmul.f32 v8, v3  }
0x4ef: {  	v5 =	vmul.f32 v9, v5;
	v6 =	vmul.f32 v10, v6  }
0x4f0: {  	v62 =	vadd.f32 v17, v13;
	v7 =	vmul.f32 v14, v7;
	v4 =	vmul.f32 v11, v4  }
0x4f1: {  	v63 =	vadd.f32 v16, v15;
	v3 =	vadd.f32 v3, v12  }
0x4f2: {  	v5 =	vadd.f32 v6, v5;
	v4 =	vadd.f32 v4, v7  }
0x4f3: {  	v3 =	vadd.f32 v3, v63  }
0x4f4: {  	[tilespmem:s1+$0xFFFFFFD0] =	vst v62;
	v4 =	vadd.f32 v4, v5  }
0x4f5: {  	[tilespmem:s1+$0xFFFFFFE0] =	vst v3  }
0x4f6: {  	[tilespmem:s1+$0xFFFFFFF0] =	vst v4  }
.LBB2_38:
.Ltmp25:
0x4f7: {  	(pc) =	sbr.rel @p3 .LBB2_42-.Ltmp25, $1  }
0x4f8: {  	_ =	sdelay $0x3  }
0x4f9: {  	s1 =	simm.s32 $0x0  }
0x4fa: {  	v3 =	vld [tilespmem:s1+$0x191F0]  }
0x4fb: {  	v4 =	vld [tilespmem:s1+$0x1A601]  }
0x4fc: {  	v5 =	vld [tilespmem:s1+$0x19180]  }
0x4fd: {  	v6 =	vld [tilespmem:s1+$0x1BA12]  }
0x4fe: {  	v7 =	vld [tilespmem:s1+$0x1A591]  }
0x4ff: {  	v8 =	vld [tilespmem:s1+$0x19190]  }
0x500: {  	v9 =	vld [tilespmem:s1+$0x1A5A1]  }
0x501: {  	v10 =	vld [tilespmem:s1+$0x1A5B1]  }
0x502: {  	v56 =	vld [tilespmem:s1+$0x191B0]  }
0x503: {  	v11 =	vld [tilespmem:s1+$0x191C0]  }
0x504: {  	v12 =	vld [tilespmem:s1+$0x1A5D1]  }
0x505: {  	v13 =	vld [tilespmem:s1+$0x191D0]  }
0x506: {  	v14 =	vld [tilespmem:s1+$0x1A5E1]  }
0x507: {  	v15 =	vld [tilespmem:s1+$0x191E0]  }
0x508: {  	v16 =	vld [tilespmem:s1+$0x1B9A2]  }
0x509: {  	v17 =	vld [tilespmem:s1+$0x1A5F1]  }
0x50a: {  	v18 =	vld [tilespmem:s1+$0x1B9B2];
	v3 =	vmul.f32 v4, v3  }
0x50b: {  	v57 =	vld [tilespmem:s1+$0x1B9C2]  }
0x50c: {  	v4 =	vld [tilespmem:s1+$0x191A0];
	v3 =	vmul.f32 v6, v3  }
0x50d: {  	v58 =	vld [tilespmem:s1+$0x1B9E2]  }
0x50e: {  	[tilespmem:s1+$0x1E270] =	vst.add.f32.msk $0xffff, v3  }
0x50f: {  	v5 =	vmul.f32 v7, v5;
	v3 =	vld [tilespmem:s1+$0x1A5C1]  }
0x510: {  	v59 =	vld [tilespmem:s1+$0x1B9F2]  }
0x511: {  	v19 =	vld [tilespmem:s1+$0x1B9D2];
	v5 =	vmul.f32 v16, v5;
	v4 =	vmul.f32 v10, v4  }
0x512: {  	v61 =	vld [tilespmem:s1+$0x1BA02];
	v8 =	vmul.f32 v9, v8;
	v62 =	vmul.f32 v14, v13  }
0x513: {  	[tilespmem:s1+$0x1E200] =	vst.add.f32.msk $0xffff, v5;
	v5 =	vmul.f32 v12, v11;
	v4 =	vmul.f32 v57, v4  }
0x514: {  	v60 =	vmul.f32 v18, v8;
	v3 =	vmul.f32 v3, v56  }
0x515: {  	v63 =	vmul.f32 v59, v62;
	[tilespmem:s1+$0x1E220] =	vst.add.f32.msk $0xffff, v4;
	v4 =	vmul.f32 v58, v5  }
0x516: {  	[tilespmem:s1+$0x1E210] =	vst.add.f32.msk $0xffff, v60;
	v5 =	vmul.f32 v17, v15;
	v3 =	vmul.f32 v19, v3  }
0x517: {  	[tilespmem:s1+$0x1E250] =	vst.add.f32.msk $0xffff, v63  }
0x518: {  	[tilespmem:s1+$0x1E230] =	vst.add.f32.msk $0xffff, v3;
	v3 =	vmul.f32 v61, v5  }
0x519: {  	s4 =	simm.s32 $0x0;
	s5 =	simm.s32 $0x200;
	[tilespmem:s1+$0x1E240] =	vst.add.f32.msk $0xffff, v4  }
.LBB2_40:
0x51a: {  	[tilespmem:s1+$0x1E260] =	vst.add.f32.msk $0xffff, v3;
	s1 =	sshra.s32 s5, $0x2  }
0x51b: {  	s4 =	sadd.s32 $0x8, s4;
	v3 =	vld [tilespmem:s1+$0x191F0]  }
0x51c: {  	p3 =	slt.u32 s4, $0x138;
	v4 =	vld [tilespmem:s1+$0x1A601]  }
0x51d: {  	v5 =	vld [tilespmem:s1+$0x19180]  }
0x51e: {  	v6 =	vld [tilespmem:s1+$0x1BA12]  }
0x51f: {  	v7 =	vld [tilespmem:s1+$0x1A591]  }
0x520: {  	v8 =	vld [tilespmem:s1+$0x19190]  }
0x521: {  	v9 =	vld [tilespmem:s1+$0x1A5A1];
	v3 =	vmul.f32 v4, v3  }
0x522: {  	v4 =	vld [tilespmem:s1+$0x191A0]  }
0x523: {  	v10 =	vld [tilespmem:s1+$0x1A5B1];
	v3 =	vmul.f32 v6, v3  }
0x524: {  	v5 =	vmul.f32 v7, v5;
	v6 =	vld [tilespmem:s1+$0x191B0]  }
0x525: {  	[tilespmem:s1+$0x1E270] =	vst.add.f32.msk $0xffff, v3  }
0x526: {  	v3 =	vmul.f32 v9, v8;
	v7 =	vld [tilespmem:s1+$0x1A5C1]  }
0x527: {  	v8 =	vld [tilespmem:s1+$0x191C0]  }
0x528: {  	v4 =	vmul.f32 v10, v4;
	v9 =	vld [tilespmem:s1+$0x1A5D1]  }
0x529: {  	v10 =	vld [tilespmem:s1+$0x191D0]  }
0x52a: {  	v11 =	vld [tilespmem:s1+$0x1A5E1]  }
0x52b: {  	v6 =	vmul.f32 v7, v6;
	v7 =	vld [tilespmem:s1+$0x191E0]  }
0x52c: {  	v12 =	vld [tilespmem:s1+$0x1A5F1]  }
0x52d: {  	v13 =	vld [tilespmem:s1+$0x1B9A2];
	v8 =	vmul.f32 v9, v8  }
0x52e: {  	v9 =	vld [tilespmem:s1+$0x1B9B2]  }
0x52f: {  	v14 =	vld [tilespmem:s1+$0x1B9C2];
	v10 =	vmul.f32 v11, v10  }
0x530: {  	v11 =	vld [tilespmem:s1+$0x1B9D2]  }
0x531: {  	v15 =	vld [tilespmem:s1+$0x1B9E2];
	v7 =	vmul.f32 v12, v7  }
0x532: {  	v5 =	vmul.f32 v13, v5;
	v12 =	vld [tilespmem:s1+$0x1B9F2]  }
0x533: {  	v3 =	vmul.f32 v9, v3;
	v9 =	vld [tilespmem:s1+$0x1BA02]  }
0x534: {  	[tilespmem:s1+$0x1E200] =	vst.add.f32.msk $0xffff, v5;
	v4 =	vmul.f32 v14, v4  }
.Ltmp26:
0x535: {  	[tilespmem:s1+$0x1E210] =	vst.add.f32.msk $0xffff, v3;
	v3 =	vmul.f32 v11, v6;
	(pc) =	sbr.rel @p3 .LBB2_40-.Ltmp26, $4  }
0x536: {  	[tilespmem:s1+$0x1E220] =	vst.add.f32.msk $0xffff, v4;
	v4 =	vmul.f32 v15, v8  }
0x537: {  	[tilespmem:s1+$0x1E230] =	vst.add.f32.msk $0xffff, v3;
	v5 =	vmul.f32 v12, v10  }
0x538: {  	[tilespmem:s1+$0x1E240] =	vst.add.f32.msk $0xffff, v4;
	v3 =	vmul.f32 v9, v7  }
0x539: {  	s5 =	sadd.s32 $0x200, s5;
	[tilespmem:s1+$0x1E250] =	vst.add.f32.msk $0xffff, v5  }
0x53a: {  	[tilespmem:s1+$0x1E260] =	vst.add.f32.msk $0xffff, v3  }
.LBB2_42:
.Ltmp27:
0x53b: {  	(pc) =	sbr.rel @p2 .LBB2_46-.Ltmp27, $1  }
0x53c: {  	_ =	sdelay $0x3  }
0x53d: {  	s1 =	simm.s32 $0x0  }
0x53e: {  	v3 =	vld [tilespmem:s1+$0x1A600]  }
0x53f: {  	v4 =	vld [tilespmem:s1+$0x1BA11]  }
0x540: {  	v5 =	vld [tilespmem:s1+$0x1A590]  }
0x541: {  	v6 =	vld [tilespmem:s1+$0x1CE22]  }
0x542: {  	v7 =	vld [tilespmem:s1+$0x1B9A1]  }
0x543: {  	v8 =	vld [tilespmem:s1+$0x1A5A0]  }
0x544: {  	v9 =	vld [tilespmem:s1+$0x1B9B1]  }
0x545: {  	v10 =	vld [tilespmem:s1+$0x1B9C1]  }
0x546: {  	v56 =	vld [tilespmem:s1+$0x1A5C0]  }
0x547: {  	v11 =	vld [tilespmem:s1+$0x1A5D0]  }
0x548: {  	v12 =	vld [tilespmem:s1+$0x1B9E1]  }
0x549: {  	v13 =	vld [tilespmem:s1+$0x1A5E0]  }
0x54a: {  	v14 =	vld [tilespmem:s1+$0x1B9F1]  }
0x54b: {  	v15 =	vld [tilespmem:s1+$0x1A5F0]  }
0x54c: {  	v16 =	vld [tilespmem:s1+$0x1CDB2]  }
0x54d: {  	v17 =	vld [tilespmem:s1+$0x1BA01]  }
0x54e: {  	v18 =	vld [tilespmem:s1+$0x1CDC2];
	v3 =	vmul.f32 v4, v3  }
0x54f: {  	v57 =	vld [tilespmem:s1+$0x1CDD2]  }
0x550: {  	v4 =	vld [tilespmem:s1+$0x1A5B0];
	v3 =	vmul.f32 v6, v3  }
0x551: {  	v58 =	vld [tilespmem:s1+$0x1CDF2]  }
0x552: {  	[tilespmem:s1+$0x1E270] =	vst.add.f32.msk $0xffff, v3  }
0x553: {  	v5 =	vmul.f32 v7, v5;
	v3 =	vld [tilespmem:s1+$0x1B9D1]  }
0x554: {  	v59 =	vld [tilespmem:s1+$0x1CE02]  }
0x555: {  	v19 =	vld [tilespmem:s1+$0x1CDE2];
	v5 =	vmul.f32 v16, v5;
	v4 =	vmul.f32 v10, v4  }
0x556: {  	v61 =	vld [tilespmem:s1+$0x1CE12];
	v8 =	vmul.f32 v9, v8;
	v62 =	vmul.f32 v14, v13  }
0x557: {  	[tilespmem:s1+$0x1E200] =	vst.add.f32.msk $0xffff, v5;
	v5 =	vmul.f32 v12, v11;
	v4 =	vmul.f32 v57, v4  }
0x558: {  	v60 =	vmul.f32 v18, v8;
	v3 =	vmul.f32 v3, v56  }
0x559: {  	v63 =	vmul.f32 v59, v62;
	[tilespmem:s1+$0x1E220] =	vst.add.f32.msk $0xffff, v4;
	v4 =	vmul.f32 v58, v5  }
0x55a: {  	[tilespmem:s1+$0x1E210] =	vst.add.f32.msk $0xffff, v60;
	v5 =	vmul.f32 v17, v15;
	v3 =	vmul.f32 v19, v3  }
0x55b: {  	[tilespmem:s1+$0x1E250] =	vst.add.f32.msk $0xffff, v63  }
0x55c: {  	[tilespmem:s1+$0x1E230] =	vst.add.f32.msk $0xffff, v3;
	v3 =	vmul.f32 v61, v5  }
0x55d: {  	s4 =	simm.s32 $0x0;
	s5 =	simm.s32 $0x200;
	[tilespmem:s1+$0x1E240] =	vst.add.f32.msk $0xffff, v4  }
.LBB2_44:
0x55e: {  	[tilespmem:s1+$0x1E260] =	vst.add.f32.msk $0xffff, v3;
	s1 =	sshra.s32 s5, $0x2  }
0x55f: {  	s4 =	sadd.s32 $0x8, s4;
	v3 =	vld [tilespmem:s1+$0x1A600]  }
0x560: {  	p2 =	slt.u32 s4, $0x138;
	v4 =	vld [tilespmem:s1+$0x1BA11]  }
0x561: {  	v5 =	vld [tilespmem:s1+$0x1A590]  }
0x562: {  	v6 =	vld [tilespmem:s1+$0x1CE22]  }
0x563: {  	v7 =	vld [tilespmem:s1+$0x1B9A1]  }
0x564: {  	v8 =	vld [tilespmem:s1+$0x1A5A0]  }
0x565: {  	v9 =	vld [tilespmem:s1+$0x1B9B1];
	v3 =	vmul.f32 v4, v3  }
0x566: {  	v4 =	vld [tilespmem:s1+$0x1A5B0]  }
0x567: {  	v10 =	vld [tilespmem:s1+$0x1B9C1];
	v3 =	vmul.f32 v6, v3  }
0x568: {  	v5 =	vmul.f32 v7, v5;
	v6 =	vld [tilespmem:s1+$0x1A5C0]  }
0x569: {  	[tilespmem:s1+$0x1E270] =	vst.add.f32.msk $0xffff, v3  }
0x56a: {  	v3 =	vmul.f32 v9, v8;
	v7 =	vld [tilespmem:s1+$0x1B9D1]  }
0x56b: {  	v8 =	vld [tilespmem:s1+$0x1A5D0]  }
0x56c: {  	v4 =	vmul.f32 v10, v4;
	v9 =	vld [tilespmem:s1+$0x1B9E1]  }
0x56d: {  	v10 =	vld [tilespmem:s1+$0x1A5E0]  }
0x56e: {  	v11 =	vld [tilespmem:s1+$0x1B9F1]  }
0x56f: {  	v6 =	vmul.f32 v7, v6;
	v7 =	vld [tilespmem:s1+$0x1A5F0]  }
0x570: {  	v12 =	vld [tilespmem:s1+$0x1BA01]  }
0x571: {  	v13 =	vld [tilespmem:s1+$0x1CDB2];
	v8 =	vmul.f32 v9, v8  }
0x572: {  	v9 =	vld [tilespmem:s1+$0x1CDC2]  }
0x573: {  	v14 =	vld [tilespmem:s1+$0x1CDD2];
	v10 =	vmul.f32 v11, v10  }
0x574: {  	v11 =	vld [tilespmem:s1+$0x1CDE2]  }
0x575: {  	v15 =	vld [tilespmem:s1+$0x1CDF2];
	v7 =	vmul.f32 v12, v7  }
0x576: {  	v5 =	vmul.f32 v13, v5;
	v12 =	vld [tilespmem:s1+$0x1CE02]  }
0x577: {  	v3 =	vmul.f32 v9, v3;
	v9 =	vld [tilespmem:s1+$0x1CE12]  }
0x578: {  	[tilespmem:s1+$0x1E200] =	vst.add.f32.msk $0xffff, v5;
	v4 =	vmul.f32 v14, v4  }
.Ltmp28:
0x579: {  	[tilespmem:s1+$0x1E210] =	vst.add.f32.msk $0xffff, v3;
	v3 =	vmul.f32 v11, v6;
	(pc) =	sbr.rel @p2 .LBB2_44-.Ltmp28, $4  }
0x57a: {  	[tilespmem:s1+$0x1E220] =	vst.add.f32.msk $0xffff, v4;
	v4 =	vmul.f32 v15, v8  }
0x57b: {  	[tilespmem:s1+$0x1E230] =	vst.add.f32.msk $0xffff, v3;
	v5 =	vmul.f32 v12, v10  }
0x57c: {  	[tilespmem:s1+$0x1E240] =	vst.add.f32.msk $0xffff, v4;
	v3 =	vmul.f32 v9, v7  }
0x57d: {  	s5 =	sadd.s32 $0x200, s5;
	[tilespmem:s1+$0x1E250] =	vst.add.f32.msk $0xffff, v5  }
0x57e: {  	[tilespmem:s1+$0x1E260] =	vst.add.f32.msk $0xffff, v3  }
.LBB2_46:
.Ltmp29:
0x57f: {  	(pc) =	sbr.rel @p1 .LBB2_50-.Ltmp29, $1  }
0x580: {  	_ =	sdelay $0x3  }
.Ltmp30:
0x581: {  	(pc) =	sbr.rel @!p0 .LBB2_48-.Ltmp30, $1  }
0x582: {  	_ =	sdelay $0x3  }
0x583: {  	v3 =	vld.msk [tilespmem:s25+$0x18], $0xff;
	_ =	sdelay $0x4  }
0x584: {  	v4 =	vshrl.u32 v3, $0x3  }
0x585: {  	v4 =	vmul.u32 $0x278, v4  }
0x586: {  	v3 =	vand.u32 $0x7, v3  }
0x587: {  	v3 =	vor.u32 v3, v4  }
0x588: {  	v3 =	vperm.xlane v3, v1;
	_ =	sdelay $0x1  }
0x589: {  	v3 =	vadd.s32 v2, v3;
	_ =	sdelay $0x3  }
0x58a: {  	s0 =	simm.s32 $0xF180  }
0x58b: {  	[tilespmem:s0], [sflag:$0x2] =	stream.indirect_vreg.gather [hbm4b:s7+s2], $0x80, v3, vm0, $0xb8;
	[tilespmem:$0x1F600] =	vst v63  }
0x58c: {  	s1 =	sadd.s32 $0x100, s7;
	s26 =	simm.s32 $0xF980  }
0x58d: {  	[tilespmem:s26], [sflag:$0x2] =	stream.indirect_vreg.gather [hbm4b:s1+s2], $0x80, v3, vm0, $0xb8;
	[tilespmem:$0x1F600] =	vst v63  }
0x58e: {  	s4 =	sadd.s32 $0x200, s7;
	s5 =	simm.s32 $0x10180  }
0x58f: {  	[tilespmem:s5], [sflag:$0x2] =	stream.indirect_vreg.gather [hbm4b:s4+s2], $0x80, v3, vm0, $0xb8;
	[tilespmem:$0x1F600] =	vst v63  }
0x590: {  	s8 =	sadd.s32 $0x300, s7;
	s26 =	simm.s32 $0x10980  }
0x591: {  	[tilespmem:s26], [sflag:$0x2] =	stream.indirect_vreg.gather [hbm4b:s8+s2], $0x80, v3, vm0, $0xb8;
	[tilespmem:$0x1F600] =	vst v63  }
0x592: {  	s4 =	sadd.s32 $0x400, s7;
	s5 =	simm.s32 $0x11180  }
0x593: {  	[tilespmem:s5], [sflag:$0x2] =	stream.indirect_vreg.gather [hbm4b:s4+s2], $0x80, v3, vm0, $0xb8;
	[tilespmem:$0x1F600] =	vst v63  }
0x594: {  	s8 =	sadd.s32 $0x500, s7;
	s26 =	simm.s32 $0x11980  }
0x595: {  	[tilespmem:s26], [sflag:$0x2] =	stream.indirect_vreg.gather [hbm4b:s8+s2], $0x80, v3, vm0, $0xb8;
	[tilespmem:$0x1F600] =	vst v63  }
0x596: {  	s4 =	sadd.s32 $0x600, s7;
	s5 =	simm.s32 $0x12180  }
0x597: {  	[tilespmem:s5], [sflag:$0x2] =	stream.indirect_vreg.gather [hbm4b:s4+s2], $0x80, v3, vm0, $0xb8;
	[tilespmem:$0x1F600] =	vst v63  }
0x598: {  	s8 =	sadd.s32 $0x700, s7;
	s26 =	simm.s32 $0x12980  }
0x599: {  	[tilespmem:s26], [sflag:$0x2] =	stream.indirect_vreg.gather [hbm4b:s8+s2], $0x80, v3, vm0, $0xb8;
	[tilespmem:$0x1F600] =	vst v63  }
0x59a: {  	s4 =	sadd.s32 $0x800, s7;
	s5 =	simm.s32 $0x13180  }
0x59b: {  	[tilespmem:s5], [sflag:$0x2] =	stream.indirect_vreg.gather [hbm4b:s4+s2], $0x80, v3, vm0, $0xb8;
	[tilespmem:$0x1F600] =	vst v63  }
0x59c: {  	s8 =	sadd.s32 $0x900, s7;
	s26 =	simm.s32 $0x13980  }
0x59d: {  	[tilespmem:s26], [sflag:$0x2] =	stream.indirect_vreg.gather [hbm4b:s8+s2], $0x80, v3, vm0, $0xb8;
	[tilespmem:$0x1F600] =	vst v63  }
0x59e: {  	s4 =	sadd.s32 $0xA00, s7;
	s5 =	simm.s32 $0x14180  }
0x59f: {  	[tilespmem:s5], [sflag:$0x2] =	stream.indirect_vreg.gather [hbm4b:s4+s2], $0x80, v3, vm0, $0xb8;
	[tilespmem:$0x1F600] =	vst v63  }
0x5a0: {  	s8 =	sadd.s32 $0xB00, s7;
	s26 =	simm.s32 $0x14980  }
0x5a1: {  	[tilespmem:s26], [sflag:$0x2] =	stream.indirect_vreg.gather [hbm4b:s8+s2], $0x80, v3, vm0, $0xb8;
	[tilespmem:$0x1F600] =	vst v63  }
0x5a2: {  	s4 =	sadd.s32 $0xC00, s7;
	s5 =	simm.s32 $0x15180  }
0x5a3: {  	[tilespmem:s5], [sflag:$0x2] =	stream.indirect_vreg.gather [hbm4b:s4+s2], $0x80, v3, vm0, $0xb8;
	[tilespmem:$0x1F600] =	vst v63  }
0x5a4: {  	s8 =	sadd.s32 $0xD00, s7;
	s26 =	simm.s32 $0x15980  }
0x5a5: {  	[tilespmem:s26], [sflag:$0x2] =	stream.indirect_vreg.gather [hbm4b:s8+s2], $0x80, v3, vm0, $0xb8;
	[tilespmem:$0x1F600] =	vst v63  }
0x5a6: {  	s4 =	sadd.s32 $0xE00, s7;
	s5 =	simm.s32 $0x16180  }
0x5a7: {  	[tilespmem:s5], [sflag:$0x2] =	stream.indirect_vreg.gather [hbm4b:s4+s2], $0x80, v3, vm0, $0xb8;
	[tilespmem:$0x1F600] =	vst v63  }
0x5a8: {  	s8 =	sadd.s32 $0xF00, s7;
	s26 =	simm.s32 $0x16980  }
0x5a9: {  	[tilespmem:s26], [sflag:$0x2] =	stream.indirect_vreg.gather [hbm4b:s8+s2], $0x80, v3, vm0, $0xb8;
	[tilespmem:$0x1F600] =	vst v63  }
0x5aa: {  	s4 =	sadd.s32 $0x1000, s7;
	s5 =	simm.s32 $0x17180  }
0x5ab: {  	[tilespmem:s5], [sflag:$0x2] =	stream.indirect_vreg.gather [hbm4b:s4+s2], $0x80, v3, vm0, $0xb8;
	[tilespmem:$0x1F600] =	vst v63  }
0x5ac: {  	s8 =	sadd.s32 $0x1100, s7;
	s26 =	simm.s32 $0x17980  }
0x5ad: {  	[tilespmem:s26], [sflag:$0x2] =	stream.indirect_vreg.gather [hbm4b:s8+s2], $0x80, v3, vm0, $0xb8;
	[tilespmem:$0x1F600] =	vst v63  }
0x5ae: {  	s0 =	sadd.s32 $0x1200, s7;
	s4 =	simm.s32 $0x18180  }
0x5af: {  	[tilespmem:s4], [sflag:$0x2] =	stream.indirect_vreg.gather [hbm4b:s0+s2], $0x80, v3, vm0, $0xb8;
	[tilespmem:$0x1F600] =	vst v63  }
.Ltmp31:
0x5b0: {  	_ = 	snop;
	(pc) =	sbr.rel .LBB2_7-.Ltmp31, $4  }
0x5b1: {  	s5 =	sadd.s32 $0x1300, s7;
	s8 =	simm.s32 $0x18980  }
0x5b2: {  	[tilespmem:s8], [sflag:$0x2] =	stream.indirect_vreg.gather [hbm4b:s5+s2], $0x80, v3, vm1, $0xb8;
	[tilespmem:$0x1F600] =	vst v63  }
0x5b3: {  	s25 =	sadd.s32 $0x18, s25;
	s24 =	sadd.s32 $0x1, s24;
	s26 =	simm.s32 $0x18D80  }
0x5b4: {  	[tilespmem:s26], [sflag:$0x2] =	stream.indirect.gather [hbm4b:s10+s11], $0x80, s25, s11, $0xb8;
	[tilespmem:$0x1F600] =	vst v63  }
.LBB2_51:
0x5b5: {  	_ =	sfence.sel $0x180000  }
0x5b6: {  	[bflag:$0x0] =	sbarrier.arrive $0xFFFF  }
0x5b7: {  	_ =	strace $0x90000047  }
0x5b8: {  	s0 =	stileid.u32;
	[bflag:$0x2] =	sbarrier.arrive $0xFFFF  }
0x5b9: {  	p0 =	sne.s32 s0, $0x0;
	s0 =	rddreg [dreg:$0x2]  }
0x5ba: {  	s0 =	sadd.s32 @!p0 $0x100000, s0  }
0x5bb: {  	[sflag:s0] =	ssyncadd.tile.s32 @!p0 $0x1;
	_ =	shalt  }
.Lfunc_end2:
_tile_overlayer_lowered:
.L_overlay_start_2:
0x5bc: {  	(tag) =	ssettag $0x2  }
0x5bd: {  	s0 =	rddreg [dreg:$0x0];
	s2 =	stileid.u32  }
0x5be: {  	s1 =	rddreg [dreg:$0x1];
	p0 =	sne.s32 s2, $0x0  }
0x5bf: {  	s3 =	rddreg [dreg:$0x2];
	[bflag:$0x3] =	sbarrier.arrive $0xFFFF;
	s2 =	simm.s32 @!p0 $0x1C03  }
0x5c0: {  	[timem:s3], [sflag:s2] =	dma.local @!p0 [hbm:s0], s1  }
0x5c1: {  	s0 =	simm.s32 @!p0 $0x3  }
0x5c2: {  	_ =	swait.ge @!p0 [sflag:s0], s1  }
0x5c3: {  	s1 =	ssub.s32 @!p0 $0x0, s1;
	[sflag:s0] =	ssyncset.done @!p0 $0x0  }
0x5c4: {  	[sflag:s0] =	ssyncadd.s32 @!p0 s1  }
0x5c5: {  	[bflag:$0x3] =	sbarrier.arrive $0xFFFF  }
0x5c6: {  	_ =	shalt  }

</sc_bundles>
